<compile_context>
chip_gen: v7x
topology: tpu7x:2x2x1
jax: 0.10.2.dev20260603
libtpu: 0.0.44.dev20260713+nightly
codegen_flags: <defaults>
</compile_context>

<pallas_src>
import functools

import jax
import jax.numpy as jnp
from jax import lax
from jax.experimental import pallas as pl
from jax.experimental.pallas import tpu as pltpu
from jax.experimental.pallas import tpu_sc as plsc

LAT = 16
BATCH = 16384
NC = 2
NS = 16
NW = NC * NS
PER_W = BATCH // NW
GRP = 8
NGRP = PER_W // GRP


def _gmf_body(uidx_hbm, iidx_hbm, utab_hbm, itab_hbm, wb_hbm, out_hbm,
              uidx_v, iidx_v, win_v, wb_v, out_v, sem0, sem1):
    c = lax.axis_index("c")
    s = lax.axis_index("s")
    wid = s * NC + c

    pltpu.sync_copy(uidx_hbm.at[wid], uidx_v.at[pl.ds(0, PER_W)])
    pltpu.sync_copy(iidx_hbm.at[wid], iidx_v.at[pl.ds(0, PER_W)])
    pltpu.sync_copy(wb_hbm, wb_v)

    sems = [sem0, sem1]

    def fire(g, buf):
        base = g * GRP
        uwv = (uidx_v[pl.ds(base, LAT)] >> 7) * 128
        iwv = (iidx_v[pl.ds(base, LAT)] >> 7) * 128
        for e in range(GRP):
            us = pl.multiple_of(uwv[e], 128)
            is_ = pl.multiple_of(iwv[e], 128)
            pltpu.async_copy(
                utab_hbm.at[:, pl.ds(us, 128)], win_v.at[buf, e], sems[buf])
            pltpu.async_copy(
                itab_hbm.at[:, pl.ds(is_, 128)], win_v.at[buf, GRP + e],
                sems[buf])

    def drain(buf):
        pltpu.make_async_copy(
            utab_hbm.at[:, pl.ds(0, 2 * GRP * 128)],
            win_v.at[buf].reshape(LAT, 2 * GRP * 128), sems[buf]).wait()

    lane = lax.iota(jnp.int32, LAT)
    elane = lane % GRP
    dvecs = [(lane // GRP) * 8 + dd for dd in range(GRP)]
    zeros = lane * 0
    lowm = lane < GRP
    highm = lane >= GRP
    wvs = [plsc.load_gather(wb_v, [dvecs[dd], zeros]) for dd in range(GRP)]
    bvec = wb_v[LAT, :]

    def compute(g, sbuf):
        buf = zeros + sbuf
        base = g * GRP
        epos = base + elane
        ucol = plsc.load_gather(uidx_v, [epos]) & 127
        icol = plsc.load_gather(iidx_v, [epos]) & 127
        acc = lax.full((LAT,), 0.0, jnp.float32)
        for dd in range(GRP):
            u = plsc.load_gather(win_v, [buf, elane, dvecs[dd], ucol])
            it = plsc.load_gather(
                win_v, [buf, elane + GRP, dvecs[dd], icol])
            acc = acc + u * it * wvs[dd]
        plsc.store_scatter(out_v, [epos], acc + bvec, mask=lowm)
        plsc.addupdate_scatter(out_v, [epos], acc, mask=highm)
        return ()

    fire(0, 0)

    def body(k, carry):
        g = k * 2
        fire(g + 1, 1)
        drain(0)
        compute(g, 0)
        fire(g + 2, 0)
        drain(1)
        compute(g + 1, 1)
        return carry

    lax.fori_loop(0, NGRP // 2 - 1, body, 0)
    g = NGRP - 2
    fire(g + 1, 1)
    drain(0)
    compute(g, 0)
    drain(1)
    compute(g + 1, 1)

    pltpu.sync_copy(out_v, out_hbm.at[pl.ds(wid * PER_W, PER_W)])


_gmf = functools.partial(
    pl.kernel,
    out_type=jax.ShapeDtypeStruct((BATCH,), jnp.float32),
    mesh=plsc.VectorSubcoreMesh(core_axis_name="c", subcore_axis_name="s"),
    scratch_types=[
        pltpu.VMEM((PER_W + 8,), jnp.int32),
        pltpu.VMEM((PER_W + 8,), jnp.int32),
        pltpu.VMEM((2, 2 * GRP, LAT, 128), jnp.float32),
        pltpu.VMEM((LAT + 1, LAT), jnp.float32),
        pltpu.VMEM((PER_W,), jnp.float32),
        pltpu.SemaphoreType.DMA,
        pltpu.SemaphoreType.DMA,
    ],
    compiler_params=pltpu.CompilerParams(
        needs_layout_passes=False, use_tc_tiling_on_sc=True),
)(_gmf_body)


@jax.jit
def kernel(user_indices, item_indices, user_table, item_table, W, b):
    uidx = user_indices.astype(jnp.int32).reshape(NW, PER_W)
    iidx = item_indices.astype(jnp.int32).reshape(NW, PER_W)
    wb = jnp.concatenate([W.reshape(LAT), b.reshape(1)])
    wb = jnp.broadcast_to(wb[:, None], (LAT + 1, LAT))
    out = _gmf(uidx, iidx, user_table.T, item_table.T, wb)
    return out.reshape(BATCH, 1)

# --- scband reference (transcript-rebuilt; emitter-appended) ---
"""Pipeline reference for scband-gmf-5600637354830 (READ-ONLY COPY).

The authoritative reference and input builder live on the scoring server;
editing this copy changes nothing except your own understanding.
"""

import jax, jax.numpy as jnp
import numpy as np

NUM_USERS = 1000000
NUM_ITEMS = 1000000
LATENT_DIM = 16
BATCH = 16384

def setup_inputs(seed: int = 0) -> dict:
    key = jax.random.key(seed)
    k1, k2, k3, k4, k5, k6 = jax.random.split(key, 6)
    user_indices = jax.random.randint(k1, (BATCH,), 0, NUM_USERS, dtype=jnp.int64 if jax.config.jax_enable_x64 else jnp.int32)
    item_indices = jax.random.randint(k2, (BATCH,), 0, NUM_ITEMS, dtype=jnp.int64 if jax.config.jax_enable_x64 else jnp.int32)
    user_table = jax.random.normal(k3, (NUM_USERS, LATENT_DIM), dtype=jnp.float32) * 0.01
    item_table = jax.random.normal(k4, (NUM_ITEMS, LATENT_DIM), dtype=jnp.float32) * 0.01
    W = jax.random.normal(k5, (LATENT_DIM, 1), dtype=jnp.float32) * (1.0 / np.sqrt(LATENT_DIM))
    b = jnp.zeros((1,), dtype=jnp.float32)
    return {"user_indices": user_indices, "item_indices": item_indices, "user_table": user_table, "item_table": item_table, "W": W, "b": b}

def reference(user_indices, item_indices, user_table, item_table, W, b):
    # GMF forward: embedding lookups -> elementwise product -> affine output
    user_embedding = jnp.take(user_table, user_indices, axis=0)   # [B, D]
    item_embedding = jnp.take(item_table, item_indices, axis=0)   # [B, D]
    element_product = user_embedding * item_embedding              # [B, D]
    logits = element_product @ W + b                               # [B, 1]
    return logits

if __name__ == "__main__":
    import jax
    _d = setup_inputs()
    print(jax.jit(kernel)(*tuple(_d.values())))

</pallas_src>

<mosaic_0001>
#map = affine_map<(d0, d1) -> (0, 0)>
#map1 = affine_map<(d0, d1) -> (0)>
module attributes {stable_mosaic.version = 14 : i64} {
  func.func @_gmf_body(%arg0: i32, %arg1: i32, %arg2: memref<32x512xi32, #tpu.memory_space<hbm>>, %arg3: memref<32x512xi32, #tpu.memory_space<hbm>>, %arg4: memref<16x1000000xf32, #tpu.memory_space<hbm>>, %arg5: memref<16x1000000xf32, #tpu.memory_space<hbm>>, %arg6: memref<17x16xf32, #tpu.memory_space<hbm>>, %arg7: memref<16384xf32, #tpu.memory_space<hbm>>, %arg8: memref<520xi32, #tpu.memory_space<vmem>>, %arg9: memref<520xi32, #tpu.memory_space<vmem>>, %arg10: memref<2x16x16x128xf32, #tpu.memory_space<vmem>>, %arg11: memref<17x16xf32, #tpu.memory_space<vmem>>, %arg12: memref<512xf32, #tpu.memory_space<vmem>>, %arg13: memref<!tpu.dma_semaphore, #tpu.memory_space<semaphore_mem>>, %arg14: memref<!tpu.dma_semaphore, #tpu.memory_space<semaphore_mem>>) attributes {dimension_semantics = [#tpu.dimension_semantics<core_parallel>, #tpu.dimension_semantics<subcore_parallel>], iteration_bounds = array<i64: 2, 16>, scalar_prefetch = 0 : i64, scratch_operands = 7 : i64, tpu.core_type = #tpu.core_type<sc_vector_subcore>, window_params = [{transform_indices = #map}, {transform_indices = #map}, {transform_indices = #map}, {transform_indices = #map}, {transform_indices = #map}, {transform_indices = #map1}]} {
    %mul3A = arith.constant 2 : i32
    %mul3A_0 = arith.muli %arg1, %mul3A : i32
    %add3A = arith.addi %mul3A_0, %arg0 : i32
    "tpu.region"() ({
      %run_scoped3A = tpu.sem_alloc : memref<!tpu.dma_semaphore, #tpu.memory_space<semaphore_mem>>
      %dma_start3A_1103 = arith.constant 0 : i32
      %dma_start3A_1104 = tpu.memref_slice %arg8[%dma_start3A_1103] : memref<520xi32, #tpu.memory_space<vmem>> -> memref<512xi32, #tpu.memory_space<vmem>>
      %dma_start3A_1105 = arith.constant 0 : i32
      %dma_start3A_1106 = tpu.memref_slice %arg2[%add3A, %dma_start3A_1105] : memref<32x512xi32, #tpu.memory_space<hbm>> -> memref<1x512xi32, #tpu.memory_space<hbm>>
      %dma_start3A_1107 = tpu.memref_squeeze %dma_start3A_1106 : memref<1x512xi32, #tpu.memory_space<hbm>> -> memref<512xi32, #tpu.memory_space<hbm>>
      %dma_start3A_1108 = arith.constant 0 : i32
      %dma_start3A_1109 = tpu.memref_slice %arg8[%dma_start3A_1108] : memref<520xi32, #tpu.memory_space<vmem>> -> memref<512xi32, #tpu.memory_space<vmem>>
      %dma_start3A_1110 = arith.constant 0 : i32
      %dma_start3A_1111 = tpu.memref_slice %arg2[%add3A, %dma_start3A_1110] : memref<32x512xi32, #tpu.memory_space<hbm>> -> memref<1x512xi32, #tpu.memory_space<hbm>>
      %dma_start3A_1112 = tpu.memref_squeeze %dma_start3A_1111 : memref<1x512xi32, #tpu.memory_space<hbm>> -> memref<512xi32, #tpu.memory_space<hbm>>
      tpu.enqueue_dma source(%dma_start3A_1112 : memref<512xi32, #tpu.memory_space<hbm>>) target(%dma_start3A_1109 : memref<512xi32, #tpu.memory_space<vmem>>) target_semaphore(%run_scoped3A : memref<!tpu.dma_semaphore, #tpu.memory_space<semaphore_mem>>)
      %dma_wait3A_1113 = arith.constant 0 : i32
      %dma_wait3A_1114 = tpu.memref_slice %arg8[%dma_wait3A_1113] : memref<520xi32, #tpu.memory_space<vmem>> -> memref<512xi32, #tpu.memory_space<vmem>>
      %dma_wait3A_1115 = arith.constant 0 : i32
      %dma_wait3A_1116 = tpu.memref_slice %arg2[%add3A, %dma_wait3A_1115] : memref<32x512xi32, #tpu.memory_space<hbm>> -> memref<1x512xi32, #tpu.memory_space<hbm>>
      %dma_wait3A_1117 = tpu.memref_squeeze %dma_wait3A_1116 : memref<1x512xi32, #tpu.memory_space<hbm>> -> memref<512xi32, #tpu.memory_space<hbm>>
      %dma_wait3A_1118 = arith.constant 0 : i32
      %dma_wait3A_1119 = tpu.memref_slice %arg8[%dma_wait3A_1118] : memref<520xi32, #tpu.memory_space<vmem>> -> memref<512xi32, #tpu.memory_space<vmem>>
      %dma_wait3A_1120 = arith.constant 0 : i32
      %dma_wait3A_1121 = tpu.memref_slice %arg2[%add3A, %dma_wait3A_1120] : memref<32x512xi32, #tpu.memory_space<hbm>> -> memref<1x512xi32, #tpu.memory_space<hbm>>
      %dma_wait3A_1122 = tpu.memref_squeeze %dma_wait3A_1121 : memref<1x512xi32, #tpu.memory_space<hbm>> -> memref<512xi32, #tpu.memory_space<hbm>>
      tpu.wait_dma2 semaphore(%run_scoped3A : memref<!tpu.dma_semaphore, #tpu.memory_space<semaphore_mem>>) src(%dma_wait3A_1122 : memref<512xi32, #tpu.memory_space<hbm>>) dst(%dma_wait3A_1119 : memref<512xi32, #tpu.memory_space<vmem>>)
      tpu.yield
    }) : () -> ()
    "tpu.region"() ({
      %run_scoped3A = tpu.sem_alloc : memref<!tpu.dma_semaphore, #tpu.memory_space<semaphore_mem>>
      %dma_start3A_1103 = arith.constant 0 : i32
      %dma_start3A_1104 = tpu.memref_slice %arg9[%dma_start3A_1103] : memref<520xi32, #tpu.memory_space<vmem>> -> memref<512xi32, #tpu.memory_space<vmem>>
      %dma_start3A_1105 = arith.constant 0 : i32
      %dma_start3A_1106 = tpu.memref_slice %arg3[%add3A, %dma_start3A_1105] : memref<32x512xi32, #tpu.memory_space<hbm>> -> memref<1x512xi32, #tpu.memory_space<hbm>>
      %dma_start3A_1107 = tpu.memref_squeeze %dma_start3A_1106 : memref<1x512xi32, #tpu.memory_space<hbm>> -> memref<512xi32, #tpu.memory_space<hbm>>
      %dma_start3A_1108 = arith.constant 0 : i32
      %dma_start3A_1109 = tpu.memref_slice %arg9[%dma_start3A_1108] : memref<520xi32, #tpu.memory_space<vmem>> -> memref<512xi32, #tpu.memory_space<vmem>>
      %dma_start3A_1110 = arith.constant 0 : i32
      %dma_start3A_1111 = tpu.memref_slice %arg3[%add3A, %dma_start3A_1110] : memref<32x512xi32, #tpu.memory_space<hbm>> -> memref<1x512xi32, #tpu.memory_space<hbm>>
      %dma_start3A_1112 = tpu.memref_squeeze %dma_start3A_1111 : memref<1x512xi32, #tpu.memory_space<hbm>> -> memref<512xi32, #tpu.memory_space<hbm>>
      tpu.enqueue_dma source(%dma_start3A_1112 : memref<512xi32, #tpu.memory_space<hbm>>) target(%dma_start3A_1109 : memref<512xi32, #tpu.memory_space<vmem>>) target_semaphore(%run_scoped3A : memref<!tpu.dma_semaphore, #tpu.memory_space<semaphore_mem>>)
      %dma_wait3A_1113 = arith.constant 0 : i32
      %dma_wait3A_1114 = tpu.memref_slice %arg9[%dma_wait3A_1113] : memref<520xi32, #tpu.memory_space<vmem>> -> memref<512xi32, #tpu.memory_space<vmem>>
      %dma_wait3A_1115 = arith.constant 0 : i32
      %dma_wait3A_1116 = tpu.memref_slice %arg3[%add3A, %dma_wait3A_1115] : memref<32x512xi32, #tpu.memory_space<hbm>> -> memref<1x512xi32, #tpu.memory_space<hbm>>
      %dma_wait3A_1117 = tpu.memref_squeeze %dma_wait3A_1116 : memref<1x512xi32, #tpu.memory_space<hbm>> -> memref<512xi32, #tpu.memory_space<hbm>>
      %dma_wait3A_1118 = arith.constant 0 : i32
      %dma_wait3A_1119 = tpu.memref_slice %arg9[%dma_wait3A_1118] : memref<520xi32, #tpu.memory_space<vmem>> -> memref<512xi32, #tpu.memory_space<vmem>>
      %dma_wait3A_1120 = arith.constant 0 : i32
      %dma_wait3A_1121 = tpu.memref_slice %arg3[%add3A, %dma_wait3A_1120] : memref<32x512xi32, #tpu.memory_space<hbm>> -> memref<1x512xi32, #tpu.memory_space<hbm>>
      %dma_wait3A_1122 = tpu.memref_squeeze %dma_wait3A_1121 : memref<1x512xi32, #tpu.memory_space<hbm>> -> memref<512xi32, #tpu.memory_space<hbm>>
      tpu.wait_dma2 semaphore(%run_scoped3A : memref<!tpu.dma_semaphore, #tpu.memory_space<semaphore_mem>>) src(%dma_wait3A_1122 : memref<512xi32, #tpu.memory_space<hbm>>) dst(%dma_wait3A_1119 : memref<512xi32, #tpu.memory_space<vmem>>)
      tpu.yield
    }) : () -> ()
    "tpu.region"() ({
      %run_scoped3A = tpu.sem_alloc : memref<!tpu.dma_semaphore, #tpu.memory_space<semaphore_mem>>
      tpu.enqueue_dma source(%arg6 : memref<17x16xf32, #tpu.memory_space<hbm>>) target(%arg11 : memref<17x16xf32, #tpu.memory_space<vmem>>) target_semaphore(%run_scoped3A : memref<!tpu.dma_semaphore, #tpu.memory_space<semaphore_mem>>)
      tpu.wait_dma2 semaphore(%run_scoped3A : memref<!tpu.dma_semaphore, #tpu.memory_space<semaphore_mem>>) src(%arg6 : memref<17x16xf32, #tpu.memory_space<hbm>>) dst(%arg11 : memref<17x16xf32, #tpu.memory_space<vmem>>)
      tpu.yield
    }) : () -> ()
    %iota3A = tpu.iota {dimensions = array<i32: 0>} : vector<16xi32>
    %jit3A = arith.constant 8 : i32
    %eq3A = arith.constant 0 : i32
    %eq3A_1 = arith.cmpi eq, %jit3A, %eq3A : i32
    %jit3A_2 = arith.constant 1 : i32
    %select_n3A = arith.select %eq3A_1, %jit3A_2, %jit3A : i32
    %rem3A = vector.broadcast %select_n3A : i32 to vector<16xi32>
    %rem3A_3 = arith.remsi %iota3A, %rem3A : vector<16xi32>
    %ne3A = arith.constant 0 : i32
    %ne3A_4 = vector.broadcast %ne3A : i32 to vector<16xi32>
    %ne3A_5 = arith.cmpi ne, %rem3A_3, %ne3A_4 : vector<16xi32>
    %lt3A = arith.constant 0 : i32
    %lt3A_6 = vector.broadcast %lt3A : i32 to vector<16xi32>
    %lt3A_7 = arith.cmpi slt, %rem3A_3, %lt3A_6 : vector<16xi32>
    %lt3A_8 = arith.constant 0 : i32
    %lt3A_9 = arith.cmpi slt, %select_n3A, %lt3A_8 : i32
    %ne3A_10 = vector.broadcast %lt3A_9 : i1 to vector<16xi1>
    %ne3A_11 = vector.broadcast %ne3A_10 : vector<16xi1> to vector<16xi1>
    %ne3A_12 = arith.xori %lt3A_7, %ne3A_11 : vector<16xi1>
    %and3A = arith.andi %ne3A_12, %ne3A_5 : vector<16xi1>
    %add3A_13 = vector.broadcast %select_n3A : i32 to vector<16xi32>
    %add3A_14 = arith.addi %rem3A_3, %add3A_13 : vector<16xi32>
    %select_n3A_15 = arith.select %and3A, %add3A_14, %rem3A_3 : vector<16xi1>, vector<16xi32>
    %jit3A_16 = arith.constant 8 : i32
    %div3A = vector.broadcast %jit3A_16 : i32 to vector<16xi32>
    %div3A_17 = arith.divsi %iota3A, %div3A : vector<16xi32>
    %sign3A = arith.constant 0 : i32
    %sign3A_18 = vector.broadcast %sign3A : i32 to vector<16xi32>
    %sign3A_19 = arith.cmpi sgt, %iota3A, %sign3A_18 : vector<16xi32>
    %sign3A_20 = arith.extui %sign3A_19 : vector<16xi1> to vector<16xi32>
    %sign3A_21 = arith.constant 0 : i32
    %sign3A_22 = vector.broadcast %sign3A_21 : i32 to vector<16xi32>
    %sign3A_23 = arith.cmpi slt, %iota3A, %sign3A_22 : vector<16xi32>
    %sign3A_24 = arith.extui %sign3A_23 : vector<16xi1> to vector<16xi32>
    %sign3A_25 = arith.subi %sign3A_20, %sign3A_24 : vector<16xi32>
    %sign3A_26 = arith.constant 0 : i32
    %sign3A_27 = arith.cmpi sgt, %jit3A_16, %sign3A_26 : i32
    %sign3A_28 = arith.extui %sign3A_27 : i1 to i32
    %sign3A_29 = arith.constant 0 : i32
    %sign3A_30 = arith.cmpi slt, %jit3A_16, %sign3A_29 : i32
    %sign3A_31 = arith.extui %sign3A_30 : i1 to i32
    %sign3A_32 = arith.subi %sign3A_28, %sign3A_31 : i32
    %ne3A_33 = vector.broadcast %sign3A_32 : i32 to vector<16xi32>
    %ne3A_34 = arith.cmpi ne, %sign3A_25, %ne3A_33 : vector<16xi32>
    %rem3A_35 = vector.broadcast %jit3A_16 : i32 to vector<16xi32>
    %rem3A_36 = arith.remsi %iota3A, %rem3A_35 : vector<16xi32>
    %ne3A_37 = arith.constant 0 : i32
    %ne3A_38 = vector.broadcast %ne3A_37 : i32 to vector<16xi32>
    %ne3A_39 = arith.cmpi ne, %rem3A_36, %ne3A_38 : vector<16xi32>
    %and3A_40 = arith.andi %ne3A_34, %ne3A_39 : vector<16xi1>
    %sub3A = arith.constant 1 : i32
    %sub3A_41 = vector.broadcast %sub3A : i32 to vector<16xi32>
    %sub3A_42 = arith.subi %div3A_17, %sub3A_41 : vector<16xi32>
    %select_n3A_43 = arith.select %and3A_40, %sub3A_42, %div3A_17 : vector<16xi1>, vector<16xi32>
    %mul3A_44 = arith.constant 8 : i32
    %mul3A_45 = vector.broadcast %mul3A_44 : i32 to vector<16xi32>
    %mul3A_46 = arith.muli %select_n3A_43, %mul3A_45 : vector<16xi32>
    %add3A_47 = arith.constant 0 : i32
    %add3A_48 = vector.broadcast %add3A_47 : i32 to vector<16xi32>
    %add3A_49 = arith.addi %mul3A_46, %add3A_48 : vector<16xi32>
    %jit3A_50 = arith.constant 8 : i32
    %div3A_51 = vector.broadcast %jit3A_50 : i32 to vector<16xi32>
    %div3A_52 = arith.divsi %iota3A, %div3A_51 : vector<16xi32>
    %sign3A_53 = arith.constant 0 : i32
    %sign3A_54 = vector.broadcast %sign3A_53 : i32 to vector<16xi32>
    %sign3A_55 = arith.cmpi sgt, %iota3A, %sign3A_54 : vector<16xi32>
    %sign3A_56 = arith.extui %sign3A_55 : vector<16xi1> to vector<16xi32>
    %sign3A_57 = arith.constant 0 : i32
    %sign3A_58 = vector.broadcast %sign3A_57 : i32 to vector<16xi32>
    %sign3A_59 = arith.cmpi slt, %iota3A, %sign3A_58 : vector<16xi32>
    %sign3A_60 = arith.extui %sign3A_59 : vector<16xi1> to vector<16xi32>
    %sign3A_61 = arith.subi %sign3A_56, %sign3A_60 : vector<16xi32>
    %sign3A_62 = arith.constant 0 : i32
    %sign3A_63 = arith.cmpi sgt, %jit3A_50, %sign3A_62 : i32
    %sign3A_64 = arith.extui %sign3A_63 : i1 to i32
    %sign3A_65 = arith.constant 0 : i32
    %sign3A_66 = arith.cmpi slt, %jit3A_50, %sign3A_65 : i32
    %sign3A_67 = arith.extui %sign3A_66 : i1 to i32
    %sign3A_68 = arith.subi %sign3A_64, %sign3A_67 : i32
    %ne3A_69 = vector.broadcast %sign3A_68 : i32 to vector<16xi32>
    %ne3A_70 = arith.cmpi ne, %sign3A_61, %ne3A_69 : vector<16xi32>
    %rem3A_71 = vector.broadcast %jit3A_50 : i32 to vector<16xi32>
    %rem3A_72 = arith.remsi %iota3A, %rem3A_71 : vector<16xi32>
    %ne3A_73 = arith.constant 0 : i32
    %ne3A_74 = vector.broadcast %ne3A_73 : i32 to vector<16xi32>
    %ne3A_75 = arith.cmpi ne, %rem3A_72, %ne3A_74 : vector<16xi32>
    %and3A_76 = arith.andi %ne3A_70, %ne3A_75 : vector<16xi1>
    %sub3A_77 = arith.constant 1 : i32
    %sub3A_78 = vector.broadcast %sub3A_77 : i32 to vector<16xi32>
    %sub3A_79 = arith.subi %div3A_52, %sub3A_78 : vector<16xi32>
    %select_n3A_80 = arith.select %and3A_76, %sub3A_79, %div3A_52 : vector<16xi1>, vector<16xi32>
    %mul3A_81 = arith.constant 8 : i32
    %mul3A_82 = vector.broadcast %mul3A_81 : i32 to vector<16xi32>
    %mul3A_83 = arith.muli %select_n3A_80, %mul3A_82 : vector<16xi32>
    %add3A_84 = arith.constant 1 : i32
    %add3A_85 = vector.broadcast %add3A_84 : i32 to vector<16xi32>
    %add3A_86 = arith.addi %mul3A_83, %add3A_85 : vector<16xi32>
    %jit3A_87 = arith.constant 8 : i32
    %div3A_88 = vector.broadcast %jit3A_87 : i32 to vector<16xi32>
    %div3A_89 = arith.divsi %iota3A, %div3A_88 : vector<16xi32>
    %sign3A_90 = arith.constant 0 : i32
    %sign3A_91 = vector.broadcast %sign3A_90 : i32 to vector<16xi32>
    %sign3A_92 = arith.cmpi sgt, %iota3A, %sign3A_91 : vector<16xi32>
    %sign3A_93 = arith.extui %sign3A_92 : vector<16xi1> to vector<16xi32>
    %sign3A_94 = arith.constant 0 : i32
    %sign3A_95 = vector.broadcast %sign3A_94 : i32 to vector<16xi32>
    %sign3A_96 = arith.cmpi slt, %iota3A, %sign3A_95 : vector<16xi32>
    %sign3A_97 = arith.extui %sign3A_96 : vector<16xi1> to vector<16xi32>
    %sign3A_98 = arith.subi %sign3A_93, %sign3A_97 : vector<16xi32>
    %sign3A_99 = arith.constant 0 : i32
    %sign3A_100 = arith.cmpi sgt, %jit3A_87, %sign3A_99 : i32
    %sign3A_101 = arith.extui %sign3A_100 : i1 to i32
    %sign3A_102 = arith.constant 0 : i32
    %sign3A_103 = arith.cmpi slt, %jit3A_87, %sign3A_102 : i32
    %sign3A_104 = arith.extui %sign3A_103 : i1 to i32
    %sign3A_105 = arith.subi %sign3A_101, %sign3A_104 : i32
    %ne3A_106 = vector.broadcast %sign3A_105 : i32 to vector<16xi32>
    %ne3A_107 = arith.cmpi ne, %sign3A_98, %ne3A_106 : vector<16xi32>
    %rem3A_108 = vector.broadcast %jit3A_87 : i32 to vector<16xi32>
    %rem3A_109 = arith.remsi %iota3A, %rem3A_108 : vector<16xi32>
    %ne3A_110 = arith.constant 0 : i32
    %ne3A_111 = vector.broadcast %ne3A_110 : i32 to vector<16xi32>
    %ne3A_112 = arith.cmpi ne, %rem3A_109, %ne3A_111 : vector<16xi32>
    %and3A_113 = arith.andi %ne3A_107, %ne3A_112 : vector<16xi1>
    %sub3A_114 = arith.constant 1 : i32
    %sub3A_115 = vector.broadcast %sub3A_114 : i32 to vector<16xi32>
    %sub3A_116 = arith.subi %div3A_89, %sub3A_115 : vector<16xi32>
    %select_n3A_117 = arith.select %and3A_113, %sub3A_116, %div3A_89 : vector<16xi1>, vector<16xi32>
    %mul3A_118 = arith.constant 8 : i32
    %mul3A_119 = vector.broadcast %mul3A_118 : i32 to vector<16xi32>
    %mul3A_120 = arith.muli %select_n3A_117, %mul3A_119 : vector<16xi32>
    %add3A_121 = arith.constant 2 : i32
    %add3A_122 = vector.broadcast %add3A_121 : i32 to vector<16xi32>
    %add3A_123 = arith.addi %mul3A_120, %add3A_122 : vector<16xi32>
    %jit3A_124 = arith.constant 8 : i32
    %div3A_125 = vector.broadcast %jit3A_124 : i32 to vector<16xi32>
    %div3A_126 = arith.divsi %iota3A, %div3A_125 : vector<16xi32>
    %sign3A_127 = arith.constant 0 : i32
    %sign3A_128 = vector.broadcast %sign3A_127 : i32 to vector<16xi32>
    %sign3A_129 = arith.cmpi sgt, %iota3A, %sign3A_128 : vector<16xi32>
    %sign3A_130 = arith.extui %sign3A_129 : vector<16xi1> to vector<16xi32>
    %sign3A_131 = arith.constant 0 : i32
    %sign3A_132 = vector.broadcast %sign3A_131 : i32 to vector<16xi32>
    %sign3A_133 = arith.cmpi slt, %iota3A, %sign3A_132 : vector<16xi32>
    %sign3A_134 = arith.extui %sign3A_133 : vector<16xi1> to vector<16xi32>
    %sign3A_135 = arith.subi %sign3A_130, %sign3A_134 : vector<16xi32>
    %sign3A_136 = arith.constant 0 : i32
    %sign3A_137 = arith.cmpi sgt, %jit3A_124, %sign3A_136 : i32
    %sign3A_138 = arith.extui %sign3A_137 : i1 to i32
    %sign3A_139 = arith.constant 0 : i32
    %sign3A_140 = arith.cmpi slt, %jit3A_124, %sign3A_139 : i32
    %sign3A_141 = arith.extui %sign3A_140 : i1 to i32
    %sign3A_142 = arith.subi %sign3A_138, %sign3A_141 : i32
    %ne3A_143 = vector.broadcast %sign3A_142 : i32 to vector<16xi32>
    %ne3A_144 = arith.cmpi ne, %sign3A_135, %ne3A_143 : vector<16xi32>
    %rem3A_145 = vector.broadcast %jit3A_124 : i32 to vector<16xi32>
    %rem3A_146 = arith.remsi %iota3A, %rem3A_145 : vector<16xi32>
    %ne3A_147 = arith.constant 0 : i32
    %ne3A_148 = vector.broadcast %ne3A_147 : i32 to vector<16xi32>
    %ne3A_149 = arith.cmpi ne, %rem3A_146, %ne3A_148 : vector<16xi32>
    %and3A_150 = arith.andi %ne3A_144, %ne3A_149 : vector<16xi1>
    %sub3A_151 = arith.constant 1 : i32
    %sub3A_152 = vector.broadcast %sub3A_151 : i32 to vector<16xi32>
    %sub3A_153 = arith.subi %div3A_126, %sub3A_152 : vector<16xi32>
    %select_n3A_154 = arith.select %and3A_150, %sub3A_153, %div3A_126 : vector<16xi1>, vector<16xi32>
    %mul3A_155 = arith.constant 8 : i32
    %mul3A_156 = vector.broadcast %mul3A_155 : i32 to vector<16xi32>
    %mul3A_157 = arith.muli %select_n3A_154, %mul3A_156 : vector<16xi32>
    %add3A_158 = arith.constant 3 : i32
    %add3A_159 = vector.broadcast %add3A_158 : i32 to vector<16xi32>
    %add3A_160 = arith.addi %mul3A_157, %add3A_159 : vector<16xi32>
    %jit3A_161 = arith.constant 8 : i32
    %div3A_162 = vector.broadcast %jit3A_161 : i32 to vector<16xi32>
    %div3A_163 = arith.divsi %iota3A, %div3A_162 : vector<16xi32>
    %sign3A_164 = arith.constant 0 : i32
    %sign3A_165 = vector.broadcast %sign3A_164 : i32 to vector<16xi32>
    %sign3A_166 = arith.cmpi sgt, %iota3A, %sign3A_165 : vector<16xi32>
    %sign3A_167 = arith.extui %sign3A_166 : vector<16xi1> to vector<16xi32>
    %sign3A_168 = arith.constant 0 : i32
    %sign3A_169 = vector.broadcast %sign3A_168 : i32 to vector<16xi32>
    %sign3A_170 = arith.cmpi slt, %iota3A, %sign3A_169 : vector<16xi32>
    %sign3A_171 = arith.extui %sign3A_170 : vector<16xi1> to vector<16xi32>
    %sign3A_172 = arith.subi %sign3A_167, %sign3A_171 : vector<16xi32>
    %sign3A_173 = arith.constant 0 : i32
    %sign3A_174 = arith.cmpi sgt, %jit3A_161, %sign3A_173 : i32
    %sign3A_175 = arith.extui %sign3A_174 : i1 to i32
    %sign3A_176 = arith.constant 0 : i32
    %sign3A_177 = arith.cmpi slt, %jit3A_161, %sign3A_176 : i32
    %sign3A_178 = arith.extui %sign3A_177 : i1 to i32
    %sign3A_179 = arith.subi %sign3A_175, %sign3A_178 : i32
    %ne3A_180 = vector.broadcast %sign3A_179 : i32 to vector<16xi32>
    %ne3A_181 = arith.cmpi ne, %sign3A_172, %ne3A_180 : vector<16xi32>
    %rem3A_182 = vector.broadcast %jit3A_161 : i32 to vector<16xi32>
    %rem3A_183 = arith.remsi %iota3A, %rem3A_182 : vector<16xi32>
    %ne3A_184 = arith.constant 0 : i32
    %ne3A_185 = vector.broadcast %ne3A_184 : i32 to vector<16xi32>
    %ne3A_186 = arith.cmpi ne, %rem3A_183, %ne3A_185 : vector<16xi32>
    %and3A_187 = arith.andi %ne3A_181, %ne3A_186 : vector<16xi1>
    %sub3A_188 = arith.constant 1 : i32
    %sub3A_189 = vector.broadcast %sub3A_188 : i32 to vector<16xi32>
    %sub3A_190 = arith.subi %div3A_163, %sub3A_189 : vector<16xi32>
    %select_n3A_191 = arith.select %and3A_187, %sub3A_190, %div3A_163 : vector<16xi1>, vector<16xi32>
    %mul3A_192 = arith.constant 8 : i32
    %mul3A_193 = vector.broadcast %mul3A_192 : i32 to vector<16xi32>
    %mul3A_194 = arith.muli %select_n3A_191, %mul3A_193 : vector<16xi32>
    %add3A_195 = arith.constant 4 : i32
    %add3A_196 = vector.broadcast %add3A_195 : i32 to vector<16xi32>
    %add3A_197 = arith.addi %mul3A_194, %add3A_196 : vector<16xi32>
    %jit3A_198 = arith.constant 8 : i32
    %div3A_199 = vector.broadcast %jit3A_198 : i32 to vector<16xi32>
    %div3A_200 = arith.divsi %iota3A, %div3A_199 : vector<16xi32>
    %sign3A_201 = arith.constant 0 : i32
    %sign3A_202 = vector.broadcast %sign3A_201 : i32 to vector<16xi32>
    %sign3A_203 = arith.cmpi sgt, %iota3A, %sign3A_202 : vector<16xi32>
    %sign3A_204 = arith.extui %sign3A_203 : vector<16xi1> to vector<16xi32>
    %sign3A_205 = arith.constant 0 : i32
    %sign3A_206 = vector.broadcast %sign3A_205 : i32 to vector<16xi32>
    %sign3A_207 = arith.cmpi slt, %iota3A, %sign3A_206 : vector<16xi32>
    %sign3A_208 = arith.extui %sign3A_207 : vector<16xi1> to vector<16xi32>
    %sign3A_209 = arith.subi %sign3A_204, %sign3A_208 : vector<16xi32>
    %sign3A_210 = arith.constant 0 : i32
    %sign3A_211 = arith.cmpi sgt, %jit3A_198, %sign3A_210 : i32
    %sign3A_212 = arith.extui %sign3A_211 : i1 to i32
    %sign3A_213 = arith.constant 0 : i32
    %sign3A_214 = arith.cmpi slt, %jit3A_198, %sign3A_213 : i32
    %sign3A_215 = arith.extui %sign3A_214 : i1 to i32
    %sign3A_216 = arith.subi %sign3A_212, %sign3A_215 : i32
    %ne3A_217 = vector.broadcast %sign3A_216 : i32 to vector<16xi32>
    %ne3A_218 = arith.cmpi ne, %sign3A_209, %ne3A_217 : vector<16xi32>
    %rem3A_219 = vector.broadcast %jit3A_198 : i32 to vector<16xi32>
    %rem3A_220 = arith.remsi %iota3A, %rem3A_219 : vector<16xi32>
    %ne3A_221 = arith.constant 0 : i32
    %ne3A_222 = vector.broadcast %ne3A_221 : i32 to vector<16xi32>
    %ne3A_223 = arith.cmpi ne, %rem3A_220, %ne3A_222 : vector<16xi32>
    %and3A_224 = arith.andi %ne3A_218, %ne3A_223 : vector<16xi1>
    %sub3A_225 = arith.constant 1 : i32
    %sub3A_226 = vector.broadcast %sub3A_225 : i32 to vector<16xi32>
    %sub3A_227 = arith.subi %div3A_200, %sub3A_226 : vector<16xi32>
    %select_n3A_228 = arith.select %and3A_224, %sub3A_227, %div3A_200 : vector<16xi1>, vector<16xi32>
    %mul3A_229 = arith.constant 8 : i32
    %mul3A_230 = vector.broadcast %mul3A_229 : i32 to vector<16xi32>
    %mul3A_231 = arith.muli %select_n3A_228, %mul3A_230 : vector<16xi32>
    %add3A_232 = arith.constant 5 : i32
    %add3A_233 = vector.broadcast %add3A_232 : i32 to vector<16xi32>
    %add3A_234 = arith.addi %mul3A_231, %add3A_233 : vector<16xi32>
    %jit3A_235 = arith.constant 8 : i32
    %div3A_236 = vector.broadcast %jit3A_235 : i32 to vector<16xi32>
    %div3A_237 = arith.divsi %iota3A, %div3A_236 : vector<16xi32>
    %sign3A_238 = arith.constant 0 : i32
    %sign3A_239 = vector.broadcast %sign3A_238 : i32 to vector<16xi32>
    %sign3A_240 = arith.cmpi sgt, %iota3A, %sign3A_239 : vector<16xi32>
    %sign3A_241 = arith.extui %sign3A_240 : vector<16xi1> to vector<16xi32>
    %sign3A_242 = arith.constant 0 : i32
    %sign3A_243 = vector.broadcast %sign3A_242 : i32 to vector<16xi32>
    %sign3A_244 = arith.cmpi slt, %iota3A, %sign3A_243 : vector<16xi32>
    %sign3A_245 = arith.extui %sign3A_244 : vector<16xi1> to vector<16xi32>
    %sign3A_246 = arith.subi %sign3A_241, %sign3A_245 : vector<16xi32>
    %sign3A_247 = arith.constant 0 : i32
    %sign3A_248 = arith.cmpi sgt, %jit3A_235, %sign3A_247 : i32
    %sign3A_249 = arith.extui %sign3A_248 : i1 to i32
    %sign3A_250 = arith.constant 0 : i32
    %sign3A_251 = arith.cmpi slt, %jit3A_235, %sign3A_250 : i32
    %sign3A_252 = arith.extui %sign3A_251 : i1 to i32
    %sign3A_253 = arith.subi %sign3A_249, %sign3A_252 : i32
    %ne3A_254 = vector.broadcast %sign3A_253 : i32 to vector<16xi32>
    %ne3A_255 = arith.cmpi ne, %sign3A_246, %ne3A_254 : vector<16xi32>
    %rem3A_256 = vector.broadcast %jit3A_235 : i32 to vector<16xi32>
    %rem3A_257 = arith.remsi %iota3A, %rem3A_256 : vector<16xi32>
    %ne3A_258 = arith.constant 0 : i32
    %ne3A_259 = vector.broadcast %ne3A_258 : i32 to vector<16xi32>
    %ne3A_260 = arith.cmpi ne, %rem3A_257, %ne3A_259 : vector<16xi32>
    %and3A_261 = arith.andi %ne3A_255, %ne3A_260 : vector<16xi1>
    %sub3A_262 = arith.constant 1 : i32
    %sub3A_263 = vector.broadcast %sub3A_262 : i32 to vector<16xi32>
    %sub3A_264 = arith.subi %div3A_237, %sub3A_263 : vector<16xi32>
    %select_n3A_265 = arith.select %and3A_261, %sub3A_264, %div3A_237 : vector<16xi1>, vector<16xi32>
    %mul3A_266 = arith.constant 8 : i32
    %mul3A_267 = vector.broadcast %mul3A_266 : i32 to vector<16xi32>
    %mul3A_268 = arith.muli %select_n3A_265, %mul3A_267 : vector<16xi32>
    %add3A_269 = arith.constant 6 : i32
    %add3A_270 = vector.broadcast %add3A_269 : i32 to vector<16xi32>
    %add3A_271 = arith.addi %mul3A_268, %add3A_270 : vector<16xi32>
    %jit3A_272 = arith.constant 8 : i32
    %div3A_273 = vector.broadcast %jit3A_272 : i32 to vector<16xi32>
    %div3A_274 = arith.divsi %iota3A, %div3A_273 : vector<16xi32>
    %sign3A_275 = arith.constant 0 : i32
    %sign3A_276 = vector.broadcast %sign3A_275 : i32 to vector<16xi32>
    %sign3A_277 = arith.cmpi sgt, %iota3A, %sign3A_276 : vector<16xi32>
    %sign3A_278 = arith.extui %sign3A_277 : vector<16xi1> to vector<16xi32>
    %sign3A_279 = arith.constant 0 : i32
    %sign3A_280 = vector.broadcast %sign3A_279 : i32 to vector<16xi32>
    %sign3A_281 = arith.cmpi slt, %iota3A, %sign3A_280 : vector<16xi32>
    %sign3A_282 = arith.extui %sign3A_281 : vector<16xi1> to vector<16xi32>
    %sign3A_283 = arith.subi %sign3A_278, %sign3A_282 : vector<16xi32>
    %sign3A_284 = arith.constant 0 : i32
    %sign3A_285 = arith.cmpi sgt, %jit3A_272, %sign3A_284 : i32
    %sign3A_286 = arith.extui %sign3A_285 : i1 to i32
    %sign3A_287 = arith.constant 0 : i32
    %sign3A_288 = arith.cmpi slt, %jit3A_272, %sign3A_287 : i32
    %sign3A_289 = arith.extui %sign3A_288 : i1 to i32
    %sign3A_290 = arith.subi %sign3A_286, %sign3A_289 : i32
    %ne3A_291 = vector.broadcast %sign3A_290 : i32 to vector<16xi32>
    %ne3A_292 = arith.cmpi ne, %sign3A_283, %ne3A_291 : vector<16xi32>
    %rem3A_293 = vector.broadcast %jit3A_272 : i32 to vector<16xi32>
    %rem3A_294 = arith.remsi %iota3A, %rem3A_293 : vector<16xi32>
    %ne3A_295 = arith.constant 0 : i32
    %ne3A_296 = vector.broadcast %ne3A_295 : i32 to vector<16xi32>
    %ne3A_297 = arith.cmpi ne, %rem3A_294, %ne3A_296 : vector<16xi32>
    %and3A_298 = arith.andi %ne3A_292, %ne3A_297 : vector<16xi1>
    %sub3A_299 = arith.constant 1 : i32
    %sub3A_300 = vector.broadcast %sub3A_299 : i32 to vector<16xi32>
    %sub3A_301 = arith.subi %div3A_274, %sub3A_300 : vector<16xi32>
    %select_n3A_302 = arith.select %and3A_298, %sub3A_301, %div3A_274 : vector<16xi1>, vector<16xi32>
    %mul3A_303 = arith.constant 8 : i32
    %mul3A_304 = vector.broadcast %mul3A_303 : i32 to vector<16xi32>
    %mul3A_305 = arith.muli %select_n3A_302, %mul3A_304 : vector<16xi32>
    %add3A_306 = arith.constant 7 : i32
    %add3A_307 = vector.broadcast %add3A_306 : i32 to vector<16xi32>
    %add3A_308 = arith.addi %mul3A_305, %add3A_307 : vector<16xi32>
    %mul3A_309 = arith.constant 0 : i32
    %mul3A_310 = vector.broadcast %mul3A_309 : i32 to vector<16xi32>
    %mul3A_311 = arith.muli %iota3A, %mul3A_310 : vector<16xi32>
    %lt3A_312 = arith.constant 8 : i32
    %lt3A_313 = vector.broadcast %lt3A_312 : i32 to vector<16xi32>
    %lt3A_314 = arith.cmpi slt, %iota3A, %lt3A_313 : vector<16xi32>
    %ge3A = arith.constant 8 : i32
    %ge3A_315 = vector.broadcast %ge3A : i32 to vector<16xi32>
    %ge3A_316 = arith.cmpi sge, %iota3A, %ge3A_315 : vector<16xi32>
    %gather3A = tpu.vector_load_idx %arg11[%add3A_49, %mul3A_311] : memref<17x16xf32, #tpu.memory_space<vmem>>[vector<16xi32>, vector<16xi32>], vector<16xf32>,
    %gather3A_317 = tpu.vector_load_idx %arg11[%add3A_86, %mul3A_311] : memref<17x16xf32, #tpu.memory_space<vmem>>[vector<16xi32>, vector<16xi32>], vector<16xf32>,
    %gather3A_318 = tpu.vector_load_idx %arg11[%add3A_123, %mul3A_311] : memref<17x16xf32, #tpu.memory_space<vmem>>[vector<16xi32>, vector<16xi32>], vector<16xf32>,
    %gather3A_319 = tpu.vector_load_idx %arg11[%add3A_160, %mul3A_311] : memref<17x16xf32, #tpu.memory_space<vmem>>[vector<16xi32>, vector<16xi32>], vector<16xf32>,
    %gather3A_320 = tpu.vector_load_idx %arg11[%add3A_197, %mul3A_311] : memref<17x16xf32, #tpu.memory_space<vmem>>[vector<16xi32>, vector<16xi32>], vector<16xf32>,
    %gather3A_321 = tpu.vector_load_idx %arg11[%add3A_234, %mul3A_311] : memref<17x16xf32, #tpu.memory_space<vmem>>[vector<16xi32>, vector<16xi32>], vector<16xf32>,
    %gather3A_322 = tpu.vector_load_idx %arg11[%add3A_271, %mul3A_311] : memref<17x16xf32, #tpu.memory_space<vmem>>[vector<16xi32>, vector<16xi32>], vector<16xf32>,
    %gather3A_323 = tpu.vector_load_idx %arg11[%add3A_308, %mul3A_311] : memref<17x16xf32, #tpu.memory_space<vmem>>[vector<16xi32>, vector<16xi32>], vector<16xf32>,
    %get3A = arith.constant 16 : i32
    %get3A_324 = arith.index_cast %get3A : i32 to index
    %get3A_325 = arith.constant 0 : index
    %get3A_326 = tpu.vector_load %arg11[%get3A_324, %get3A_325] {strides = array<i32>} : memref<17x16xf32, #tpu.memory_space<vmem>>, vector<16xf32>,
    %get3A_327 = arith.constant 0 : index
    %get3A_328 = tpu.vector_load %arg8[%get3A_327] {strides = array<i32>} : memref<520xi32, #tpu.memory_space<vmem>>, vector<16xi32>,
    %shift_right_arithmetic3A = arith.constant 7 : i32
    %shift_right_arithmetic3A_329 = vector.broadcast %shift_right_arithmetic3A : i32 to vector<16xi32>
    %shift_right_arithmetic3A_330 = arith.shrsi %get3A_328, %shift_right_arithmetic3A_329 : vector<16xi32>
    %mul3A_331 = arith.constant 128 : i32
    %mul3A_332 = vector.broadcast %mul3A_331 : i32 to vector<16xi32>
    %mul3A_333 = arith.muli %shift_right_arithmetic3A_330, %mul3A_332 : vector<16xi32>
    %get3A_334 = arith.constant 0 : index
    %get3A_335 = tpu.vector_load %arg9[%get3A_334] {strides = array<i32>} : memref<520xi32, #tpu.memory_space<vmem>>, vector<16xi32>,
    %shift_right_arithmetic3A_336 = arith.constant 7 : i32
    %shift_right_arithmetic3A_337 = vector.broadcast %shift_right_arithmetic3A_336 : i32 to vector<16xi32>
    %shift_right_arithmetic3A_338 = arith.shrsi %get3A_335, %shift_right_arithmetic3A_337 : vector<16xi32>
    %mul3A_339 = arith.constant 128 : i32
    %mul3A_340 = vector.broadcast %mul3A_339 : i32 to vector<16xi32>
    %mul3A_341 = arith.muli %shift_right_arithmetic3A_338, %mul3A_340 : vector<16xi32>
    %slice3A = vector.extract_strided_slice %mul3A_333 {offsets = [0], sizes = [1], strides = [1]} : vector<16xi32> to vector<1xi32>
    %squeeze3A = vector.extract %slice3A[0] : i32 from vector<1xi32>
    %multiple_of3A = tpu.assume_multiple %squeeze3A, 128 : i32
    %slice3A_342 = vector.extract_strided_slice %mul3A_341 {offsets = [0], sizes = [1], strides = [1]} : vector<16xi32> to vector<1xi32>
    %squeeze3A_343 = vector.extract %slice3A_342[0] : i32 from vector<1xi32>
    %multiple_of3A_344 = tpu.assume_multiple %squeeze3A_343, 128 : i32
    %dma_start3A = arith.constant 0 : i32
    %dma_start3A_345 = arith.constant 0 : i32
    %dma_start3A_346 = arith.constant 0 : i32
    %dma_start3A_347 = arith.constant 0 : i32
    %dma_start3A_348 = tpu.memref_slice %arg10[%dma_start3A, %dma_start3A_345, %dma_start3A_346, %dma_start3A_347] : memref<2x16x16x128xf32, #tpu.memory_space<vmem>> -> memref<1x1x16x128xf32, #tpu.memory_space<vmem>>
    %dma_start3A_349 = tpu.memref_squeeze %dma_start3A_348 : memref<1x1x16x128xf32, #tpu.memory_space<vmem>> -> memref<16x128xf32, #tpu.memory_space<vmem>>
    %dma_start3A_350 = arith.constant 0 : i32
    %dma_start3A_351 = tpu.memref_slice %arg4[%dma_start3A_350, %multiple_of3A] : memref<16x1000000xf32, #tpu.memory_space<hbm>> -> memref<16x128xf32, #tpu.memory_space<hbm>>
    %dma_start3A_352 = arith.constant 0 : i32
    %dma_start3A_353 = arith.constant 0 : i32
    %dma_start3A_354 = tpu.memref_slice %arg10[%dma_start3A, %dma_start3A_345, %dma_start3A_352, %dma_start3A_353] : memref<2x16x16x128xf32, #tpu.memory_space<vmem>> -> memref<1x1x16x128xf32, #tpu.memory_space<vmem>>
    %dma_start3A_355 = tpu.memref_squeeze %dma_start3A_354 : memref<1x1x16x128xf32, #tpu.memory_space<vmem>> -> memref<16x128xf32, #tpu.memory_space<vmem>>
    %dma_start3A_356 = arith.constant 0 : i32
    %dma_start3A_357 = tpu.memref_slice %arg4[%dma_start3A_356, %multiple_of3A] : memref<16x1000000xf32, #tpu.memory_space<hbm>> -> memref<16x128xf32, #tpu.memory_space<hbm>>
    tpu.enqueue_dma source(%dma_start3A_357 : memref<16x128xf32, #tpu.memory_space<hbm>>) target(%dma_start3A_355 : memref<16x128xf32, #tpu.memory_space<vmem>>) target_semaphore(%arg13 : memref<!tpu.dma_semaphore, #tpu.memory_space<semaphore_mem>>)
    %dma_start3A_358 = arith.constant 0 : i32
    %dma_start3A_359 = arith.constant 8 : i32
    %dma_start3A_360 = arith.constant 0 : i32
    %dma_start3A_361 = arith.constant 0 : i32
    %dma_start3A_362 = tpu.memref_slice %arg10[%dma_start3A_358, %dma_start3A_359, %dma_start3A_360, %dma_start3A_361] : memref<2x16x16x128xf32, #tpu.memory_space<vmem>> -> memref<1x1x16x128xf32, #tpu.memory_space<vmem>>
    %dma_start3A_363 = tpu.memref_squeeze %dma_start3A_362 : memref<1x1x16x128xf32, #tpu.memory_space<vmem>> -> memref<16x128xf32, #tpu.memory_space<vmem>>
    %dma_start3A_364 = arith.constant 0 : i32
    %dma_start3A_365 = tpu.memref_slice %arg5[%dma_start3A_364, %multiple_of3A_344] : memref<16x1000000xf32, #tpu.memory_space<hbm>> -> memref<16x128xf32, #tpu.memory_space<hbm>>
    %dma_start3A_366 = arith.constant 0 : i32
    %dma_start3A_367 = arith.constant 0 : i32
    %dma_start3A_368 = tpu.memref_slice %arg10[%dma_start3A_358, %dma_start3A_359, %dma_start3A_366, %dma_start3A_367] : memref<2x16x16x128xf32, #tpu.memory_space<vmem>> -> memref<1x1x16x128xf32, #tpu.memory_space<vmem>>
    %dma_start3A_369 = tpu.memref_squeeze %dma_start3A_368 : memref<1x1x16x128xf32, #tpu.memory_space<vmem>> -> memref<16x128xf32, #tpu.memory_space<vmem>>
    %dma_start3A_370 = arith.constant 0 : i32
    %dma_start3A_371 = tpu.memref_slice %arg5[%dma_start3A_370, %multiple_of3A_344] : memref<16x1000000xf32, #tpu.memory_space<hbm>> -> memref<16x128xf32, #tpu.memory_space<hbm>>
    tpu.enqueue_dma source(%dma_start3A_371 : memref<16x128xf32, #tpu.memory_space<hbm>>) target(%dma_start3A_369 : memref<16x128xf32, #tpu.memory_space<vmem>>) target_semaphore(%arg13 : memref<!tpu.dma_semaphore, #tpu.memory_space<semaphore_mem>>)
    %slice3A_372 = vector.extract_strided_slice %mul3A_333 {offsets = [1], sizes = [1], strides = [1]} : vector<16xi32> to vector<1xi32>
    %squeeze3A_373 = vector.extract %slice3A_372[0] : i32 from vector<1xi32>
    %multiple_of3A_374 = tpu.assume_multiple %squeeze3A_373, 128 : i32
    %slice3A_375 = vector.extract_strided_slice %mul3A_341 {offsets = [1], sizes = [1], strides = [1]} : vector<16xi32> to vector<1xi32>
    %squeeze3A_376 = vector.extract %slice3A_375[0] : i32 from vector<1xi32>
    %multiple_of3A_377 = tpu.assume_multiple %squeeze3A_376, 128 : i32
    %dma_start3A_378 = arith.constant 0 : i32
    %dma_start3A_379 = arith.constant 1 : i32
    %dma_start3A_380 = arith.constant 0 : i32
    %dma_start3A_381 = arith.constant 0 : i32
    %dma_start3A_382 = tpu.memref_slice %arg10[%dma_start3A_378, %dma_start3A_379, %dma_start3A_380, %dma_start3A_381] : memref<2x16x16x128xf32, #tpu.memory_space<vmem>> -> memref<1x1x16x128xf32, #tpu.memory_space<vmem>>
    %dma_start3A_383 = tpu.memref_squeeze %dma_start3A_382 : memref<1x1x16x128xf32, #tpu.memory_space<vmem>> -> memref<16x128xf32, #tpu.memory_space<vmem>>
    %dma_start3A_384 = arith.constant 0 : i32
    %dma_start3A_385 = tpu.memref_slice %arg4[%dma_start3A_384, %multiple_of3A_374] : memref<16x1000000xf32, #tpu.memory_space<hbm>> -> memref<16x128xf32, #tpu.memory_space<hbm>>
    %dma_start3A_386 = arith.constant 0 : i32
    %dma_start3A_387 = arith.constant 0 : i32
    %dma_start3A_388 = tpu.memref_slice %arg10[%dma_start3A_378, %dma_start3A_379, %dma_start3A_386, %dma_start3A_387] : memref<2x16x16x128xf32, #tpu.memory_space<vmem>> -> memref<1x1x16x128xf32, #tpu.memory_space<vmem>>
    %dma_start3A_389 = tpu.memref_squeeze %dma_start3A_388 : memref<1x1x16x128xf32, #tpu.memory_space<vmem>> -> memref<16x128xf32, #tpu.memory_space<vmem>>
    %dma_start3A_390 = arith.constant 0 : i32
    %dma_start3A_391 = tpu.memref_slice %arg4[%dma_start3A_390, %multiple_of3A_374] : memref<16x1000000xf32, #tpu.memory_space<hbm>> -> memref<16x128xf32, #tpu.memory_space<hbm>>
    tpu.enqueue_dma source(%dma_start3A_391 : memref<16x128xf32, #tpu.memory_space<hbm>>) target(%dma_start3A_389 : memref<16x128xf32, #tpu.memory_space<vmem>>) target_semaphore(%arg13 : memref<!tpu.dma_semaphore, #tpu.memory_space<semaphore_mem>>)
    %dma_start3A_392 = arith.constant 0 : i32
    %dma_start3A_393 = arith.constant 9 : i32
    %dma_start3A_394 = arith.constant 0 : i32
    %dma_start3A_395 = arith.constant 0 : i32
    %dma_start3A_396 = tpu.memref_slice %arg10[%dma_start3A_392, %dma_start3A_393, %dma_start3A_394, %dma_start3A_395] : memref<2x16x16x128xf32, #tpu.memory_space<vmem>> -> memref<1x1x16x128xf32, #tpu.memory_space<vmem>>
    %dma_start3A_397 = tpu.memref_squeeze %dma_start3A_396 : memref<1x1x16x128xf32, #tpu.memory_space<vmem>> -> memref<16x128xf32, #tpu.memory_space<vmem>>
    %dma_start3A_398 = arith.constant 0 : i32
    %dma_start3A_399 = tpu.memref_slice %arg5[%dma_start3A_398, %multiple_of3A_377] : memref<16x1000000xf32, #tpu.memory_space<hbm>> -> memref<16x128xf32, #tpu.memory_space<hbm>>
    %dma_start3A_400 = arith.constant 0 : i32
    %dma_start3A_401 = arith.constant 0 : i32
    %dma_start3A_402 = tpu.memref_slice %arg10[%dma_start3A_392, %dma_start3A_393, %dma_start3A_400, %dma_start3A_401] : memref<2x16x16x128xf32, #tpu.memory_space<vmem>> -> memref<1x1x16x128xf32, #tpu.memory_space<vmem>>
    %dma_start3A_403 = tpu.memref_squeeze %dma_start3A_402 : memref<1x1x16x128xf32, #tpu.memory_space<vmem>> -> memref<16x128xf32, #tpu.memory_space<vmem>>
    %dma_start3A_404 = arith.constant 0 : i32
    %dma_start3A_405 = tpu.memref_slice %arg5[%dma_start3A_404, %multiple_of3A_377] : memref<16x1000000xf32, #tpu.memory_space<hbm>> -> memref<16x128xf32, #tpu.memory_space<hbm>>
    tpu.enqueue_dma source(%dma_start3A_405 : memref<16x128xf32, #tpu.memory_space<hbm>>) target(%dma_start3A_403 : memref<16x128xf32, #tpu.memory_space<vmem>>) target_semaphore(%arg13 : memref<!tpu.dma_semaphore, #tpu.memory_space<semaphore_mem>>)
    %slice3A_406 = vector.extract_strided_slice %mul3A_333 {offsets = [2], sizes = [1], strides = [1]} : vector<16xi32> to vector<1xi32>
    %squeeze3A_407 = vector.extract %slice3A_406[0] : i32 from vector<1xi32>
    %multiple_of3A_408 = tpu.assume_multiple %squeeze3A_407, 128 : i32
    %slice3A_409 = vector.extract_strided_slice %mul3A_341 {offsets = [2], sizes = [1], strides = [1]} : vector<16xi32> to vector<1xi32>
    %squeeze3A_410 = vector.extract %slice3A_409[0] : i32 from vector<1xi32>
    %multiple_of3A_411 = tpu.assume_multiple %squeeze3A_410, 128 : i32
    %dma_start3A_412 = arith.constant 0 : i32
    %dma_start3A_413 = arith.constant 2 : i32
    %dma_start3A_414 = arith.constant 0 : i32
    %dma_start3A_415 = arith.constant 0 : i32
    %dma_start3A_416 = tpu.memref_slice %arg10[%dma_start3A_412, %dma_start3A_413, %dma_start3A_414, %dma_start3A_415] : memref<2x16x16x128xf32, #tpu.memory_space<vmem>> -> memref<1x1x16x128xf32, #tpu.memory_space<vmem>>
    %dma_start3A_417 = tpu.memref_squeeze %dma_start3A_416 : memref<1x1x16x128xf32, #tpu.memory_space<vmem>> -> memref<16x128xf32, #tpu.memory_space<vmem>>
    %dma_start3A_418 = arith.constant 0 : i32
    %dma_start3A_419 = tpu.memref_slice %arg4[%dma_start3A_418, %multiple_of3A_408] : memref<16x1000000xf32, #tpu.memory_space<hbm>> -> memref<16x128xf32, #tpu.memory_space<hbm>>
    %dma_start3A_420 = arith.constant 0 : i32
    %dma_start3A_421 = arith.constant 0 : i32
    %dma_start3A_422 = tpu.memref_slice %arg10[%dma_start3A_412, %dma_start3A_413, %dma_start3A_420, %dma_start3A_421] : memref<2x16x16x128xf32, #tpu.memory_space<vmem>> -> memref<1x1x16x128xf32, #tpu.memory_space<vmem>>
    %dma_start3A_423 = tpu.memref_squeeze %dma_start3A_422 : memref<1x1x16x128xf32, #tpu.memory_space<vmem>> -> memref<16x128xf32, #tpu.memory_space<vmem>>
    %dma_start3A_424 = arith.constant 0 : i32
    %dma_start3A_425 = tpu.memref_slice %arg4[%dma_start3A_424, %multiple_of3A_408] : memref<16x1000000xf32, #tpu.memory_space<hbm>> -> memref<16x128xf32, #tpu.memory_space<hbm>>
    tpu.enqueue_dma source(%dma_start3A_425 : memref<16x128xf32, #tpu.memory_space<hbm>>) target(%dma_start3A_423 : memref<16x128xf32, #tpu.memory_space<vmem>>) target_semaphore(%arg13 : memref<!tpu.dma_semaphore, #tpu.memory_space<semaphore_mem>>)
    %dma_start3A_426 = arith.constant 0 : i32
    %dma_start3A_427 = arith.constant 10 : i32
    %dma_start3A_428 = arith.constant 0 : i32
    %dma_start3A_429 = arith.constant 0 : i32
    %dma_start3A_430 = tpu.memref_slice %arg10[%dma_start3A_426, %dma_start3A_427, %dma_start3A_428, %dma_start3A_429] : memref<2x16x16x128xf32, #tpu.memory_space<vmem>> -> memref<1x1x16x128xf32, #tpu.memory_space<vmem>>
    %dma_start3A_431 = tpu.memref_squeeze %dma_start3A_430 : memref<1x1x16x128xf32, #tpu.memory_space<vmem>> -> memref<16x128xf32, #tpu.memory_space<vmem>>
    %dma_start3A_432 = arith.constant 0 : i32
    %dma_start3A_433 = tpu.memref_slice %arg5[%dma_start3A_432, %multiple_of3A_411] : memref<16x1000000xf32, #tpu.memory_space<hbm>> -> memref<16x128xf32, #tpu.memory_space<hbm>>
    %dma_start3A_434 = arith.constant 0 : i32
    %dma_start3A_435 = arith.constant 0 : i32
    %dma_start3A_436 = tpu.memref_slice %arg10[%dma_start3A_426, %dma_start3A_427, %dma_start3A_434, %dma_start3A_435] : memref<2x16x16x128xf32, #tpu.memory_space<vmem>> -> memref<1x1x16x128xf32, #tpu.memory_space<vmem>>
    %dma_start3A_437 = tpu.memref_squeeze %dma_start3A_436 : memref<1x1x16x128xf32, #tpu.memory_space<vmem>> -> memref<16x128xf32, #tpu.memory_space<vmem>>
    %dma_start3A_438 = arith.constant 0 : i32
    %dma_start3A_439 = tpu.memref_slice %arg5[%dma_start3A_438, %multiple_of3A_411] : memref<16x1000000xf32, #tpu.memory_space<hbm>> -> memref<16x128xf32, #tpu.memory_space<hbm>>
    tpu.enqueue_dma source(%dma_start3A_439 : memref<16x128xf32, #tpu.memory_space<hbm>>) target(%dma_start3A_437 : memref<16x128xf32, #tpu.memory_space<vmem>>) target_semaphore(%arg13 : memref<!tpu.dma_semaphore, #tpu.memory_space<semaphore_mem>>)
    %slice3A_440 = vector.extract_strided_slice %mul3A_333 {offsets = [3], sizes = [1], strides = [1]} : vector<16xi32> to vector<1xi32>
    %squeeze3A_441 = vector.extract %slice3A_440[0] : i32 from vector<1xi32>
    %multiple_of3A_442 = tpu.assume_multiple %squeeze3A_441, 128 : i32
    %slice3A_443 = vector.extract_strided_slice %mul3A_341 {offsets = [3], sizes = [1], strides = [1]} : vector<16xi32> to vector<1xi32>
    %squeeze3A_444 = vector.extract %slice3A_443[0] : i32 from vector<1xi32>
    %multiple_of3A_445 = tpu.assume_multiple %squeeze3A_444, 128 : i32
    %dma_start3A_446 = arith.constant 0 : i32
    %dma_start3A_447 = arith.constant 3 : i32
    %dma_start3A_448 = arith.constant 0 : i32
    %dma_start3A_449 = arith.constant 0 : i32
    %dma_start3A_450 = tpu.memref_slice %arg10[%dma_start3A_446, %dma_start3A_447, %dma_start3A_448, %dma_start3A_449] : memref<2x16x16x128xf32, #tpu.memory_space<vmem>> -> memref<1x1x16x128xf32, #tpu.memory_space<vmem>>
    %dma_start3A_451 = tpu.memref_squeeze %dma_start3A_450 : memref<1x1x16x128xf32, #tpu.memory_space<vmem>> -> memref<16x128xf32, #tpu.memory_space<vmem>>
    %dma_start3A_452 = arith.constant 0 : i32
    %dma_start3A_453 = tpu.memref_slice %arg4[%dma_start3A_452, %multiple_of3A_442] : memref<16x1000000xf32, #tpu.memory_space<hbm>> -> memref<16x128xf32, #tpu.memory_space<hbm>>
    %dma_start3A_454 = arith.constant 0 : i32
    %dma_start3A_455 = arith.constant 0 : i32
    %dma_start3A_456 = tpu.memref_slice %arg10[%dma_start3A_446, %dma_start3A_447, %dma_start3A_454, %dma_start3A_455] : memref<2x16x16x128xf32, #tpu.memory_space<vmem>> -> memref<1x1x16x128xf32, #tpu.memory_space<vmem>>
    %dma_start3A_457 = tpu.memref_squeeze %dma_start3A_456 : memref<1x1x16x128xf32, #tpu.memory_space<vmem>> -> memref<16x128xf32, #tpu.memory_space<vmem>>
    %dma_start3A_458 = arith.constant 0 : i32
    %dma_start3A_459 = tpu.memref_slice %arg4[%dma_start3A_458, %multiple_of3A_442] : memref<16x1000000xf32, #tpu.memory_space<hbm>> -> memref<16x128xf32, #tpu.memory_space<hbm>>
    tpu.enqueue_dma source(%dma_start3A_459 : memref<16x128xf32, #tpu.memory_space<hbm>>) target(%dma_start3A_457 : memref<16x128xf32, #tpu.memory_space<vmem>>) target_semaphore(%arg13 : memref<!tpu.dma_semaphore, #tpu.memory_space<semaphore_mem>>)
    %dma_start3A_460 = arith.constant 0 : i32
    %dma_start3A_461 = arith.constant 11 : i32
    %dma_start3A_462 = arith.constant 0 : i32
    %dma_start3A_463 = arith.constant 0 : i32
    %dma_start3A_464 = tpu.memref_slice %arg10[%dma_start3A_460, %dma_start3A_461, %dma_start3A_462, %dma_start3A_463] : memref<2x16x16x128xf32, #tpu.memory_space<vmem>> -> memref<1x1x16x128xf32, #tpu.memory_space<vmem>>
    %dma_start3A_465 = tpu.memref_squeeze %dma_start3A_464 : memref<1x1x16x128xf32, #tpu.memory_space<vmem>> -> memref<16x128xf32, #tpu.memory_space<vmem>>
    %dma_start3A_466 = arith.constant 0 : i32
    %dma_start3A_467 = tpu.memref_slice %arg5[%dma_start3A_466, %multiple_of3A_445] : memref<16x1000000xf32, #tpu.memory_space<hbm>> -> memref<16x128xf32, #tpu.memory_space<hbm>>
    %dma_start3A_468 = arith.constant 0 : i32
    %dma_start3A_469 = arith.constant 0 : i32
    %dma_start3A_470 = tpu.memref_slice %arg10[%dma_start3A_460, %dma_start3A_461, %dma_start3A_468, %dma_start3A_469] : memref<2x16x16x128xf32, #tpu.memory_space<vmem>> -> memref<1x1x16x128xf32, #tpu.memory_space<vmem>>
    %dma_start3A_471 = tpu.memref_squeeze %dma_start3A_470 : memref<1x1x16x128xf32, #tpu.memory_space<vmem>> -> memref<16x128xf32, #tpu.memory_space<vmem>>
    %dma_start3A_472 = arith.constant 0 : i32
    %dma_start3A_473 = tpu.memref_slice %arg5[%dma_start3A_472, %multiple_of3A_445] : memref<16x1000000xf32, #tpu.memory_space<hbm>> -> memref<16x128xf32, #tpu.memory_space<hbm>>
    tpu.enqueue_dma source(%dma_start3A_473 : memref<16x128xf32, #tpu.memory_space<hbm>>) target(%dma_start3A_471 : memref<16x128xf32, #tpu.memory_space<vmem>>) target_semaphore(%arg13 : memref<!tpu.dma_semaphore, #tpu.memory_space<semaphore_mem>>)
    %slice3A_474 = vector.extract_strided_slice %mul3A_333 {offsets = [4], sizes = [1], strides = [1]} : vector<16xi32> to vector<1xi32>
    %squeeze3A_475 = vector.extract %slice3A_474[0] : i32 from vector<1xi32>
    %multiple_of3A_476 = tpu.assume_multiple %squeeze3A_475, 128 : i32
    %slice3A_477 = vector.extract_strided_slice %mul3A_341 {offsets = [4], sizes = [1], strides = [1]} : vector<16xi32> to vector<1xi32>
    %squeeze3A_478 = vector.extract %slice3A_477[0] : i32 from vector<1xi32>
    %multiple_of3A_479 = tpu.assume_multiple %squeeze3A_478, 128 : i32
    %dma_start3A_480 = arith.constant 0 : i32
    %dma_start3A_481 = arith.constant 4 : i32
    %dma_start3A_482 = arith.constant 0 : i32
    %dma_start3A_483 = arith.constant 0 : i32
    %dma_start3A_484 = tpu.memref_slice %arg10[%dma_start3A_480, %dma_start3A_481, %dma_start3A_482, %dma_start3A_483] : memref<2x16x16x128xf32, #tpu.memory_space<vmem>> -> memref<1x1x16x128xf32, #tpu.memory_space<vmem>>
    %dma_start3A_485 = tpu.memref_squeeze %dma_start3A_484 : memref<1x1x16x128xf32, #tpu.memory_space<vmem>> -> memref<16x128xf32, #tpu.memory_space<vmem>>
    %dma_start3A_486 = arith.constant 0 : i32
    %dma_start3A_487 = tpu.memref_slice %arg4[%dma_start3A_486, %multiple_of3A_476] : memref<16x1000000xf32, #tpu.memory_space<hbm>> -> memref<16x128xf32, #tpu.memory_space<hbm>>
    %dma_start3A_488 = arith.constant 0 : i32
    %dma_start3A_489 = arith.constant 0 : i32
    %dma_start3A_490 = tpu.memref_slice %arg10[%dma_start3A_480, %dma_start3A_481, %dma_start3A_488, %dma_start3A_489] : memref<2x16x16x128xf32, #tpu.memory_space<vmem>> -> memref<1x1x16x128xf32, #tpu.memory_space<vmem>>
    %dma_start3A_491 = tpu.memref_squeeze %dma_start3A_490 : memref<1x1x16x128xf32, #tpu.memory_space<vmem>> -> memref<16x128xf32, #tpu.memory_space<vmem>>
    %dma_start3A_492 = arith.constant 0 : i32
    %dma_start3A_493 = tpu.memref_slice %arg4[%dma_start3A_492, %multiple_of3A_476] : memref<16x1000000xf32, #tpu.memory_space<hbm>> -> memref<16x128xf32, #tpu.memory_space<hbm>>
    tpu.enqueue_dma source(%dma_start3A_493 : memref<16x128xf32, #tpu.memory_space<hbm>>) target(%dma_start3A_491 : memref<16x128xf32, #tpu.memory_space<vmem>>) target_semaphore(%arg13 : memref<!tpu.dma_semaphore, #tpu.memory_space<semaphore_mem>>)
    %dma_start3A_494 = arith.constant 0 : i32
    %dma_start3A_495 = arith.constant 12 : i32
    %dma_start3A_496 = arith.constant 0 : i32
    %dma_start3A_497 = arith.constant 0 : i32
    %dma_start3A_498 = tpu.memref_slice %arg10[%dma_start3A_494, %dma_start3A_495, %dma_start3A_496, %dma_start3A_497] : memref<2x16x16x128xf32, #tpu.memory_space<vmem>> -> memref<1x1x16x128xf32, #tpu.memory_space<vmem>>
    %dma_start3A_499 = tpu.memref_squeeze %dma_start3A_498 : memref<1x1x16x128xf32, #tpu.memory_space<vmem>> -> memref<16x128xf32, #tpu.memory_space<vmem>>
    %dma_start3A_500 = arith.constant 0 : i32
    %dma_start3A_501 = tpu.memref_slice %arg5[%dma_start3A_500, %multiple_of3A_479] : memref<16x1000000xf32, #tpu.memory_space<hbm>> -> memref<16x128xf32, #tpu.memory_space<hbm>>
    %dma_start3A_502 = arith.constant 0 : i32
    %dma_start3A_503 = arith.constant 0 : i32
    %dma_start3A_504 = tpu.memref_slice %arg10[%dma_start3A_494, %dma_start3A_495, %dma_start3A_502, %dma_start3A_503] : memref<2x16x16x128xf32, #tpu.memory_space<vmem>> -> memref<1x1x16x128xf32, #tpu.memory_space<vmem>>
    %dma_start3A_505 = tpu.memref_squeeze %dma_start3A_504 : memref<1x1x16x128xf32, #tpu.memory_space<vmem>> -> memref<16x128xf32, #tpu.memory_space<vmem>>
    %dma_start3A_506 = arith.constant 0 : i32
    %dma_start3A_507 = tpu.memref_slice %arg5[%dma_start3A_506, %multiple_of3A_479] : memref<16x1000000xf32, #tpu.memory_space<hbm>> -> memref<16x128xf32, #tpu.memory_space<hbm>>
    tpu.enqueue_dma source(%dma_start3A_507 : memref<16x128xf32, #tpu.memory_space<hbm>>) target(%dma_start3A_505 : memref<16x128xf32, #tpu.memory_space<vmem>>) target_semaphore(%arg13 : memref<!tpu.dma_semaphore, #tpu.memory_space<semaphore_mem>>)
    %slice3A_508 = vector.extract_strided_slice %mul3A_333 {offsets = [5], sizes = [1], strides = [1]} : vector<16xi32> to vector<1xi32>
    %squeeze3A_509 = vector.extract %slice3A_508[0] : i32 from vector<1xi32>
    %multiple_of3A_510 = tpu.assume_multiple %squeeze3A_509, 128 : i32
    %slice3A_511 = vector.extract_strided_slice %mul3A_341 {offsets = [5], sizes = [1], strides = [1]} : vector<16xi32> to vector<1xi32>
    %squeeze3A_512 = vector.extract %slice3A_511[0] : i32 from vector<1xi32>
    %multiple_of3A_513 = tpu.assume_multiple %squeeze3A_512, 128 : i32
    %dma_start3A_514 = arith.constant 0 : i32
    %dma_start3A_515 = arith.constant 5 : i32
    %dma_start3A_516 = arith.constant 0 : i32
    %dma_start3A_517 = arith.constant 0 : i32
    %dma_start3A_518 = tpu.memref_slice %arg10[%dma_start3A_514, %dma_start3A_515, %dma_start3A_516, %dma_start3A_517] : memref<2x16x16x128xf32, #tpu.memory_space<vmem>> -> memref<1x1x16x128xf32, #tpu.memory_space<vmem>>
    %dma_start3A_519 = tpu.memref_squeeze %dma_start3A_518 : memref<1x1x16x128xf32, #tpu.memory_space<vmem>> -> memref<16x128xf32, #tpu.memory_space<vmem>>
    %dma_start3A_520 = arith.constant 0 : i32
    %dma_start3A_521 = tpu.memref_slice %arg4[%dma_start3A_520, %multiple_of3A_510] : memref<16x1000000xf32, #tpu.memory_space<hbm>> -> memref<16x128xf32, #tpu.memory_space<hbm>>
    %dma_start3A_522 = arith.constant 0 : i32
    %dma_start3A_523 = arith.constant 0 : i32
    %dma_start3A_524 = tpu.memref_slice %arg10[%dma_start3A_514, %dma_start3A_515, %dma_start3A_522, %dma_start3A_523] : memref<2x16x16x128xf32, #tpu.memory_space<vmem>> -> memref<1x1x16x128xf32, #tpu.memory_space<vmem>>
    %dma_start3A_525 = tpu.memref_squeeze %dma_start3A_524 : memref<1x1x16x128xf32, #tpu.memory_space<vmem>> -> memref<16x128xf32, #tpu.memory_space<vmem>>
    %dma_start3A_526 = arith.constant 0 : i32
    %dma_start3A_527 = tpu.memref_slice %arg4[%dma_start3A_526, %multiple_of3A_510] : memref<16x1000000xf32, #tpu.memory_space<hbm>> -> memref<16x128xf32, #tpu.memory_space<hbm>>
    tpu.enqueue_dma source(%dma_start3A_527 : memref<16x128xf32, #tpu.memory_space<hbm>>) target(%dma_start3A_525 : memref<16x128xf32, #tpu.memory_space<vmem>>) target_semaphore(%arg13 : memref<!tpu.dma_semaphore, #tpu.memory_space<semaphore_mem>>)
    %dma_start3A_528 = arith.constant 0 : i32
    %dma_start3A_529 = arith.constant 13 : i32
    %dma_start3A_530 = arith.constant 0 : i32
    %dma_start3A_531 = arith.constant 0 : i32
    %dma_start3A_532 = tpu.memref_slice %arg10[%dma_start3A_528, %dma_start3A_529, %dma_start3A_530, %dma_start3A_531] : memref<2x16x16x128xf32, #tpu.memory_space<vmem>> -> memref<1x1x16x128xf32, #tpu.memory_space<vmem>>
    %dma_start3A_533 = tpu.memref_squeeze %dma_start3A_532 : memref<1x1x16x128xf32, #tpu.memory_space<vmem>> -> memref<16x128xf32, #tpu.memory_space<vmem>>
    %dma_start3A_534 = arith.constant 0 : i32
    %dma_start3A_535 = tpu.memref_slice %arg5[%dma_start3A_534, %multiple_of3A_513] : memref<16x1000000xf32, #tpu.memory_space<hbm>> -> memref<16x128xf32, #tpu.memory_space<hbm>>
    %dma_start3A_536 = arith.constant 0 : i32
    %dma_start3A_537 = arith.constant 0 : i32
    %dma_start3A_538 = tpu.memref_slice %arg10[%dma_start3A_528, %dma_start3A_529, %dma_start3A_536, %dma_start3A_537] : memref<2x16x16x128xf32, #tpu.memory_space<vmem>> -> memref<1x1x16x128xf32, #tpu.memory_space<vmem>>
    %dma_start3A_539 = tpu.memref_squeeze %dma_start3A_538 : memref<1x1x16x128xf32, #tpu.memory_space<vmem>> -> memref<16x128xf32, #tpu.memory_space<vmem>>
    %dma_start3A_540 = arith.constant 0 : i32
    %dma_start3A_541 = tpu.memref_slice %arg5[%dma_start3A_540, %multiple_of3A_513] : memref<16x1000000xf32, #tpu.memory_space<hbm>> -> memref<16x128xf32, #tpu.memory_space<hbm>>
    tpu.enqueue_dma source(%dma_start3A_541 : memref<16x128xf32, #tpu.memory_space<hbm>>) target(%dma_start3A_539 : memref<16x128xf32, #tpu.memory_space<vmem>>) target_semaphore(%arg13 : memref<!tpu.dma_semaphore, #tpu.memory_space<semaphore_mem>>)
    %slice3A_542 = vector.extract_strided_slice %mul3A_333 {offsets = [6], sizes = [1], strides = [1]} : vector<16xi32> to vector<1xi32>
    %squeeze3A_543 = vector.extract %slice3A_542[0] : i32 from vector<1xi32>
    %multiple_of3A_544 = tpu.assume_multiple %squeeze3A_543, 128 : i32
    %slice3A_545 = vector.extract_strided_slice %mul3A_341 {offsets = [6], sizes = [1], strides = [1]} : vector<16xi32> to vector<1xi32>
    %squeeze3A_546 = vector.extract %slice3A_545[0] : i32 from vector<1xi32>
    %multiple_of3A_547 = tpu.assume_multiple %squeeze3A_546, 128 : i32
    %dma_start3A_548 = arith.constant 0 : i32
    %dma_start3A_549 = arith.constant 6 : i32
    %dma_start3A_550 = arith.constant 0 : i32
    %dma_start3A_551 = arith.constant 0 : i32
    %dma_start3A_552 = tpu.memref_slice %arg10[%dma_start3A_548, %dma_start3A_549, %dma_start3A_550, %dma_start3A_551] : memref<2x16x16x128xf32, #tpu.memory_space<vmem>> -> memref<1x1x16x128xf32, #tpu.memory_space<vmem>>
    %dma_start3A_553 = tpu.memref_squeeze %dma_start3A_552 : memref<1x1x16x128xf32, #tpu.memory_space<vmem>> -> memref<16x128xf32, #tpu.memory_space<vmem>>
    %dma_start3A_554 = arith.constant 0 : i32
    %dma_start3A_555 = tpu.memref_slice %arg4[%dma_start3A_554, %multiple_of3A_544] : memref<16x1000000xf32, #tpu.memory_space<hbm>> -> memref<16x128xf32, #tpu.memory_space<hbm>>
    %dma_start3A_556 = arith.constant 0 : i32
    %dma_start3A_557 = arith.constant 0 : i32
    %dma_start3A_558 = tpu.memref_slice %arg10[%dma_start3A_548, %dma_start3A_549, %dma_start3A_556, %dma_start3A_557] : memref<2x16x16x128xf32, #tpu.memory_space<vmem>> -> memref<1x1x16x128xf32, #tpu.memory_space<vmem>>
    %dma_start3A_559 = tpu.memref_squeeze %dma_start3A_558 : memref<1x1x16x128xf32, #tpu.memory_space<vmem>> -> memref<16x128xf32, #tpu.memory_space<vmem>>
    %dma_start3A_560 = arith.constant 0 : i32
    %dma_start3A_561 = tpu.memref_slice %arg4[%dma_start3A_560, %multiple_of3A_544] : memref<16x1000000xf32, #tpu.memory_space<hbm>> -> memref<16x128xf32, #tpu.memory_space<hbm>>
    tpu.enqueue_dma source(%dma_start3A_561 : memref<16x128xf32, #tpu.memory_space<hbm>>) target(%dma_start3A_559 : memref<16x128xf32, #tpu.memory_space<vmem>>) target_semaphore(%arg13 : memref<!tpu.dma_semaphore, #tpu.memory_space<semaphore_mem>>)
    %dma_start3A_562 = arith.constant 0 : i32
    %dma_start3A_563 = arith.constant 14 : i32
    %dma_start3A_564 = arith.constant 0 : i32
    %dma_start3A_565 = arith.constant 0 : i32
    %dma_start3A_566 = tpu.memref_slice %arg10[%dma_start3A_562, %dma_start3A_563, %dma_start3A_564, %dma_start3A_565] : memref<2x16x16x128xf32, #tpu.memory_space<vmem>> -> memref<1x1x16x128xf32, #tpu.memory_space<vmem>>
    %dma_start3A_567 = tpu.memref_squeeze %dma_start3A_566 : memref<1x1x16x128xf32, #tpu.memory_space<vmem>> -> memref<16x128xf32, #tpu.memory_space<vmem>>
    %dma_start3A_568 = arith.constant 0 : i32
    %dma_start3A_569 = tpu.memref_slice %arg5[%dma_start3A_568, %multiple_of3A_547] : memref<16x1000000xf32, #tpu.memory_space<hbm>> -> memref<16x128xf32, #tpu.memory_space<hbm>>
    %dma_start3A_570 = arith.constant 0 : i32
    %dma_start3A_571 = arith.constant 0 : i32
    %dma_start3A_572 = tpu.memref_slice %arg10[%dma_start3A_562, %dma_start3A_563, %dma_start3A_570, %dma_start3A_571] : memref<2x16x16x128xf32, #tpu.memory_space<vmem>> -> memref<1x1x16x128xf32, #tpu.memory_space<vmem>>
    %dma_start3A_573 = tpu.memref_squeeze %dma_start3A_572 : memref<1x1x16x128xf32, #tpu.memory_space<vmem>> -> memref<16x128xf32, #tpu.memory_space<vmem>>
    %dma_start3A_574 = arith.constant 0 : i32
    %dma_start3A_575 = tpu.memref_slice %arg5[%dma_start3A_574, %multiple_of3A_547] : memref<16x1000000xf32, #tpu.memory_space<hbm>> -> memref<16x128xf32, #tpu.memory_space<hbm>>
    tpu.enqueue_dma source(%dma_start3A_575 : memref<16x128xf32, #tpu.memory_space<hbm>>) target(%dma_start3A_573 : memref<16x128xf32, #tpu.memory_space<vmem>>) target_semaphore(%arg13 : memref<!tpu.dma_semaphore, #tpu.memory_space<semaphore_mem>>)
    %slice3A_576 = vector.extract_strided_slice %mul3A_333 {offsets = [7], sizes = [1], strides = [1]} : vector<16xi32> to vector<1xi32>
    %squeeze3A_577 = vector.extract %slice3A_576[0] : i32 from vector<1xi32>
    %multiple_of3A_578 = tpu.assume_multiple %squeeze3A_577, 128 : i32
    %slice3A_579 = vector.extract_strided_slice %mul3A_341 {offsets = [7], sizes = [1], strides = [1]} : vector<16xi32> to vector<1xi32>
    %squeeze3A_580 = vector.extract %slice3A_579[0] : i32 from vector<1xi32>
    %multiple_of3A_581 = tpu.assume_multiple %squeeze3A_580, 128 : i32
    %dma_start3A_582 = arith.constant 0 : i32
    %dma_start3A_583 = arith.constant 7 : i32
    %dma_start3A_584 = arith.constant 0 : i32
    %dma_start3A_585 = arith.constant 0 : i32
    %dma_start3A_586 = tpu.memref_slice %arg10[%dma_start3A_582, %dma_start3A_583, %dma_start3A_584, %dma_start3A_585] : memref<2x16x16x128xf32, #tpu.memory_space<vmem>> -> memref<1x1x16x128xf32, #tpu.memory_space<vmem>>
    %dma_start3A_587 = tpu.memref_squeeze %dma_start3A_586 : memref<1x1x16x128xf32, #tpu.memory_space<vmem>> -> memref<16x128xf32, #tpu.memory_space<vmem>>
    %dma_start3A_588 = arith.constant 0 : i32
    %dma_start3A_589 = tpu.memref_slice %arg4[%dma_start3A_588, %multiple_of3A_578] : memref<16x1000000xf32, #tpu.memory_space<hbm>> -> memref<16x128xf32, #tpu.memory_space<hbm>>
    %dma_start3A_590 = arith.constant 0 : i32
    %dma_start3A_591 = arith.constant 0 : i32
    %dma_start3A_592 = tpu.memref_slice %arg10[%dma_start3A_582, %dma_start3A_583, %dma_start3A_590, %dma_start3A_591] : memref<2x16x16x128xf32, #tpu.memory_space<vmem>> -> memref<1x1x16x128xf32, #tpu.memory_space<vmem>>
    %dma_start3A_593 = tpu.memref_squeeze %dma_start3A_592 : memref<1x1x16x128xf32, #tpu.memory_space<vmem>> -> memref<16x128xf32, #tpu.memory_space<vmem>>
    %dma_start3A_594 = arith.constant 0 : i32
    %dma_start3A_595 = tpu.memref_slice %arg4[%dma_start3A_594, %multiple_of3A_578] : memref<16x1000000xf32, #tpu.memory_space<hbm>> -> memref<16x128xf32, #tpu.memory_space<hbm>>
    tpu.enqueue_dma source(%dma_start3A_595 : memref<16x128xf32, #tpu.memory_space<hbm>>) target(%dma_start3A_593 : memref<16x128xf32, #tpu.memory_space<vmem>>) target_semaphore(%arg13 : memref<!tpu.dma_semaphore, #tpu.memory_space<semaphore_mem>>)
    %dma_start3A_596 = arith.constant 0 : i32
    %dma_start3A_597 = arith.constant 15 : i32
    %dma_start3A_598 = arith.constant 0 : i32
    %dma_start3A_599 = arith.constant 0 : i32
    %dma_start3A_600 = tpu.memref_slice %arg10[%dma_start3A_596, %dma_start3A_597, %dma_start3A_598, %dma_start3A_599] : memref<2x16x16x128xf32, #tpu.memory_space<vmem>> -> memref<1x1x16x128xf32, #tpu.memory_space<vmem>>
    %dma_start3A_601 = tpu.memref_squeeze %dma_start3A_600 : memref<1x1x16x128xf32, #tpu.memory_space<vmem>> -> memref<16x128xf32, #tpu.memory_space<vmem>>
    %dma_start3A_602 = arith.constant 0 : i32
    %dma_start3A_603 = tpu.memref_slice %arg5[%dma_start3A_602, %multiple_of3A_581] : memref<16x1000000xf32, #tpu.memory_space<hbm>> -> memref<16x128xf32, #tpu.memory_space<hbm>>
    %dma_start3A_604 = arith.constant 0 : i32
    %dma_start3A_605 = arith.constant 0 : i32
    %dma_start3A_606 = tpu.memref_slice %arg10[%dma_start3A_596, %dma_start3A_597, %dma_start3A_604, %dma_start3A_605] : memref<2x16x16x128xf32, #tpu.memory_space<vmem>> -> memref<1x1x16x128xf32, #tpu.memory_space<vmem>>
    %dma_start3A_607 = tpu.memref_squeeze %dma_start3A_606 : memref<1x1x16x128xf32, #tpu.memory_space<vmem>> -> memref<16x128xf32, #tpu.memory_space<vmem>>
    %dma_start3A_608 = arith.constant 0 : i32
    %dma_start3A_609 = tpu.memref_slice %arg5[%dma_start3A_608, %multiple_of3A_581] : memref<16x1000000xf32, #tpu.memory_space<hbm>> -> memref<16x128xf32, #tpu.memory_space<hbm>>
    tpu.enqueue_dma source(%dma_start3A_609 : memref<16x128xf32, #tpu.memory_space<hbm>>) target(%dma_start3A_607 : memref<16x128xf32, #tpu.memory_space<vmem>>) target_semaphore(%arg13 : memref<!tpu.dma_semaphore, #tpu.memory_space<semaphore_mem>>)
    %scan3A = arith.constant 0 : i32
    %scan3A_610 = arith.constant 0 : i32
    %scan3A_611 = arith.constant 31 : i32
    %scan3A_612 = arith.addi %scan3A_610, %scan3A_611 : i32
    %scan3A_613 = arith.constant 1 : i32
    scf.for %scan3A_1103 = %scan3A_610 to %scan3A_612 step %scan3A_613  : i32 {
      %mul3A_1104 = arith.constant 2 : i32
      %mul3A_1105 = arith.muli %scan3A_1103, %mul3A_1104 : i32
      %add3A_1106 = arith.constant 1 : i32
      %add3A_1107 = arith.addi %mul3A_1105, %add3A_1106 : i32
      %mul3A_1108 = arith.constant 8 : i32
      %mul3A_1109 = arith.muli %add3A_1107, %mul3A_1108 : i32
      %get3A_1110 = arith.index_cast %mul3A_1109 : i32 to index
      %get3A_1111 = tpu.vector_load %arg8[%get3A_1110] {strides = array<i32>} : memref<520xi32, #tpu.memory_space<vmem>>, vector<16xi32>,
      %shift_right_arithmetic3A_1112 = arith.constant 7 : i32
      %shift_right_arithmetic3A_1113 = vector.broadcast %shift_right_arithmetic3A_1112 : i32 to vector<16xi32>
      %shift_right_arithmetic3A_1114 = arith.shrsi %get3A_1111, %shift_right_arithmetic3A_1113 : vector<16xi32>
      %mul3A_1115 = arith.constant 128 : i32
      %mul3A_1116 = vector.broadcast %mul3A_1115 : i32 to vector<16xi32>
      %mul3A_1117 = arith.muli %shift_right_arithmetic3A_1114, %mul3A_1116 : vector<16xi32>
      %get3A_1118 = arith.index_cast %mul3A_1109 : i32 to index
      %get3A_1119 = tpu.vector_load %arg9[%get3A_1118] {strides = array<i32>} : memref<520xi32, #tpu.memory_space<vmem>>, vector<16xi32>,
      %shift_right_arithmetic3A_1120 = arith.constant 7 : i32
      %shift_right_arithmetic3A_1121 = vector.broadcast %shift_right_arithmetic3A_1120 : i32 to vector<16xi32>
      %shift_right_arithmetic3A_1122 = arith.shrsi %get3A_1119, %shift_right_arithmetic3A_1121 : vector<16xi32>
      %mul3A_1123 = arith.constant 128 : i32
      %mul3A_1124 = vector.broadcast %mul3A_1123 : i32 to vector<16xi32>
      %mul3A_1125 = arith.muli %shift_right_arithmetic3A_1122, %mul3A_1124 : vector<16xi32>
      %slice3A_1126 = vector.extract_strided_slice %mul3A_1117 {offsets = [0], sizes = [1], strides = [1]} : vector<16xi32> to vector<1xi32>
      %squeeze3A_1127 = vector.extract %slice3A_1126[0] : i32 from vector<1xi32>
      %multiple_of3A_1128 = tpu.assume_multiple %squeeze3A_1127, 128 : i32
      %slice3A_1129 = vector.extract_strided_slice %mul3A_1125 {offsets = [0], sizes = [1], strides = [1]} : vector<16xi32> to vector<1xi32>
      %squeeze3A_1130 = vector.extract %slice3A_1129[0] : i32 from vector<1xi32>
      %multiple_of3A_1131 = tpu.assume_multiple %squeeze3A_1130, 128 : i32
      %dma_start3A_1132 = arith.constant 1 : i32
      %dma_start3A_1133 = arith.constant 0 : i32
      %dma_start3A_1134 = arith.constant 0 : i32
      %dma_start3A_1135 = arith.constant 0 : i32
      %dma_start3A_1136 = tpu.memref_slice %arg10[%dma_start3A_1132, %dma_start3A_1133, %dma_start3A_1134, %dma_start3A_1135] : memref<2x16x16x128xf32, #tpu.memory_space<vmem>> -> memref<1x1x16x128xf32, #tpu.memory_space<vmem>>
      %dma_start3A_1137 = tpu.memref_squeeze %dma_start3A_1136 : memref<1x1x16x128xf32, #tpu.memory_space<vmem>> -> memref<16x128xf32, #tpu.memory_space<vmem>>
      %dma_start3A_1138 = arith.constant 0 : i32
      %dma_start3A_1139 = tpu.memref_slice %arg4[%dma_start3A_1138, %multiple_of3A_1128] : memref<16x1000000xf32, #tpu.memory_space<hbm>> -> memref<16x128xf32, #tpu.memory_space<hbm>>
      %dma_start3A_1140 = arith.constant 0 : i32
      %dma_start3A_1141 = arith.constant 0 : i32
      %dma_start3A_1142 = tpu.memref_slice %arg10[%dma_start3A_1132, %dma_start3A_1133, %dma_start3A_1140, %dma_start3A_1141] : memref<2x16x16x128xf32, #tpu.memory_space<vmem>> -> memref<1x1x16x128xf32, #tpu.memory_space<vmem>>
      %dma_start3A_1143 = tpu.memref_squeeze %dma_start3A_1142 : memref<1x1x16x128xf32, #tpu.memory_space<vmem>> -> memref<16x128xf32, #tpu.memory_space<vmem>>
      %dma_start3A_1144 = arith.constant 0 : i32
      %dma_start3A_1145 = tpu.memref_slice %arg4[%dma_start3A_1144, %multiple_of3A_1128] : memref<16x1000000xf32, #tpu.memory_space<hbm>> -> memref<16x128xf32, #tpu.memory_space<hbm>>
      tpu.enqueue_dma source(%dma_start3A_1145 : memref<16x128xf32, #tpu.memory_space<hbm>>) target(%dma_start3A_1143 : memref<16x128xf32, #tpu.memory_space<vmem>>) target_semaphore(%arg14 : memref<!tpu.dma_semaphore, #tpu.memory_space<semaphore_mem>>)
      %dma_start3A_1146 = arith.constant 1 : i32
      %dma_start3A_1147 = arith.constant 8 : i32
      %dma_start3A_1148 = arith.constant 0 : i32
      %dma_start3A_1149 = arith.constant 0 : i32
      %dma_start3A_1150 = tpu.memref_slice %arg10[%dma_start3A_1146, %dma_start3A_1147, %dma_start3A_1148, %dma_start3A_1149] : memref<2x16x16x128xf32, #tpu.memory_space<vmem>> -> memref<1x1x16x128xf32, #tpu.memory_space<vmem>>
      %dma_start3A_1151 = tpu.memref_squeeze %dma_start3A_1150 : memref<1x1x16x128xf32, #tpu.memory_space<vmem>> -> memref<16x128xf32, #tpu.memory_space<vmem>>
      %dma_start3A_1152 = arith.constant 0 : i32
      %dma_start3A_1153 = tpu.memref_slice %arg5[%dma_start3A_1152, %multiple_of3A_1131] : memref<16x1000000xf32, #tpu.memory_space<hbm>> -> memref<16x128xf32, #tpu.memory_space<hbm>>
      %dma_start3A_1154 = arith.constant 0 : i32
      %dma_start3A_1155 = arith.constant 0 : i32
      %dma_start3A_1156 = tpu.memref_slice %arg10[%dma_start3A_1146, %dma_start3A_1147, %dma_start3A_1154, %dma_start3A_1155] : memref<2x16x16x128xf32, #tpu.memory_space<vmem>> -> memref<1x1x16x128xf32, #tpu.memory_space<vmem>>
      %dma_start3A_1157 = tpu.memref_squeeze %dma_start3A_1156 : memref<1x1x16x128xf32, #tpu.memory_space<vmem>> -> memref<16x128xf32, #tpu.memory_space<vmem>>
      %dma_start3A_1158 = arith.constant 0 : i32
      %dma_start3A_1159 = tpu.memref_slice %arg5[%dma_start3A_1158, %multiple_of3A_1131] : memref<16x1000000xf32, #tpu.memory_space<hbm>> -> memref<16x128xf32, #tpu.memory_space<hbm>>
      tpu.enqueue_dma source(%dma_start3A_1159 : memref<16x128xf32, #tpu.memory_space<hbm>>) target(%dma_start3A_1157 : memref<16x128xf32, #tpu.memory_space<vmem>>) target_semaphore(%arg14 : memref<!tpu.dma_semaphore, #tpu.memory_space<semaphore_mem>>)
      %slice3A_1160 = vector.extract_strided_slice %mul3A_1117 {offsets = [1], sizes = [1], strides = [1]} : vector<16xi32> to vector<1xi32>
      %squeeze3A_1161 = vector.extract %slice3A_1160[0] : i32 from vector<1xi32>
      %multiple_of3A_1162 = tpu.assume_multiple %squeeze3A_1161, 128 : i32
      %slice3A_1163 = vector.extract_strided_slice %mul3A_1125 {offsets = [1], sizes = [1], strides = [1]} : vector<16xi32> to vector<1xi32>
      %squeeze3A_1164 = vector.extract %slice3A_1163[0] : i32 from vector<1xi32>
      %multiple_of3A_1165 = tpu.assume_multiple %squeeze3A_1164, 128 : i32
      %dma_start3A_1166 = arith.constant 1 : i32
      %dma_start3A_1167 = arith.constant 1 : i32
      %dma_start3A_1168 = arith.constant 0 : i32
      %dma_start3A_1169 = arith.constant 0 : i32
      %dma_start3A_1170 = tpu.memref_slice %arg10[%dma_start3A_1166, %dma_start3A_1167, %dma_start3A_1168, %dma_start3A_1169] : memref<2x16x16x128xf32, #tpu.memory_space<vmem>> -> memref<1x1x16x128xf32, #tpu.memory_space<vmem>>
      %dma_start3A_1171 = tpu.memref_squeeze %dma_start3A_1170 : memref<1x1x16x128xf32, #tpu.memory_space<vmem>> -> memref<16x128xf32, #tpu.memory_space<vmem>>
      %dma_start3A_1172 = arith.constant 0 : i32
      %dma_start3A_1173 = tpu.memref_slice %arg4[%dma_start3A_1172, %multiple_of3A_1162] : memref<16x1000000xf32, #tpu.memory_space<hbm>> -> memref<16x128xf32, #tpu.memory_space<hbm>>
      %dma_start3A_1174 = arith.constant 0 : i32
      %dma_start3A_1175 = arith.constant 0 : i32
      %dma_start3A_1176 = tpu.memref_slice %arg10[%dma_start3A_1166, %dma_start3A_1167, %dma_start3A_1174, %dma_start3A_1175] : memref<2x16x16x128xf32, #tpu.memory_space<vmem>> -> memref<1x1x16x128xf32, #tpu.memory_space<vmem>>
      %dma_start3A_1177 = tpu.memref_squeeze %dma_start3A_1176 : memref<1x1x16x128xf32, #tpu.memory_space<vmem>> -> memref<16x128xf32, #tpu.memory_space<vmem>>
      %dma_start3A_1178 = arith.constant 0 : i32
      %dma_start3A_1179 = tpu.memref_slice %arg4[%dma_start3A_1178, %multiple_of3A_1162] : memref<16x1000000xf32, #tpu.memory_space<hbm>> -> memref<16x128xf32, #tpu.memory_space<hbm>>
      tpu.enqueue_dma source(%dma_start3A_1179 : memref<16x128xf32, #tpu.memory_space<hbm>>) target(%dma_start3A_1177 : memref<16x128xf32, #tpu.memory_space<vmem>>) target_semaphore(%arg14 : memref<!tpu.dma_semaphore, #tpu.memory_space<semaphore_mem>>)
      %dma_start3A_1180 = arith.constant 1 : i32
      %dma_start3A_1181 = arith.constant 9 : i32
      %dma_start3A_1182 = arith.constant 0 : i32
      %dma_start3A_1183 = arith.constant 0 : i32
      %dma_start3A_1184 = tpu.memref_slice %arg10[%dma_start3A_1180, %dma_start3A_1181, %dma_start3A_1182, %dma_start3A_1183] : memref<2x16x16x128xf32, #tpu.memory_space<vmem>> -> memref<1x1x16x128xf32, #tpu.memory_space<vmem>>
      %dma_start3A_1185 = tpu.memref_squeeze %dma_start3A_1184 : memref<1x1x16x128xf32, #tpu.memory_space<vmem>> -> memref<16x128xf32, #tpu.memory_space<vmem>>
      %dma_start3A_1186 = arith.constant 0 : i32
      %dma_start3A_1187 = tpu.memref_slice %arg5[%dma_start3A_1186, %multiple_of3A_1165] : memref<16x1000000xf32, #tpu.memory_space<hbm>> -> memref<16x128xf32, #tpu.memory_space<hbm>>
      %dma_start3A_1188 = arith.constant 0 : i32
      %dma_start3A_1189 = arith.constant 0 : i32
      %dma_start3A_1190 = tpu.memref_slice %arg10[%dma_start3A_1180, %dma_start3A_1181, %dma_start3A_1188, %dma_start3A_1189] : memref<2x16x16x128xf32, #tpu.memory_space<vmem>> -> memref<1x1x16x128xf32, #tpu.memory_space<vmem>>
      %dma_start3A_1191 = tpu.memref_squeeze %dma_start3A_1190 : memref<1x1x16x128xf32, #tpu.memory_space<vmem>> -> memref<16x128xf32, #tpu.memory_space<vmem>>
      %dma_start3A_1192 = arith.constant 0 : i32
      %dma_start3A_1193 = tpu.memref_slice %arg5[%dma_start3A_1192, %multiple_of3A_1165] : memref<16x1000000xf32, #tpu.memory_space<hbm>> -> memref<16x128xf32, #tpu.memory_space<hbm>>
      tpu.enqueue_dma source(%dma_start3A_1193 : memref<16x128xf32, #tpu.memory_space<hbm>>) target(%dma_start3A_1191 : memref<16x128xf32, #tpu.memory_space<vmem>>) target_semaphore(%arg14 : memref<!tpu.dma_semaphore, #tpu.memory_space<semaphore_mem>>)
      %slice3A_1194 = vector.extract_strided_slice %mul3A_1117 {offsets = [2], sizes = [1], strides = [1]} : vector<16xi32> to vector<1xi32>
      %squeeze3A_1195 = vector.extract %slice3A_1194[0] : i32 from vector<1xi32>
      %multiple_of3A_1196 = tpu.assume_multiple %squeeze3A_1195, 128 : i32
      %slice3A_1197 = vector.extract_strided_slice %mul3A_1125 {offsets = [2], sizes = [1], strides = [1]} : vector<16xi32> to vector<1xi32>
      %squeeze3A_1198 = vector.extract %slice3A_1197[0] : i32 from vector<1xi32>
      %multiple_of3A_1199 = tpu.assume_multiple %squeeze3A_1198, 128 : i32
      %dma_start3A_1200 = arith.constant 1 : i32
      %dma_start3A_1201 = arith.constant 2 : i32
      %dma_start3A_1202 = arith.constant 0 : i32
      %dma_start3A_1203 = arith.constant 0 : i32
      %dma_start3A_1204 = tpu.memref_slice %arg10[%dma_start3A_1200, %dma_start3A_1201, %dma_start3A_1202, %dma_start3A_1203] : memref<2x16x16x128xf32, #tpu.memory_space<vmem>> -> memref<1x1x16x128xf32, #tpu.memory_space<vmem>>
      %dma_start3A_1205 = tpu.memref_squeeze %dma_start3A_1204 : memref<1x1x16x128xf32, #tpu.memory_space<vmem>> -> memref<16x128xf32, #tpu.memory_space<vmem>>
      %dma_start3A_1206 = arith.constant 0 : i32
      %dma_start3A_1207 = tpu.memref_slice %arg4[%dma_start3A_1206, %multiple_of3A_1196] : memref<16x1000000xf32, #tpu.memory_space<hbm>> -> memref<16x128xf32, #tpu.memory_space<hbm>>
      %dma_start3A_1208 = arith.constant 0 : i32
      %dma_start3A_1209 = arith.constant 0 : i32
      %dma_start3A_1210 = tpu.memref_slice %arg10[%dma_start3A_1200, %dma_start3A_1201, %dma_start3A_1208, %dma_start3A_1209] : memref<2x16x16x128xf32, #tpu.memory_space<vmem>> -> memref<1x1x16x128xf32, #tpu.memory_space<vmem>>
      %dma_start3A_1211 = tpu.memref_squeeze %dma_start3A_1210 : memref<1x1x16x128xf32, #tpu.memory_space<vmem>> -> memref<16x128xf32, #tpu.memory_space<vmem>>
      %dma_start3A_1212 = arith.constant 0 : i32
      %dma_start3A_1213 = tpu.memref_slice %arg4[%dma_start3A_1212, %multiple_of3A_1196] : memref<16x1000000xf32, #tpu.memory_space<hbm>> -> memref<16x128xf32, #tpu.memory_space<hbm>>
      tpu.enqueue_dma source(%dma_start3A_1213 : memref<16x128xf32, #tpu.memory_space<hbm>>) target(%dma_start3A_1211 : memref<16x128xf32, #tpu.memory_space<vmem>>) target_semaphore(%arg14 : memref<!tpu.dma_semaphore, #tpu.memory_space<semaphore_mem>>)
      %dma_start3A_1214 = arith.constant 1 : i32
      %dma_start3A_1215 = arith.constant 10 : i32
      %dma_start3A_1216 = arith.constant 0 : i32
      %dma_start3A_1217 = arith.constant 0 : i32
      %dma_start3A_1218 = tpu.memref_slice %arg10[%dma_start3A_1214, %dma_start3A_1215, %dma_start3A_1216, %dma_start3A_1217] : memref<2x16x16x128xf32, #tpu.memory_space<vmem>> -> memref<1x1x16x128xf32, #tpu.memory_space<vmem>>
      %dma_start3A_1219 = tpu.memref_squeeze %dma_start3A_1218 : memref<1x1x16x128xf32, #tpu.memory_space<vmem>> -> memref<16x128xf32, #tpu.memory_space<vmem>>
      %dma_start3A_1220 = arith.constant 0 : i32
      %dma_start3A_1221 = tpu.memref_slice %arg5[%dma_start3A_1220, %multiple_of3A_1199] : memref<16x1000000xf32, #tpu.memory_space<hbm>> -> memref<16x128xf32, #tpu.memory_space<hbm>>
      %dma_start3A_1222 = arith.constant 0 : i32
      %dma_start3A_1223 = arith.constant 0 : i32
      %dma_start3A_1224 = tpu.memref_slice %arg10[%dma_start3A_1214, %dma_start3A_1215, %dma_start3A_1222, %dma_start3A_1223] : memref<2x16x16x128xf32, #tpu.memory_space<vmem>> -> memref<1x1x16x128xf32, #tpu.memory_space<vmem>>
      %dma_start3A_1225 = tpu.memref_squeeze %dma_start3A_1224 : memref<1x1x16x128xf32, #tpu.memory_space<vmem>> -> memref<16x128xf32, #tpu.memory_space<vmem>>
      %dma_start3A_1226 = arith.constant 0 : i32
      %dma_start3A_1227 = tpu.memref_slice %arg5[%dma_start3A_1226, %multiple_of3A_1199] : memref<16x1000000xf32, #tpu.memory_space<hbm>> -> memref<16x128xf32, #tpu.memory_space<hbm>>
      tpu.enqueue_dma source(%dma_start3A_1227 : memref<16x128xf32, #tpu.memory_space<hbm>>) target(%dma_start3A_1225 : memref<16x128xf32, #tpu.memory_space<vmem>>) target_semaphore(%arg14 : memref<!tpu.dma_semaphore, #tpu.memory_space<semaphore_mem>>)
      %slice3A_1228 = vector.extract_strided_slice %mul3A_1117 {offsets = [3], sizes = [1], strides = [1]} : vector<16xi32> to vector<1xi32>
      %squeeze3A_1229 = vector.extract %slice3A_1228[0] : i32 from vector<1xi32>
      %multiple_of3A_1230 = tpu.assume_multiple %squeeze3A_1229, 128 : i32
      %slice3A_1231 = vector.extract_strided_slice %mul3A_1125 {offsets = [3], sizes = [1], strides = [1]} : vector<16xi32> to vector<1xi32>
      %squeeze3A_1232 = vector.extract %slice3A_1231[0] : i32 from vector<1xi32>
      %multiple_of3A_1233 = tpu.assume_multiple %squeeze3A_1232, 128 : i32
      %dma_start3A_1234 = arith.constant 1 : i32
      %dma_start3A_1235 = arith.constant 3 : i32
      %dma_start3A_1236 = arith.constant 0 : i32
      %dma_start3A_1237 = arith.constant 0 : i32
      %dma_start3A_1238 = tpu.memref_slice %arg10[%dma_start3A_1234, %dma_start3A_1235, %dma_start3A_1236, %dma_start3A_1237] : memref<2x16x16x128xf32, #tpu.memory_space<vmem>> -> memref<1x1x16x128xf32, #tpu.memory_space<vmem>>
      %dma_start3A_1239 = tpu.memref_squeeze %dma_start3A_1238 : memref<1x1x16x128xf32, #tpu.memory_space<vmem>> -> memref<16x128xf32, #tpu.memory_space<vmem>>
      %dma_start3A_1240 = arith.constant 0 : i32
      %dma_start3A_1241 = tpu.memref_slice %arg4[%dma_start3A_1240, %multiple_of3A_1230] : memref<16x1000000xf32, #tpu.memory_space<hbm>> -> memref<16x128xf32, #tpu.memory_space<hbm>>
      %dma_start3A_1242 = arith.constant 0 : i32
      %dma_start3A_1243 = arith.constant 0 : i32
      %dma_start3A_1244 = tpu.memref_slice %arg10[%dma_start3A_1234, %dma_start3A_1235, %dma_start3A_1242, %dma_start3A_1243] : memref<2x16x16x128xf32, #tpu.memory_space<vmem>> -> memref<1x1x16x128xf32, #tpu.memory_space<vmem>>
      %dma_start3A_1245 = tpu.memref_squeeze %dma_start3A_1244 : memref<1x1x16x128xf32, #tpu.memory_space<vmem>> -> memref<16x128xf32, #tpu.memory_space<vmem>>
      %dma_start3A_1246 = arith.constant 0 : i32
      %dma_start3A_1247 = tpu.memref_slice %arg4[%dma_start3A_1246, %multiple_of3A_1230] : memref<16x1000000xf32, #tpu.memory_space<hbm>> -> memref<16x128xf32, #tpu.memory_space<hbm>>
      tpu.enqueue_dma source(%dma_start3A_1247 : memref<16x128xf32, #tpu.memory_space<hbm>>) target(%dma_start3A_1245 : memref<16x128xf32, #tpu.memory_space<vmem>>) target_semaphore(%arg14 : memref<!tpu.dma_semaphore, #tpu.memory_space<semaphore_mem>>)
      %dma_start3A_1248 = arith.constant 1 : i32
      %dma_start3A_1249 = arith.constant 11 : i32
      %dma_start3A_1250 = arith.constant 0 : i32
      %dma_start3A_1251 = arith.constant 0 : i32
      %dma_start3A_1252 = tpu.memref_slice %arg10[%dma_start3A_1248, %dma_start3A_1249, %dma_start3A_1250, %dma_start3A_1251] : memref<2x16x16x128xf32, #tpu.memory_space<vmem>> -> memref<1x1x16x128xf32, #tpu.memory_space<vmem>>
      %dma_start3A_1253 = tpu.memref_squeeze %dma_start3A_1252 : memref<1x1x16x128xf32, #tpu.memory_space<vmem>> -> memref<16x128xf32, #tpu.memory_space<vmem>>
      %dma_start3A_1254 = arith.constant 0 : i32
      %dma_start3A_1255 = tpu.memref_slice %arg5[%dma_start3A_1254, %multiple_of3A_1233] : memref<16x1000000xf32, #tpu.memory_space<hbm>> -> memref<16x128xf32, #tpu.memory_space<hbm>>
      %dma_start3A_1256 = arith.constant 0 : i32
      %dma_start3A_1257 = arith.constant 0 : i32
      %dma_start3A_1258 = tpu.memref_slice %arg10[%dma_start3A_1248, %dma_start3A_1249, %dma_start3A_1256, %dma_start3A_1257] : memref<2x16x16x128xf32, #tpu.memory_space<vmem>> -> memref<1x1x16x128xf32, #tpu.memory_space<vmem>>
      %dma_start3A_1259 = tpu.memref_squeeze %dma_start3A_1258 : memref<1x1x16x128xf32, #tpu.memory_space<vmem>> -> memref<16x128xf32, #tpu.memory_space<vmem>>
      %dma_start3A_1260 = arith.constant 0 : i32
      %dma_start3A_1261 = tpu.memref_slice %arg5[%dma_start3A_1260, %multiple_of3A_1233] : memref<16x1000000xf32, #tpu.memory_space<hbm>> -> memref<16x128xf32, #tpu.memory_space<hbm>>
      tpu.enqueue_dma source(%dma_start3A_1261 : memref<16x128xf32, #tpu.memory_space<hbm>>) target(%dma_start3A_1259 : memref<16x128xf32, #tpu.memory_space<vmem>>) target_semaphore(%arg14 : memref<!tpu.dma_semaphore, #tpu.memory_space<semaphore_mem>>)
      %slice3A_1262 = vector.extract_strided_slice %mul3A_1117 {offsets = [4], sizes = [1], strides = [1]} : vector<16xi32> to vector<1xi32>
      %squeeze3A_1263 = vector.extract %slice3A_1262[0] : i32 from vector<1xi32>
      %multiple_of3A_1264 = tpu.assume_multiple %squeeze3A_1263, 128 : i32
      %slice3A_1265 = vector.extract_strided_slice %mul3A_1125 {offsets = [4], sizes = [1], strides = [1]} : vector<16xi32> to vector<1xi32>
      %squeeze3A_1266 = vector.extract %slice3A_1265[0] : i32 from vector<1xi32>
      %multiple_of3A_1267 = tpu.assume_multiple %squeeze3A_1266, 128 : i32
      %dma_start3A_1268 = arith.constant 1 : i32
      %dma_start3A_1269 = arith.constant 4 : i32
      %dma_start3A_1270 = arith.constant 0 : i32
      %dma_start3A_1271 = arith.constant 0 : i32
      %dma_start3A_1272 = tpu.memref_slice %arg10[%dma_start3A_1268, %dma_start3A_1269, %dma_start3A_1270, %dma_start3A_1271] : memref<2x16x16x128xf32, #tpu.memory_space<vmem>> -> memref<1x1x16x128xf32, #tpu.memory_space<vmem>>
      %dma_start3A_1273 = tpu.memref_squeeze %dma_start3A_1272 : memref<1x1x16x128xf32, #tpu.memory_space<vmem>> -> memref<16x128xf32, #tpu.memory_space<vmem>>
      %dma_start3A_1274 = arith.constant 0 : i32
      %dma_start3A_1275 = tpu.memref_slice %arg4[%dma_start3A_1274, %multiple_of3A_1264] : memref<16x1000000xf32, #tpu.memory_space<hbm>> -> memref<16x128xf32, #tpu.memory_space<hbm>>
      %dma_start3A_1276 = arith.constant 0 : i32
      %dma_start3A_1277 = arith.constant 0 : i32
      %dma_start3A_1278 = tpu.memref_slice %arg10[%dma_start3A_1268, %dma_start3A_1269, %dma_start3A_1276, %dma_start3A_1277] : memref<2x16x16x128xf32, #tpu.memory_space<vmem>> -> memref<1x1x16x128xf32, #tpu.memory_space<vmem>>
      %dma_start3A_1279 = tpu.memref_squeeze %dma_start3A_1278 : memref<1x1x16x128xf32, #tpu.memory_space<vmem>> -> memref<16x128xf32, #tpu.memory_space<vmem>>
      %dma_start3A_1280 = arith.constant 0 : i32
      %dma_start3A_1281 = tpu.memref_slice %arg4[%dma_start3A_1280, %multiple_of3A_1264] : memref<16x1000000xf32, #tpu.memory_space<hbm>> -> memref<16x128xf32, #tpu.memory_space<hbm>>
      tpu.enqueue_dma source(%dma_start3A_1281 : memref<16x128xf32, #tpu.memory_space<hbm>>) target(%dma_start3A_1279 : memref<16x128xf32, #tpu.memory_space<vmem>>) target_semaphore(%arg14 : memref<!tpu.dma_semaphore, #tpu.memory_space<semaphore_mem>>)
      %dma_start3A_1282 = arith.constant 1 : i32
      %dma_start3A_1283 = arith.constant 12 : i32
      %dma_start3A_1284 = arith.constant 0 : i32
      %dma_start3A_1285 = arith.constant 0 : i32
      %dma_start3A_1286 = tpu.memref_slice %arg10[%dma_start3A_1282, %dma_start3A_1283, %dma_start3A_1284, %dma_start3A_1285] : memref<2x16x16x128xf32, #tpu.memory_space<vmem>> -> memref<1x1x16x128xf32, #tpu.memory_space<vmem>>
      %dma_start3A_1287 = tpu.memref_squeeze %dma_start3A_1286 : memref<1x1x16x128xf32, #tpu.memory_space<vmem>> -> memref<16x128xf32, #tpu.memory_space<vmem>>
      %dma_start3A_1288 = arith.constant 0 : i32
      %dma_start3A_1289 = tpu.memref_slice %arg5[%dma_start3A_1288, %multiple_of3A_1267] : memref<16x1000000xf32, #tpu.memory_space<hbm>> -> memref<16x128xf32, #tpu.memory_space<hbm>>
      %dma_start3A_1290 = arith.constant 0 : i32
      %dma_start3A_1291 = arith.constant 0 : i32
      %dma_start3A_1292 = tpu.memref_slice %arg10[%dma_start3A_1282, %dma_start3A_1283, %dma_start3A_1290, %dma_start3A_1291] : memref<2x16x16x128xf32, #tpu.memory_space<vmem>> -> memref<1x1x16x128xf32, #tpu.memory_space<vmem>>
      %dma_start3A_1293 = tpu.memref_squeeze %dma_start3A_1292 : memref<1x1x16x128xf32, #tpu.memory_space<vmem>> -> memref<16x128xf32, #tpu.memory_space<vmem>>
      %dma_start3A_1294 = arith.constant 0 : i32
      %dma_start3A_1295 = tpu.memref_slice %arg5[%dma_start3A_1294, %multiple_of3A_1267] : memref<16x1000000xf32, #tpu.memory_space<hbm>> -> memref<16x128xf32, #tpu.memory_space<hbm>>
      tpu.enqueue_dma source(%dma_start3A_1295 : memref<16x128xf32, #tpu.memory_space<hbm>>) target(%dma_start3A_1293 : memref<16x128xf32, #tpu.memory_space<vmem>>) target_semaphore(%arg14 : memref<!tpu.dma_semaphore, #tpu.memory_space<semaphore_mem>>)
      %slice3A_1296 = vector.extract_strided_slice %mul3A_1117 {offsets = [5], sizes = [1], strides = [1]} : vector<16xi32> to vector<1xi32>
      %squeeze3A_1297 = vector.extract %slice3A_1296[0] : i32 from vector<1xi32>
      %multiple_of3A_1298 = tpu.assume_multiple %squeeze3A_1297, 128 : i32
      %slice3A_1299 = vector.extract_strided_slice %mul3A_1125 {offsets = [5], sizes = [1], strides = [1]} : vector<16xi32> to vector<1xi32>
      %squeeze3A_1300 = vector.extract %slice3A_1299[0] : i32 from vector<1xi32>
      %multiple_of3A_1301 = tpu.assume_multiple %squeeze3A_1300, 128 : i32
      %dma_start3A_1302 = arith.constant 1 : i32
      %dma_start3A_1303 = arith.constant 5 : i32
      %dma_start3A_1304 = arith.constant 0 : i32
      %dma_start3A_1305 = arith.constant 0 : i32
      %dma_start3A_1306 = tpu.memref_slice %arg10[%dma_start3A_1302, %dma_start3A_1303, %dma_start3A_1304, %dma_start3A_1305] : memref<2x16x16x128xf32, #tpu.memory_space<vmem>> -> memref<1x1x16x128xf32, #tpu.memory_space<vmem>>
      %dma_start3A_1307 = tpu.memref_squeeze %dma_start3A_1306 : memref<1x1x16x128xf32, #tpu.memory_space<vmem>> -> memref<16x128xf32, #tpu.memory_space<vmem>>
      %dma_start3A_1308 = arith.constant 0 : i32
      %dma_start3A_1309 = tpu.memref_slice %arg4[%dma_start3A_1308, %multiple_of3A_1298] : memref<16x1000000xf32, #tpu.memory_space<hbm>> -> memref<16x128xf32, #tpu.memory_space<hbm>>
      %dma_start3A_1310 = arith.constant 0 : i32
      %dma_start3A_1311 = arith.constant 0 : i32
      %dma_start3A_1312 = tpu.memref_slice %arg10[%dma_start3A_1302, %dma_start3A_1303, %dma_start3A_1310, %dma_start3A_1311] : memref<2x16x16x128xf32, #tpu.memory_space<vmem>> -> memref<1x1x16x128xf32, #tpu.memory_space<vmem>>
      %dma_start3A_1313 = tpu.memref_squeeze %dma_start3A_1312 : memref<1x1x16x128xf32, #tpu.memory_space<vmem>> -> memref<16x128xf32, #tpu.memory_space<vmem>>
      %dma_start3A_1314 = arith.constant 0 : i32
      %dma_start3A_1315 = tpu.memref_slice %arg4[%dma_start3A_1314, %multiple_of3A_1298] : memref<16x1000000xf32, #tpu.memory_space<hbm>> -> memref<16x128xf32, #tpu.memory_space<hbm>>
      tpu.enqueue_dma source(%dma_start3A_1315 : memref<16x128xf32, #tpu.memory_space<hbm>>) target(%dma_start3A_1313 : memref<16x128xf32, #tpu.memory_space<vmem>>) target_semaphore(%arg14 : memref<!tpu.dma_semaphore, #tpu.memory_space<semaphore_mem>>)
      %dma_start3A_1316 = arith.constant 1 : i32
      %dma_start3A_1317 = arith.constant 13 : i32
      %dma_start3A_1318 = arith.constant 0 : i32
      %dma_start3A_1319 = arith.constant 0 : i32
      %dma_start3A_1320 = tpu.memref_slice %arg10[%dma_start3A_1316, %dma_start3A_1317, %dma_start3A_1318, %dma_start3A_1319] : memref<2x16x16x128xf32, #tpu.memory_space<vmem>> -> memref<1x1x16x128xf32, #tpu.memory_space<vmem>>
      %dma_start3A_1321 = tpu.memref_squeeze %dma_start3A_1320 : memref<1x1x16x128xf32, #tpu.memory_space<vmem>> -> memref<16x128xf32, #tpu.memory_space<vmem>>
      %dma_start3A_1322 = arith.constant 0 : i32
      %dma_start3A_1323 = tpu.memref_slice %arg5[%dma_start3A_1322, %multiple_of3A_1301] : memref<16x1000000xf32, #tpu.memory_space<hbm>> -> memref<16x128xf32, #tpu.memory_space<hbm>>
      %dma_start3A_1324 = arith.constant 0 : i32
      %dma_start3A_1325 = arith.constant 0 : i32
      %dma_start3A_1326 = tpu.memref_slice %arg10[%dma_start3A_1316, %dma_start3A_1317, %dma_start3A_1324, %dma_start3A_1325] : memref<2x16x16x128xf32, #tpu.memory_space<vmem>> -> memref<1x1x16x128xf32, #tpu.memory_space<vmem>>
      %dma_start3A_1327 = tpu.memref_squeeze %dma_start3A_1326 : memref<1x1x16x128xf32, #tpu.memory_space<vmem>> -> memref<16x128xf32, #tpu.memory_space<vmem>>
      %dma_start3A_1328 = arith.constant 0 : i32
      %dma_start3A_1329 = tpu.memref_slice %arg5[%dma_start3A_1328, %multiple_of3A_1301] : memref<16x1000000xf32, #tpu.memory_space<hbm>> -> memref<16x128xf32, #tpu.memory_space<hbm>>
      tpu.enqueue_dma source(%dma_start3A_1329 : memref<16x128xf32, #tpu.memory_space<hbm>>) target(%dma_start3A_1327 : memref<16x128xf32, #tpu.memory_space<vmem>>) target_semaphore(%arg14 : memref<!tpu.dma_semaphore, #tpu.memory_space<semaphore_mem>>)
      %slice3A_1330 = vector.extract_strided_slice %mul3A_1117 {offsets = [6], sizes = [1], strides = [1]} : vector<16xi32> to vector<1xi32>
      %squeeze3A_1331 = vector.extract %slice3A_1330[0] : i32 from vector<1xi32>
      %multiple_of3A_1332 = tpu.assume_multiple %squeeze3A_1331, 128 : i32
      %slice3A_1333 = vector.extract_strided_slice %mul3A_1125 {offsets = [6], sizes = [1], strides = [1]} : vector<16xi32> to vector<1xi32>
      %squeeze3A_1334 = vector.extract %slice3A_1333[0] : i32 from vector<1xi32>
      %multiple_of3A_1335 = tpu.assume_multiple %squeeze3A_1334, 128 : i32
      %dma_start3A_1336 = arith.constant 1 : i32
      %dma_start3A_1337 = arith.constant 6 : i32
      %dma_start3A_1338 = arith.constant 0 : i32
      %dma_start3A_1339 = arith.constant 0 : i32
      %dma_start3A_1340 = tpu.memref_slice %arg10[%dma_start3A_1336, %dma_start3A_1337, %dma_start3A_1338, %dma_start3A_1339] : memref<2x16x16x128xf32, #tpu.memory_space<vmem>> -> memref<1x1x16x128xf32, #tpu.memory_space<vmem>>
      %dma_start3A_1341 = tpu.memref_squeeze %dma_start3A_1340 : memref<1x1x16x128xf32, #tpu.memory_space<vmem>> -> memref<16x128xf32, #tpu.memory_space<vmem>>
      %dma_start3A_1342 = arith.constant 0 : i32
      %dma_start3A_1343 = tpu.memref_slice %arg4[%dma_start3A_1342, %multiple_of3A_1332] : memref<16x1000000xf32, #tpu.memory_space<hbm>> -> memref<16x128xf32, #tpu.memory_space<hbm>>
      %dma_start3A_1344 = arith.constant 0 : i32
      %dma_start3A_1345 = arith.constant 0 : i32
      %dma_start3A_1346 = tpu.memref_slice %arg10[%dma_start3A_1336, %dma_start3A_1337, %dma_start3A_1344, %dma_start3A_1345] : memref<2x16x16x128xf32, #tpu.memory_space<vmem>> -> memref<1x1x16x128xf32, #tpu.memory_space<vmem>>
      %dma_start3A_1347 = tpu.memref_squeeze %dma_start3A_1346 : memref<1x1x16x128xf32, #tpu.memory_space<vmem>> -> memref<16x128xf32, #tpu.memory_space<vmem>>
      %dma_start3A_1348 = arith.constant 0 : i32
      %dma_start3A_1349 = tpu.memref_slice %arg4[%dma_start3A_1348, %multiple_of3A_1332] : memref<16x1000000xf32, #tpu.memory_space<hbm>> -> memref<16x128xf32, #tpu.memory_space<hbm>>
      tpu.enqueue_dma source(%dma_start3A_1349 : memref<16x128xf32, #tpu.memory_space<hbm>>) target(%dma_start3A_1347 : memref<16x128xf32, #tpu.memory_space<vmem>>) target_semaphore(%arg14 : memref<!tpu.dma_semaphore, #tpu.memory_space<semaphore_mem>>)
      %dma_start3A_1350 = arith.constant 1 : i32
      %dma_start3A_1351 = arith.constant 14 : i32
      %dma_start3A_1352 = arith.constant 0 : i32
      %dma_start3A_1353 = arith.constant 0 : i32
      %dma_start3A_1354 = tpu.memref_slice %arg10[%dma_start3A_1350, %dma_start3A_1351, %dma_start3A_1352, %dma_start3A_1353] : memref<2x16x16x128xf32, #tpu.memory_space<vmem>> -> memref<1x1x16x128xf32, #tpu.memory_space<vmem>>
      %dma_start3A_1355 = tpu.memref_squeeze %dma_start3A_1354 : memref<1x1x16x128xf32, #tpu.memory_space<vmem>> -> memref<16x128xf32, #tpu.memory_space<vmem>>
      %dma_start3A_1356 = arith.constant 0 : i32
      %dma_start3A_1357 = tpu.memref_slice %arg5[%dma_start3A_1356, %multiple_of3A_1335] : memref<16x1000000xf32, #tpu.memory_space<hbm>> -> memref<16x128xf32, #tpu.memory_space<hbm>>
      %dma_start3A_1358 = arith.constant 0 : i32
      %dma_start3A_1359 = arith.constant 0 : i32
      %dma_start3A_1360 = tpu.memref_slice %arg10[%dma_start3A_1350, %dma_start3A_1351, %dma_start3A_1358, %dma_start3A_1359] : memref<2x16x16x128xf32, #tpu.memory_space<vmem>> -> memref<1x1x16x128xf32, #tpu.memory_space<vmem>>
      %dma_start3A_1361 = tpu.memref_squeeze %dma_start3A_1360 : memref<1x1x16x128xf32, #tpu.memory_space<vmem>> -> memref<16x128xf32, #tpu.memory_space<vmem>>
      %dma_start3A_1362 = arith.constant 0 : i32
      %dma_start3A_1363 = tpu.memref_slice %arg5[%dma_start3A_1362, %multiple_of3A_1335] : memref<16x1000000xf32, #tpu.memory_space<hbm>> -> memref<16x128xf32, #tpu.memory_space<hbm>>
      tpu.enqueue_dma source(%dma_start3A_1363 : memref<16x128xf32, #tpu.memory_space<hbm>>) target(%dma_start3A_1361 : memref<16x128xf32, #tpu.memory_space<vmem>>) target_semaphore(%arg14 : memref<!tpu.dma_semaphore, #tpu.memory_space<semaphore_mem>>)
      %slice3A_1364 = vector.extract_strided_slice %mul3A_1117 {offsets = [7], sizes = [1], strides = [1]} : vector<16xi32> to vector<1xi32>
      %squeeze3A_1365 = vector.extract %slice3A_1364[0] : i32 from vector<1xi32>
      %multiple_of3A_1366 = tpu.assume_multiple %squeeze3A_1365, 128 : i32
      %slice3A_1367 = vector.extract_strided_slice %mul3A_1125 {offsets = [7], sizes = [1], strides = [1]} : vector<16xi32> to vector<1xi32>
      %squeeze3A_1368 = vector.extract %slice3A_1367[0] : i32 from vector<1xi32>
      %multiple_of3A_1369 = tpu.assume_multiple %squeeze3A_1368, 128 : i32
      %dma_start3A_1370 = arith.constant 1 : i32
      %dma_start3A_1371 = arith.constant 7 : i32
      %dma_start3A_1372 = arith.constant 0 : i32
      %dma_start3A_1373 = arith.constant 0 : i32
      %dma_start3A_1374 = tpu.memref_slice %arg10[%dma_start3A_1370, %dma_start3A_1371, %dma_start3A_1372, %dma_start3A_1373] : memref<2x16x16x128xf32, #tpu.memory_space<vmem>> -> memref<1x1x16x128xf32, #tpu.memory_space<vmem>>
      %dma_start3A_1375 = tpu.memref_squeeze %dma_start3A_1374 : memref<1x1x16x128xf32, #tpu.memory_space<vmem>> -> memref<16x128xf32, #tpu.memory_space<vmem>>
      %dma_start3A_1376 = arith.constant 0 : i32
      %dma_start3A_1377 = tpu.memref_slice %arg4[%dma_start3A_1376, %multiple_of3A_1366] : memref<16x1000000xf32, #tpu.memory_space<hbm>> -> memref<16x128xf32, #tpu.memory_space<hbm>>
      %dma_start3A_1378 = arith.constant 0 : i32
      %dma_start3A_1379 = arith.constant 0 : i32
      %dma_start3A_1380 = tpu.memref_slice %arg10[%dma_start3A_1370, %dma_start3A_1371, %dma_start3A_1378, %dma_start3A_1379] : memref<2x16x16x128xf32, #tpu.memory_space<vmem>> -> memref<1x1x16x128xf32, #tpu.memory_space<vmem>>
      %dma_start3A_1381 = tpu.memref_squeeze %dma_start3A_1380 : memref<1x1x16x128xf32, #tpu.memory_space<vmem>> -> memref<16x128xf32, #tpu.memory_space<vmem>>
      %dma_start3A_1382 = arith.constant 0 : i32
      %dma_start3A_1383 = tpu.memref_slice %arg4[%dma_start3A_1382, %multiple_of3A_1366] : memref<16x1000000xf32, #tpu.memory_space<hbm>> -> memref<16x128xf32, #tpu.memory_space<hbm>>
      tpu.enqueue_dma source(%dma_start3A_1383 : memref<16x128xf32, #tpu.memory_space<hbm>>) target(%dma_start3A_1381 : memref<16x128xf32, #tpu.memory_space<vmem>>) target_semaphore(%arg14 : memref<!tpu.dma_semaphore, #tpu.memory_space<semaphore_mem>>)
      %dma_start3A_1384 = arith.constant 1 : i32
      %dma_start3A_1385 = arith.constant 15 : i32
      %dma_start3A_1386 = arith.constant 0 : i32
      %dma_start3A_1387 = arith.constant 0 : i32
      %dma_start3A_1388 = tpu.memref_slice %arg10[%dma_start3A_1384, %dma_start3A_1385, %dma_start3A_1386, %dma_start3A_1387] : memref<2x16x16x128xf32, #tpu.memory_space<vmem>> -> memref<1x1x16x128xf32, #tpu.memory_space<vmem>>
      %dma_start3A_1389 = tpu.memref_squeeze %dma_start3A_1388 : memref<1x1x16x128xf32, #tpu.memory_space<vmem>> -> memref<16x128xf32, #tpu.memory_space<vmem>>
      %dma_start3A_1390 = arith.constant 0 : i32
      %dma_start3A_1391 = tpu.memref_slice %arg5[%dma_start3A_1390, %multiple_of3A_1369] : memref<16x1000000xf32, #tpu.memory_space<hbm>> -> memref<16x128xf32, #tpu.memory_space<hbm>>
      %dma_start3A_1392 = arith.constant 0 : i32
      %dma_start3A_1393 = arith.constant 0 : i32
      %dma_start3A_1394 = tpu.memref_slice %arg10[%dma_start3A_1384, %dma_start3A_1385, %dma_start3A_1392, %dma_start3A_1393] : memref<2x16x16x128xf32, #tpu.memory_space<vmem>> -> memref<1x1x16x128xf32, #tpu.memory_space<vmem>>
      %dma_start3A_1395 = tpu.memref_squeeze %dma_start3A_1394 : memref<1x1x16x128xf32, #tpu.memory_space<vmem>> -> memref<16x128xf32, #tpu.memory_space<vmem>>
      %dma_start3A_1396 = arith.constant 0 : i32
      %dma_start3A_1397 = tpu.memref_slice %arg5[%dma_start3A_1396, %multiple_of3A_1369] : memref<16x1000000xf32, #tpu.memory_space<hbm>> -> memref<16x128xf32, #tpu.memory_space<hbm>>
      tpu.enqueue_dma source(%dma_start3A_1397 : memref<16x128xf32, #tpu.memory_space<hbm>>) target(%dma_start3A_1395 : memref<16x128xf32, #tpu.memory_space<vmem>>) target_semaphore(%arg14 : memref<!tpu.dma_semaphore, #tpu.memory_space<semaphore_mem>>)
      %dma_wait3A_1398 = arith.constant 0 : i32
      %dma_wait3A_1399 = arith.constant 0 : i32
      %dma_wait3A_1400 = arith.constant 0 : i32
      %dma_wait3A_1401 = arith.constant 0 : i32
      %dma_wait3A_1402 = tpu.memref_slice %arg10[%dma_wait3A_1398, %dma_wait3A_1399, %dma_wait3A_1400, %dma_wait3A_1401] : memref<2x16x16x128xf32, #tpu.memory_space<vmem>> -> memref<1x16x16x128xf32, #tpu.memory_space<vmem>>
      %dma_wait3A_1403 = tpu.memref_squeeze %dma_wait3A_1402 : memref<1x16x16x128xf32, #tpu.memory_space<vmem>> -> memref<16x16x128xf32, #tpu.memory_space<vmem>>
      %dma_wait3A_1404 = tpu.memref_reshape %dma_wait3A_1403 : memref<16x16x128xf32, #tpu.memory_space<vmem>> -> memref<16x2048xf32, #tpu.memory_space<vmem>>
      %dma_wait3A_1405 = arith.constant 0 : i32
      %dma_wait3A_1406 = arith.constant 0 : i32
      %dma_wait3A_1407 = tpu.memref_slice %arg4[%dma_wait3A_1405, %dma_wait3A_1406] : memref<16x1000000xf32, #tpu.memory_space<hbm>> -> memref<16x2048xf32, #tpu.memory_space<hbm>>
      %dma_wait3A_1408 = arith.constant 0 : i32
      %dma_wait3A_1409 = arith.constant 0 : i32
      %dma_wait3A_1410 = arith.constant 0 : i32
      %dma_wait3A_1411 = tpu.memref_slice %arg10[%dma_wait3A_1398, %dma_wait3A_1408, %dma_wait3A_1409, %dma_wait3A_1410] : memref<2x16x16x128xf32, #tpu.memory_space<vmem>> -> memref<1x16x16x128xf32, #tpu.memory_space<vmem>>
      %dma_wait3A_1412 = tpu.memref_squeeze %dma_wait3A_1411 : memref<1x16x16x128xf32, #tpu.memory_space<vmem>> -> memref<16x16x128xf32, #tpu.memory_space<vmem>>
      %dma_wait3A_1413 = tpu.memref_reshape %dma_wait3A_1412 : memref<16x16x128xf32, #tpu.memory_space<vmem>> -> memref<16x2048xf32, #tpu.memory_space<vmem>>
      %dma_wait3A_1414 = arith.constant 0 : i32
      %dma_wait3A_1415 = arith.constant 0 : i32
      %dma_wait3A_1416 = tpu.memref_slice %arg4[%dma_wait3A_1414, %dma_wait3A_1415] : memref<16x1000000xf32, #tpu.memory_space<hbm>> -> memref<16x2048xf32, #tpu.memory_space<hbm>>
      tpu.wait_dma2 semaphore(%arg13 : memref<!tpu.dma_semaphore, #tpu.memory_space<semaphore_mem>>) src(%dma_wait3A_1416 : memref<16x2048xf32, #tpu.memory_space<hbm>>) dst(%dma_wait3A_1413 : memref<16x2048xf32, #tpu.memory_space<vmem>>)
      %add3A_1417 = arith.constant 0 : i32
      %add3A_1418 = vector.broadcast %add3A_1417 : i32 to vector<16xi32>
      %add3A_1419 = arith.addi %mul3A_311, %add3A_1418 : vector<16xi32>
      %mul3A_1420 = arith.constant 8 : i32
      %mul3A_1421 = arith.muli %mul3A_1105, %mul3A_1420 : i32
      %add3A_1422 = vector.broadcast %mul3A_1421 : i32 to vector<16xi32>
      %add3A_1423 = arith.addi %add3A_1422, %select_n3A_15 : vector<16xi32>
      %gather3A_1424 = tpu.vector_load_idx %arg8[%add3A_1423] : memref<520xi32, #tpu.memory_space<vmem>>[vector<16xi32>], vector<16xi32>,
      %and3A_1425 = arith.constant 127 : i32
      %and3A_1426 = vector.broadcast %and3A_1425 : i32 to vector<16xi32>
      %and3A_1427 = arith.andi %gather3A_1424, %and3A_1426 : vector<16xi32>
      %gather3A_1428 = tpu.vector_load_idx %arg9[%add3A_1423] : memref<520xi32, #tpu.memory_space<vmem>>[vector<16xi32>], vector<16xi32>,
      %and3A_1429 = arith.constant 127 : i32
      %and3A_1430 = vector.broadcast %and3A_1429 : i32 to vector<16xi32>
      %and3A_1431 = arith.andi %gather3A_1428, %and3A_1430 : vector<16xi32>
      %broadcast_in_dim3A_1432 = arith.constant 0.000000e+00 : f32
      %broadcast_in_dim3A_1433 = vector.broadcast %broadcast_in_dim3A_1432 : f32 to vector<16xf32>
      %gather3A_1434 = tpu.vector_load_idx %arg10[%add3A_1419, %select_n3A_15, %add3A_49, %and3A_1427] : memref<2x16x16x128xf32, #tpu.memory_space<vmem>>[vector<16xi32>, vector<16xi32>, vector<16xi32>, vector<16xi32>], vector<16xf32>,
      %add3A_1435 = arith.constant 8 : i32
      %add3A_1436 = vector.broadcast %add3A_1435 : i32 to vector<16xi32>
      %add3A_1437 = arith.addi %select_n3A_15, %add3A_1436 : vector<16xi32>
      %gather3A_1438 = tpu.vector_load_idx %arg10[%add3A_1419, %add3A_1437, %add3A_49, %and3A_1431] : memref<2x16x16x128xf32, #tpu.memory_space<vmem>>[vector<16xi32>, vector<16xi32>, vector<16xi32>, vector<16xi32>], vector<16xf32>,
      %mul3A_1439 = arith.mulf %gather3A_1434, %gather3A_1438 : vector<16xf32>
      %mul3A_1440 = arith.mulf %mul3A_1439, %gather3A : vector<16xf32>
      %add3A_1441 = arith.addf %broadcast_in_dim3A_1433, %mul3A_1440 : vector<16xf32>
      %gather3A_1442 = tpu.vector_load_idx %arg10[%add3A_1419, %select_n3A_15, %add3A_86, %and3A_1427] : memref<2x16x16x128xf32, #tpu.memory_space<vmem>>[vector<16xi32>, vector<16xi32>, vector<16xi32>, vector<16xi32>], vector<16xf32>,
      %add3A_1443 = arith.constant 8 : i32
      %add3A_1444 = vector.broadcast %add3A_1443 : i32 to vector<16xi32>
      %add3A_1445 = arith.addi %select_n3A_15, %add3A_1444 : vector<16xi32>
      %gather3A_1446 = tpu.vector_load_idx %arg10[%add3A_1419, %add3A_1445, %add3A_86, %and3A_1431] : memref<2x16x16x128xf32, #tpu.memory_space<vmem>>[vector<16xi32>, vector<16xi32>, vector<16xi32>, vector<16xi32>], vector<16xf32>,
      %mul3A_1447 = arith.mulf %gather3A_1442, %gather3A_1446 : vector<16xf32>
      %mul3A_1448 = arith.mulf %mul3A_1447, %gather3A_317 : vector<16xf32>
      %add3A_1449 = arith.addf %add3A_1441, %mul3A_1448 : vector<16xf32>
      %gather3A_1450 = tpu.vector_load_idx %arg10[%add3A_1419, %select_n3A_15, %add3A_123, %and3A_1427] : memref<2x16x16x128xf32, #tpu.memory_space<vmem>>[vector<16xi32>, vector<16xi32>, vector<16xi32>, vector<16xi32>], vector<16xf32>,
      %add3A_1451 = arith.constant 8 : i32
      %add3A_1452 = vector.broadcast %add3A_1451 : i32 to vector<16xi32>
      %add3A_1453 = arith.addi %select_n3A_15, %add3A_1452 : vector<16xi32>
      %gather3A_1454 = tpu.vector_load_idx %arg10[%add3A_1419, %add3A_1453, %add3A_123, %and3A_1431] : memref<2x16x16x128xf32, #tpu.memory_space<vmem>>[vector<16xi32>, vector<16xi32>, vector<16xi32>, vector<16xi32>], vector<16xf32>,
      %mul3A_1455 = arith.mulf %gather3A_1450, %gather3A_1454 : vector<16xf32>
      %mul3A_1456 = arith.mulf %mul3A_1455, %gather3A_318 : vector<16xf32>
      %add3A_1457 = arith.addf %add3A_1449, %mul3A_1456 : vector<16xf32>
      %gather3A_1458 = tpu.vector_load_idx %arg10[%add3A_1419, %select_n3A_15, %add3A_160, %and3A_1427] : memref<2x16x16x128xf32, #tpu.memory_space<vmem>>[vector<16xi32>, vector<16xi32>, vector<16xi32>, vector<16xi32>], vector<16xf32>,
      %add3A_1459 = arith.constant 8 : i32
      %add3A_1460 = vector.broadcast %add3A_1459 : i32 to vector<16xi32>
      %add3A_1461 = arith.addi %select_n3A_15, %add3A_1460 : vector<16xi32>
      %gather3A_1462 = tpu.vector_load_idx %arg10[%add3A_1419, %add3A_1461, %add3A_160, %and3A_1431] : memref<2x16x16x128xf32, #tpu.memory_space<vmem>>[vector<16xi32>, vector<16xi32>, vector<16xi32>, vector<16xi32>], vector<16xf32>,
      %mul3A_1463 = arith.mulf %gather3A_1458, %gather3A_1462 : vector<16xf32>
      %mul3A_1464 = arith.mulf %mul3A_1463, %gather3A_319 : vector<16xf32>
      %add3A_1465 = arith.addf %add3A_1457, %mul3A_1464 : vector<16xf32>
      %gather3A_1466 = tpu.vector_load_idx %arg10[%add3A_1419, %select_n3A_15, %add3A_197, %and3A_1427] : memref<2x16x16x128xf32, #tpu.memory_space<vmem>>[vector<16xi32>, vector<16xi32>, vector<16xi32>, vector<16xi32>], vector<16xf32>,
      %add3A_1467 = arith.constant 8 : i32
      %add3A_1468 = vector.broadcast %add3A_1467 : i32 to vector<16xi32>
      %add3A_1469 = arith.addi %select_n3A_15, %add3A_1468 : vector<16xi32>
      %gather3A_1470 = tpu.vector_load_idx %arg10[%add3A_1419, %add3A_1469, %add3A_197, %and3A_1431] : memref<2x16x16x128xf32, #tpu.memory_space<vmem>>[vector<16xi32>, vector<16xi32>, vector<16xi32>, vector<16xi32>], vector<16xf32>,
      %mul3A_1471 = arith.mulf %gather3A_1466, %gather3A_1470 : vector<16xf32>
      %mul3A_1472 = arith.mulf %mul3A_1471, %gather3A_320 : vector<16xf32>
      %add3A_1473 = arith.addf %add3A_1465, %mul3A_1472 : vector<16xf32>
      %gather3A_1474 = tpu.vector_load_idx %arg10[%add3A_1419, %select_n3A_15, %add3A_234, %and3A_1427] : memref<2x16x16x128xf32, #tpu.memory_space<vmem>>[vector<16xi32>, vector<16xi32>, vector<16xi32>, vector<16xi32>], vector<16xf32>,
      %add3A_1475 = arith.constant 8 : i32
      %add3A_1476 = vector.broadcast %add3A_1475 : i32 to vector<16xi32>
      %add3A_1477 = arith.addi %select_n3A_15, %add3A_1476 : vector<16xi32>
      %gather3A_1478 = tpu.vector_load_idx %arg10[%add3A_1419, %add3A_1477, %add3A_234, %and3A_1431] : memref<2x16x16x128xf32, #tpu.memory_space<vmem>>[vector<16xi32>, vector<16xi32>, vector<16xi32>, vector<16xi32>], vector<16xf32>,
      %mul3A_1479 = arith.mulf %gather3A_1474, %gather3A_1478 : vector<16xf32>
      %mul3A_1480 = arith.mulf %mul3A_1479, %gather3A_321 : vector<16xf32>
      %add3A_1481 = arith.addf %add3A_1473, %mul3A_1480 : vector<16xf32>
      %gather3A_1482 = tpu.vector_load_idx %arg10[%add3A_1419, %select_n3A_15, %add3A_271, %and3A_1427] : memref<2x16x16x128xf32, #tpu.memory_space<vmem>>[vector<16xi32>, vector<16xi32>, vector<16xi32>, vector<16xi32>], vector<16xf32>,
      %add3A_1483 = arith.constant 8 : i32
      %add3A_1484 = vector.broadcast %add3A_1483 : i32 to vector<16xi32>
      %add3A_1485 = arith.addi %select_n3A_15, %add3A_1484 : vector<16xi32>
      %gather3A_1486 = tpu.vector_load_idx %arg10[%add3A_1419, %add3A_1485, %add3A_271, %and3A_1431] : memref<2x16x16x128xf32, #tpu.memory_space<vmem>>[vector<16xi32>, vector<16xi32>, vector<16xi32>, vector<16xi32>], vector<16xf32>,
      %mul3A_1487 = arith.mulf %gather3A_1482, %gather3A_1486 : vector<16xf32>
      %mul3A_1488 = arith.mulf %mul3A_1487, %gather3A_322 : vector<16xf32>
      %add3A_1489 = arith.addf %add3A_1481, %mul3A_1488 : vector<16xf32>
      %gather3A_1490 = tpu.vector_load_idx %arg10[%add3A_1419, %select_n3A_15, %add3A_308, %and3A_1427] : memref<2x16x16x128xf32, #tpu.memory_space<vmem>>[vector<16xi32>, vector<16xi32>, vector<16xi32>, vector<16xi32>], vector<16xf32>,
      %add3A_1491 = arith.constant 8 : i32
      %add3A_1492 = vector.broadcast %add3A_1491 : i32 to vector<16xi32>
      %add3A_1493 = arith.addi %select_n3A_15, %add3A_1492 : vector<16xi32>
      %gather3A_1494 = tpu.vector_load_idx %arg10[%add3A_1419, %add3A_1493, %add3A_308, %and3A_1431] : memref<2x16x16x128xf32, #tpu.memory_space<vmem>>[vector<16xi32>, vector<16xi32>, vector<16xi32>, vector<16xi32>], vector<16xf32>,
      %mul3A_1495 = arith.mulf %gather3A_1490, %gather3A_1494 : vector<16xf32>
      %mul3A_1496 = arith.mulf %mul3A_1495, %gather3A_323 : vector<16xf32>
      %add3A_1497 = arith.addf %add3A_1489, %mul3A_1496 : vector<16xf32>
      %add3A_1498 = arith.addf %add3A_1497, %get3A_326 : vector<16xf32>
      tpu.vector_store_idx %arg12[%add3A_1423], %add3A_1498 masked %lt3A_314 : memref<512xf32, #tpu.memory_space<vmem>>[vector<16xi32>], vector<16xf32>, vector<16xi1>
      tpu.vector_store_idx %arg12[%add3A_1423], %add3A_1497 masked %ge3A_316 {add = true} : memref<512xf32, #tpu.memory_space<vmem>>[vector<16xi32>], vector<16xf32>, vector<16xi1>
      %add3A_1499 = arith.constant 2 : i32
      %add3A_1500 = arith.addi %mul3A_1105, %add3A_1499 : i32
      %mul3A_1501 = arith.constant 8 : i32
      %mul3A_1502 = arith.muli %add3A_1500, %mul3A_1501 : i32
      %get3A_1503 = arith.index_cast %mul3A_1502 : i32 to index
      %get3A_1504 = tpu.vector_load %arg8[%get3A_1503] {strides = array<i32>} : memref<520xi32, #tpu.memory_space<vmem>>, vector<16xi32>,
      %shift_right_arithmetic3A_1505 = arith.constant 7 : i32
      %shift_right_arithmetic3A_1506 = vector.broadcast %shift_right_arithmetic3A_1505 : i32 to vector<16xi32>
      %shift_right_arithmetic3A_1507 = arith.shrsi %get3A_1504, %shift_right_arithmetic3A_1506 : vector<16xi32>
      %mul3A_1508 = arith.constant 128 : i32
      %mul3A_1509 = vector.broadcast %mul3A_1508 : i32 to vector<16xi32>
      %mul3A_1510 = arith.muli %shift_right_arithmetic3A_1507, %mul3A_1509 : vector<16xi32>
      %get3A_1511 = arith.index_cast %mul3A_1502 : i32 to index
      %get3A_1512 = tpu.vector_load %arg9[%get3A_1511] {strides = array<i32>} : memref<520xi32, #tpu.memory_space<vmem>>, vector<16xi32>,
      %shift_right_arithmetic3A_1513 = arith.constant 7 : i32
      %shift_right_arithmetic3A_1514 = vector.broadcast %shift_right_arithmetic3A_1513 : i32 to vector<16xi32>
      %shift_right_arithmetic3A_1515 = arith.shrsi %get3A_1512, %shift_right_arithmetic3A_1514 : vector<16xi32>
      %mul3A_1516 = arith.constant 128 : i32
      %mul3A_1517 = vector.broadcast %mul3A_1516 : i32 to vector<16xi32>
      %mul3A_1518 = arith.muli %shift_right_arithmetic3A_1515, %mul3A_1517 : vector<16xi32>
      %slice3A_1519 = vector.extract_strided_slice %mul3A_1510 {offsets = [0], sizes = [1], strides = [1]} : vector<16xi32> to vector<1xi32>
      %squeeze3A_1520 = vector.extract %slice3A_1519[0] : i32 from vector<1xi32>
      %multiple_of3A_1521 = tpu.assume_multiple %squeeze3A_1520, 128 : i32
      %slice3A_1522 = vector.extract_strided_slice %mul3A_1518 {offsets = [0], sizes = [1], strides = [1]} : vector<16xi32> to vector<1xi32>
      %squeeze3A_1523 = vector.extract %slice3A_1522[0] : i32 from vector<1xi32>
      %multiple_of3A_1524 = tpu.assume_multiple %squeeze3A_1523, 128 : i32
      %dma_start3A_1525 = arith.constant 0 : i32
      %dma_start3A_1526 = arith.constant 0 : i32
      %dma_start3A_1527 = arith.constant 0 : i32
      %dma_start3A_1528 = arith.constant 0 : i32
      %dma_start3A_1529 = tpu.memref_slice %arg10[%dma_start3A_1525, %dma_start3A_1526, %dma_start3A_1527, %dma_start3A_1528] : memref<2x16x16x128xf32, #tpu.memory_space<vmem>> -> memref<1x1x16x128xf32, #tpu.memory_space<vmem>>
      %dma_start3A_1530 = tpu.memref_squeeze %dma_start3A_1529 : memref<1x1x16x128xf32, #tpu.memory_space<vmem>> -> memref<16x128xf32, #tpu.memory_space<vmem>>
      %dma_start3A_1531 = arith.constant 0 : i32
      %dma_start3A_1532 = tpu.memref_slice %arg4[%dma_start3A_1531, %multiple_of3A_1521] : memref<16x1000000xf32, #tpu.memory_space<hbm>> -> memref<16x128xf32, #tpu.memory_space<hbm>>
      %dma_start3A_1533 = arith.constant 0 : i32
      %dma_start3A_1534 = arith.constant 0 : i32
      %dma_start3A_1535 = tpu.memref_slice %arg10[%dma_start3A_1525, %dma_start3A_1526, %dma_start3A_1533, %dma_start3A_1534] : memref<2x16x16x128xf32, #tpu.memory_space<vmem>> -> memref<1x1x16x128xf32, #tpu.memory_space<vmem>>
      %dma_start3A_1536 = tpu.memref_squeeze %dma_start3A_1535 : memref<1x1x16x128xf32, #tpu.memory_space<vmem>> -> memref<16x128xf32, #tpu.memory_space<vmem>>
      %dma_start3A_1537 = arith.constant 0 : i32
      %dma_start3A_1538 = tpu.memref_slice %arg4[%dma_start3A_1537, %multiple_of3A_1521] : memref<16x1000000xf32, #tpu.memory_space<hbm>> -> memref<16x128xf32, #tpu.memory_space<hbm>>
      tpu.enqueue_dma source(%dma_start3A_1538 : memref<16x128xf32, #tpu.memory_space<hbm>>) target(%dma_start3A_1536 : memref<16x128xf32, #tpu.memory_space<vmem>>) target_semaphore(%arg13 : memref<!tpu.dma_semaphore, #tpu.memory_space<semaphore_mem>>)
      %dma_start3A_1539 = arith.constant 0 : i32
      %dma_start3A_1540 = arith.constant 8 : i32
      %dma_start3A_1541 = arith.constant 0 : i32
      %dma_start3A_1542 = arith.constant 0 : i32
      %dma_start3A_1543 = tpu.memref_slice %arg10[%dma_start3A_1539, %dma_start3A_1540, %dma_start3A_1541, %dma_start3A_1542] : memref<2x16x16x128xf32, #tpu.memory_space<vmem>> -> memref<1x1x16x128xf32, #tpu.memory_space<vmem>>
      %dma_start3A_1544 = tpu.memref_squeeze %dma_start3A_1543 : memref<1x1x16x128xf32, #tpu.memory_space<vmem>> -> memref<16x128xf32, #tpu.memory_space<vmem>>
      %dma_start3A_1545 = arith.constant 0 : i32
      %dma_start3A_1546 = tpu.memref_slice %arg5[%dma_start3A_1545, %multiple_of3A_1524] : memref<16x1000000xf32, #tpu.memory_space<hbm>> -> memref<16x128xf32, #tpu.memory_space<hbm>>
      %dma_start3A_1547 = arith.constant 0 : i32
      %dma_start3A_1548 = arith.constant 0 : i32
      %dma_start3A_1549 = tpu.memref_slice %arg10[%dma_start3A_1539, %dma_start3A_1540, %dma_start3A_1547, %dma_start3A_1548] : memref<2x16x16x128xf32, #tpu.memory_space<vmem>> -> memref<1x1x16x128xf32, #tpu.memory_space<vmem>>
      %dma_start3A_1550 = tpu.memref_squeeze %dma_start3A_1549 : memref<1x1x16x128xf32, #tpu.memory_space<vmem>> -> memref<16x128xf32, #tpu.memory_space<vmem>>
      %dma_start3A_1551 = arith.constant 0 : i32
      %dma_start3A_1552 = tpu.memref_slice %arg5[%dma_start3A_1551, %multiple_of3A_1524] : memref<16x1000000xf32, #tpu.memory_space<hbm>> -> memref<16x128xf32, #tpu.memory_space<hbm>>
      tpu.enqueue_dma source(%dma_start3A_1552 : memref<16x128xf32, #tpu.memory_space<hbm>>) target(%dma_start3A_1550 : memref<16x128xf32, #tpu.memory_space<vmem>>) target_semaphore(%arg13 : memref<!tpu.dma_semaphore, #tpu.memory_space<semaphore_mem>>)
      %slice3A_1553 = vector.extract_strided_slice %mul3A_1510 {offsets = [1], sizes = [1], strides = [1]} : vector<16xi32> to vector<1xi32>
      %squeeze3A_1554 = vector.extract %slice3A_1553[0] : i32 from vector<1xi32>
      %multiple_of3A_1555 = tpu.assume_multiple %squeeze3A_1554, 128 : i32
      %slice3A_1556 = vector.extract_strided_slice %mul3A_1518 {offsets = [1], sizes = [1], strides = [1]} : vector<16xi32> to vector<1xi32>
      %squeeze3A_1557 = vector.extract %slice3A_1556[0] : i32 from vector<1xi32>
      %multiple_of3A_1558 = tpu.assume_multiple %squeeze3A_1557, 128 : i32
      %dma_start3A_1559 = arith.constant 0 : i32
      %dma_start3A_1560 = arith.constant 1 : i32
      %dma_start3A_1561 = arith.constant 0 : i32
      %dma_start3A_1562 = arith.constant 0 : i32
      %dma_start3A_1563 = tpu.memref_slice %arg10[%dma_start3A_1559, %dma_start3A_1560, %dma_start3A_1561, %dma_start3A_1562] : memref<2x16x16x128xf32, #tpu.memory_space<vmem>> -> memref<1x1x16x128xf32, #tpu.memory_space<vmem>>
      %dma_start3A_1564 = tpu.memref_squeeze %dma_start3A_1563 : memref<1x1x16x128xf32, #tpu.memory_space<vmem>> -> memref<16x128xf32, #tpu.memory_space<vmem>>
      %dma_start3A_1565 = arith.constant 0 : i32
      %dma_start3A_1566 = tpu.memref_slice %arg4[%dma_start3A_1565, %multiple_of3A_1555] : memref<16x1000000xf32, #tpu.memory_space<hbm>> -> memref<16x128xf32, #tpu.memory_space<hbm>>
      %dma_start3A_1567 = arith.constant 0 : i32
      %dma_start3A_1568 = arith.constant 0 : i32
      %dma_start3A_1569 = tpu.memref_slice %arg10[%dma_start3A_1559, %dma_start3A_1560, %dma_start3A_1567, %dma_start3A_1568] : memref<2x16x16x128xf32, #tpu.memory_space<vmem>> -> memref<1x1x16x128xf32, #tpu.memory_space<vmem>>
      %dma_start3A_1570 = tpu.memref_squeeze %dma_start3A_1569 : memref<1x1x16x128xf32, #tpu.memory_space<vmem>> -> memref<16x128xf32, #tpu.memory_space<vmem>>
      %dma_start3A_1571 = arith.constant 0 : i32
      %dma_start3A_1572 = tpu.memref_slice %arg4[%dma_start3A_1571, %multiple_of3A_1555] : memref<16x1000000xf32, #tpu.memory_space<hbm>> -> memref<16x128xf32, #tpu.memory_space<hbm>>
      tpu.enqueue_dma source(%dma_start3A_1572 : memref<16x128xf32, #tpu.memory_space<hbm>>) target(%dma_start3A_1570 : memref<16x128xf32, #tpu.memory_space<vmem>>) target_semaphore(%arg13 : memref<!tpu.dma_semaphore, #tpu.memory_space<semaphore_mem>>)
      %dma_start3A_1573 = arith.constant 0 : i32
      %dma_start3A_1574 = arith.constant 9 : i32
      %dma_start3A_1575 = arith.constant 0 : i32
      %dma_start3A_1576 = arith.constant 0 : i32
      %dma_start3A_1577 = tpu.memref_slice %arg10[%dma_start3A_1573, %dma_start3A_1574, %dma_start3A_1575, %dma_start3A_1576] : memref<2x16x16x128xf32, #tpu.memory_space<vmem>> -> memref<1x1x16x128xf32, #tpu.memory_space<vmem>>
      %dma_start3A_1578 = tpu.memref_squeeze %dma_start3A_1577 : memref<1x1x16x128xf32, #tpu.memory_space<vmem>> -> memref<16x128xf32, #tpu.memory_space<vmem>>
      %dma_start3A_1579 = arith.constant 0 : i32
      %dma_start3A_1580 = tpu.memref_slice %arg5[%dma_start3A_1579, %multiple_of3A_1558] : memref<16x1000000xf32, #tpu.memory_space<hbm>> -> memref<16x128xf32, #tpu.memory_space<hbm>>
      %dma_start3A_1581 = arith.constant 0 : i32
      %dma_start3A_1582 = arith.constant 0 : i32
      %dma_start3A_1583 = tpu.memref_slice %arg10[%dma_start3A_1573, %dma_start3A_1574, %dma_start3A_1581, %dma_start3A_1582] : memref<2x16x16x128xf32, #tpu.memory_space<vmem>> -> memref<1x1x16x128xf32, #tpu.memory_space<vmem>>
      %dma_start3A_1584 = tpu.memref_squeeze %dma_start3A_1583 : memref<1x1x16x128xf32, #tpu.memory_space<vmem>> -> memref<16x128xf32, #tpu.memory_space<vmem>>
      %dma_start3A_1585 = arith.constant 0 : i32
      %dma_start3A_1586 = tpu.memref_slice %arg5[%dma_start3A_1585, %multiple_of3A_1558] : memref<16x1000000xf32, #tpu.memory_space<hbm>> -> memref<16x128xf32, #tpu.memory_space<hbm>>
      tpu.enqueue_dma source(%dma_start3A_1586 : memref<16x128xf32, #tpu.memory_space<hbm>>) target(%dma_start3A_1584 : memref<16x128xf32, #tpu.memory_space<vmem>>) target_semaphore(%arg13 : memref<!tpu.dma_semaphore, #tpu.memory_space<semaphore_mem>>)
      %slice3A_1587 = vector.extract_strided_slice %mul3A_1510 {offsets = [2], sizes = [1], strides = [1]} : vector<16xi32> to vector<1xi32>
      %squeeze3A_1588 = vector.extract %slice3A_1587[0] : i32 from vector<1xi32>
      %multiple_of3A_1589 = tpu.assume_multiple %squeeze3A_1588, 128 : i32
      %slice3A_1590 = vector.extract_strided_slice %mul3A_1518 {offsets = [2], sizes = [1], strides = [1]} : vector<16xi32> to vector<1xi32>
      %squeeze3A_1591 = vector.extract %slice3A_1590[0] : i32 from vector<1xi32>
      %multiple_of3A_1592 = tpu.assume_multiple %squeeze3A_1591, 128 : i32
      %dma_start3A_1593 = arith.constant 0 : i32
      %dma_start3A_1594 = arith.constant 2 : i32
      %dma_start3A_1595 = arith.constant 0 : i32
      %dma_start3A_1596 = arith.constant 0 : i32
      %dma_start3A_1597 = tpu.memref_slice %arg10[%dma_start3A_1593, %dma_start3A_1594, %dma_start3A_1595, %dma_start3A_1596] : memref<2x16x16x128xf32, #tpu.memory_space<vmem>> -> memref<1x1x16x128xf32, #tpu.memory_space<vmem>>
      %dma_start3A_1598 = tpu.memref_squeeze %dma_start3A_1597 : memref<1x1x16x128xf32, #tpu.memory_space<vmem>> -> memref<16x128xf32, #tpu.memory_space<vmem>>
      %dma_start3A_1599 = arith.constant 0 : i32
      %dma_start3A_1600 = tpu.memref_slice %arg4[%dma_start3A_1599, %multiple_of3A_1589] : memref<16x1000000xf32, #tpu.memory_space<hbm>> -> memref<16x128xf32, #tpu.memory_space<hbm>>
      %dma_start3A_1601 = arith.constant 0 : i32
      %dma_start3A_1602 = arith.constant 0 : i32
      %dma_start3A_1603 = tpu.memref_slice %arg10[%dma_start3A_1593, %dma_start3A_1594, %dma_start3A_1601, %dma_start3A_1602] : memref<2x16x16x128xf32, #tpu.memory_space<vmem>> -> memref<1x1x16x128xf32, #tpu.memory_space<vmem>>
      %dma_start3A_1604 = tpu.memref_squeeze %dma_start3A_1603 : memref<1x1x16x128xf32, #tpu.memory_space<vmem>> -> memref<16x128xf32, #tpu.memory_space<vmem>>
      %dma_start3A_1605 = arith.constant 0 : i32
      %dma_start3A_1606 = tpu.memref_slice %arg4[%dma_start3A_1605, %multiple_of3A_1589] : memref<16x1000000xf32, #tpu.memory_space<hbm>> -> memref<16x128xf32, #tpu.memory_space<hbm>>
      tpu.enqueue_dma source(%dma_start3A_1606 : memref<16x128xf32, #tpu.memory_space<hbm>>) target(%dma_start3A_1604 : memref<16x128xf32, #tpu.memory_space<vmem>>) target_semaphore(%arg13 : memref<!tpu.dma_semaphore, #tpu.memory_space<semaphore_mem>>)
      %dma_start3A_1607 = arith.constant 0 : i32
      %dma_start3A_1608 = arith.constant 10 : i32
      %dma_start3A_1609 = arith.constant 0 : i32
      %dma_start3A_1610 = arith.constant 0 : i32
      %dma_start3A_1611 = tpu.memref_slice %arg10[%dma_start3A_1607, %dma_start3A_1608, %dma_start3A_1609, %dma_start3A_1610] : memref<2x16x16x128xf32, #tpu.memory_space<vmem>> -> memref<1x1x16x128xf32, #tpu.memory_space<vmem>>
      %dma_start3A_1612 = tpu.memref_squeeze %dma_start3A_1611 : memref<1x1x16x128xf32, #tpu.memory_space<vmem>> -> memref<16x128xf32, #tpu.memory_space<vmem>>
      %dma_start3A_1613 = arith.constant 0 : i32
      %dma_start3A_1614 = tpu.memref_slice %arg5[%dma_start3A_1613, %multiple_of3A_1592] : memref<16x1000000xf32, #tpu.memory_space<hbm>> -> memref<16x128xf32, #tpu.memory_space<hbm>>
      %dma_start3A_1615 = arith.constant 0 : i32
      %dma_start3A_1616 = arith.constant 0 : i32
      %dma_start3A_1617 = tpu.memref_slice %arg10[%dma_start3A_1607, %dma_start3A_1608, %dma_start3A_1615, %dma_start3A_1616] : memref<2x16x16x128xf32, #tpu.memory_space<vmem>> -> memref<1x1x16x128xf32, #tpu.memory_space<vmem>>
      %dma_start3A_1618 = tpu.memref_squeeze %dma_start3A_1617 : memref<1x1x16x128xf32, #tpu.memory_space<vmem>> -> memref<16x128xf32, #tpu.memory_space<vmem>>
      %dma_start3A_1619 = arith.constant 0 : i32
      %dma_start3A_1620 = tpu.memref_slice %arg5[%dma_start3A_1619, %multiple_of3A_1592] : memref<16x1000000xf32, #tpu.memory_space<hbm>> -> memref<16x128xf32, #tpu.memory_space<hbm>>
      tpu.enqueue_dma source(%dma_start3A_1620 : memref<16x128xf32, #tpu.memory_space<hbm>>) target(%dma_start3A_1618 : memref<16x128xf32, #tpu.memory_space<vmem>>) target_semaphore(%arg13 : memref<!tpu.dma_semaphore, #tpu.memory_space<semaphore_mem>>)
      %slice3A_1621 = vector.extract_strided_slice %mul3A_1510 {offsets = [3], sizes = [1], strides = [1]} : vector<16xi32> to vector<1xi32>
      %squeeze3A_1622 = vector.extract %slice3A_1621[0] : i32 from vector<1xi32>
      %multiple_of3A_1623 = tpu.assume_multiple %squeeze3A_1622, 128 : i32
      %slice3A_1624 = vector.extract_strided_slice %mul3A_1518 {offsets = [3], sizes = [1], strides = [1]} : vector<16xi32> to vector<1xi32>
      %squeeze3A_1625 = vector.extract %slice3A_1624[0] : i32 from vector<1xi32>
      %multiple_of3A_1626 = tpu.assume_multiple %squeeze3A_1625, 128 : i32
      %dma_start3A_1627 = arith.constant 0 : i32
      %dma_start3A_1628 = arith.constant 3 : i32
      %dma_start3A_1629 = arith.constant 0 : i32
      %dma_start3A_1630 = arith.constant 0 : i32
      %dma_start3A_1631 = tpu.memref_slice %arg10[%dma_start3A_1627, %dma_start3A_1628, %dma_start3A_1629, %dma_start3A_1630] : memref<2x16x16x128xf32, #tpu.memory_space<vmem>> -> memref<1x1x16x128xf32, #tpu.memory_space<vmem>>
      %dma_start3A_1632 = tpu.memref_squeeze %dma_start3A_1631 : memref<1x1x16x128xf32, #tpu.memory_space<vmem>> -> memref<16x128xf32, #tpu.memory_space<vmem>>
      %dma_start3A_1633 = arith.constant 0 : i32
      %dma_start3A_1634 = tpu.memref_slice %arg4[%dma_start3A_1633, %multiple_of3A_1623] : memref<16x1000000xf32, #tpu.memory_space<hbm>> -> memref<16x128xf32, #tpu.memory_space<hbm>>
      %dma_start3A_1635 = arith.constant 0 : i32
      %dma_start3A_1636 = arith.constant 0 : i32
      %dma_start3A_1637 = tpu.memref_slice %arg10[%dma_start3A_1627, %dma_start3A_1628, %dma_start3A_1635, %dma_start3A_1636] : memref<2x16x16x128xf32, #tpu.memory_space<vmem>> -> memref<1x1x16x128xf32, #tpu.memory_space<vmem>>
      %dma_start3A_1638 = tpu.memref_squeeze %dma_start3A_1637 : memref<1x1x16x128xf32, #tpu.memory_space<vmem>> -> memref<16x128xf32, #tpu.memory_space<vmem>>
      %dma_start3A_1639 = arith.constant 0 : i32
      %dma_start3A_1640 = tpu.memref_slice %arg4[%dma_start3A_1639, %multiple_of3A_1623] : memref<16x1000000xf32, #tpu.memory_space<hbm>> -> memref<16x128xf32, #tpu.memory_space<hbm>>
      tpu.enqueue_dma source(%dma_start3A_1640 : memref<16x128xf32, #tpu.memory_space<hbm>>) target(%dma_start3A_1638 : memref<16x128xf32, #tpu.memory_space<vmem>>) target_semaphore(%arg13 : memref<!tpu.dma_semaphore, #tpu.memory_space<semaphore_mem>>)
      %dma_start3A_1641 = arith.constant 0 : i32
      %dma_start3A_1642 = arith.constant 11 : i32
      %dma_start3A_1643 = arith.constant 0 : i32
      %dma_start3A_1644 = arith.constant 0 : i32
      %dma_start3A_1645 = tpu.memref_slice %arg10[%dma_start3A_1641, %dma_start3A_1642, %dma_start3A_1643, %dma_start3A_1644] : memref<2x16x16x128xf32, #tpu.memory_space<vmem>> -> memref<1x1x16x128xf32, #tpu.memory_space<vmem>>
      %dma_start3A_1646 = tpu.memref_squeeze %dma_start3A_1645 : memref<1x1x16x128xf32, #tpu.memory_space<vmem>> -> memref<16x128xf32, #tpu.memory_space<vmem>>
      %dma_start3A_1647 = arith.constant 0 : i32
      %dma_start3A_1648 = tpu.memref_slice %arg5[%dma_start3A_1647, %multiple_of3A_1626] : memref<16x1000000xf32, #tpu.memory_space<hbm>> -> memref<16x128xf32, #tpu.memory_space<hbm>>
      %dma_start3A_1649 = arith.constant 0 : i32
      %dma_start3A_1650 = arith.constant 0 : i32
      %dma_start3A_1651 = tpu.memref_slice %arg10[%dma_start3A_1641, %dma_start3A_1642, %dma_start3A_1649, %dma_start3A_1650] : memref<2x16x16x128xf32, #tpu.memory_space<vmem>> -> memref<1x1x16x128xf32, #tpu.memory_space<vmem>>
      %dma_start3A_1652 = tpu.memref_squeeze %dma_start3A_1651 : memref<1x1x16x128xf32, #tpu.memory_space<vmem>> -> memref<16x128xf32, #tpu.memory_space<vmem>>
      %dma_start3A_1653 = arith.constant 0 : i32
      %dma_start3A_1654 = tpu.memref_slice %arg5[%dma_start3A_1653, %multiple_of3A_1626] : memref<16x1000000xf32, #tpu.memory_space<hbm>> -> memref<16x128xf32, #tpu.memory_space<hbm>>
      tpu.enqueue_dma source(%dma_start3A_1654 : memref<16x128xf32, #tpu.memory_space<hbm>>) target(%dma_start3A_1652 : memref<16x128xf32, #tpu.memory_space<vmem>>) target_semaphore(%arg13 : memref<!tpu.dma_semaphore, #tpu.memory_space<semaphore_mem>>)
      %slice3A_1655 = vector.extract_strided_slice %mul3A_1510 {offsets = [4], sizes = [1], strides = [1]} : vector<16xi32> to vector<1xi32>
      %squeeze3A_1656 = vector.extract %slice3A_1655[0] : i32 from vector<1xi32>
      %multiple_of3A_1657 = tpu.assume_multiple %squeeze3A_1656, 128 : i32
      %slice3A_1658 = vector.extract_strided_slice %mul3A_1518 {offsets = [4], sizes = [1], strides = [1]} : vector<16xi32> to vector<1xi32>
      %squeeze3A_1659 = vector.extract %slice3A_1658[0] : i32 from vector<1xi32>
      %multiple_of3A_1660 = tpu.assume_multiple %squeeze3A_1659, 128 : i32
      %dma_start3A_1661 = arith.constant 0 : i32
      %dma_start3A_1662 = arith.constant 4 : i32
      %dma_start3A_1663 = arith.constant 0 : i32
      %dma_start3A_1664 = arith.constant 0 : i32
      %dma_start3A_1665 = tpu.memref_slice %arg10[%dma_start3A_1661, %dma_start3A_1662, %dma_start3A_1663, %dma_start3A_1664] : memref<2x16x16x128xf32, #tpu.memory_space<vmem>> -> memref<1x1x16x128xf32, #tpu.memory_space<vmem>>
      %dma_start3A_1666 = tpu.memref_squeeze %dma_start3A_1665 : memref<1x1x16x128xf32, #tpu.memory_space<vmem>> -> memref<16x128xf32, #tpu.memory_space<vmem>>
      %dma_start3A_1667 = arith.constant 0 : i32
      %dma_start3A_1668 = tpu.memref_slice %arg4[%dma_start3A_1667, %multiple_of3A_1657] : memref<16x1000000xf32, #tpu.memory_space<hbm>> -> memref<16x128xf32, #tpu.memory_space<hbm>>
      %dma_start3A_1669 = arith.constant 0 : i32
      %dma_start3A_1670 = arith.constant 0 : i32
      %dma_start3A_1671 = tpu.memref_slice %arg10[%dma_start3A_1661, %dma_start3A_1662, %dma_start3A_1669, %dma_start3A_1670] : memref<2x16x16x128xf32, #tpu.memory_space<vmem>> -> memref<1x1x16x128xf32, #tpu.memory_space<vmem>>
      %dma_start3A_1672 = tpu.memref_squeeze %dma_start3A_1671 : memref<1x1x16x128xf32, #tpu.memory_space<vmem>> -> memref<16x128xf32, #tpu.memory_space<vmem>>
      %dma_start3A_1673 = arith.constant 0 : i32
      %dma_start3A_1674 = tpu.memref_slice %arg4[%dma_start3A_1673, %multiple_of3A_1657] : memref<16x1000000xf32, #tpu.memory_space<hbm>> -> memref<16x128xf32, #tpu.memory_space<hbm>>
      tpu.enqueue_dma source(%dma_start3A_1674 : memref<16x128xf32, #tpu.memory_space<hbm>>) target(%dma_start3A_1672 : memref<16x128xf32, #tpu.memory_space<vmem>>) target_semaphore(%arg13 : memref<!tpu.dma_semaphore, #tpu.memory_space<semaphore_mem>>)
      %dma_start3A_1675 = arith.constant 0 : i32
      %dma_start3A_1676 = arith.constant 12 : i32
      %dma_start3A_1677 = arith.constant 0 : i32
      %dma_start3A_1678 = arith.constant 0 : i32
      %dma_start3A_1679 = tpu.memref_slice %arg10[%dma_start3A_1675, %dma_start3A_1676, %dma_start3A_1677, %dma_start3A_1678] : memref<2x16x16x128xf32, #tpu.memory_space<vmem>> -> memref<1x1x16x128xf32, #tpu.memory_space<vmem>>
      %dma_start3A_1680 = tpu.memref_squeeze %dma_start3A_1679 : memref<1x1x16x128xf32, #tpu.memory_space<vmem>> -> memref<16x128xf32, #tpu.memory_space<vmem>>
      %dma_start3A_1681 = arith.constant 0 : i32
      %dma_start3A_1682 = tpu.memref_slice %arg5[%dma_start3A_1681, %multiple_of3A_1660] : memref<16x1000000xf32, #tpu.memory_space<hbm>> -> memref<16x128xf32, #tpu.memory_space<hbm>>
      %dma_start3A_1683 = arith.constant 0 : i32
      %dma_start3A_1684 = arith.constant 0 : i32
      %dma_start3A_1685 = tpu.memref_slice %arg10[%dma_start3A_1675, %dma_start3A_1676, %dma_start3A_1683, %dma_start3A_1684] : memref<2x16x16x128xf32, #tpu.memory_space<vmem>> -> memref<1x1x16x128xf32, #tpu.memory_space<vmem>>
      %dma_start3A_1686 = tpu.memref_squeeze %dma_start3A_1685 : memref<1x1x16x128xf32, #tpu.memory_space<vmem>> -> memref<16x128xf32, #tpu.memory_space<vmem>>
      %dma_start3A_1687 = arith.constant 0 : i32
      %dma_start3A_1688 = tpu.memref_slice %arg5[%dma_start3A_1687, %multiple_of3A_1660] : memref<16x1000000xf32, #tpu.memory_space<hbm>> -> memref<16x128xf32, #tpu.memory_space<hbm>>
      tpu.enqueue_dma source(%dma_start3A_1688 : memref<16x128xf32, #tpu.memory_space<hbm>>) target(%dma_start3A_1686 : memref<16x128xf32, #tpu.memory_space<vmem>>) target_semaphore(%arg13 : memref<!tpu.dma_semaphore, #tpu.memory_space<semaphore_mem>>)
      %slice3A_1689 = vector.extract_strided_slice %mul3A_1510 {offsets = [5], sizes = [1], strides = [1]} : vector<16xi32> to vector<1xi32>
      %squeeze3A_1690 = vector.extract %slice3A_1689[0] : i32 from vector<1xi32>
      %multiple_of3A_1691 = tpu.assume_multiple %squeeze3A_1690, 128 : i32
      %slice3A_1692 = vector.extract_strided_slice %mul3A_1518 {offsets = [5], sizes = [1], strides = [1]} : vector<16xi32> to vector<1xi32>
      %squeeze3A_1693 = vector.extract %slice3A_1692[0] : i32 from vector<1xi32>
      %multiple_of3A_1694 = tpu.assume_multiple %squeeze3A_1693, 128 : i32
      %dma_start3A_1695 = arith.constant 0 : i32
      %dma_start3A_1696 = arith.constant 5 : i32
      %dma_start3A_1697 = arith.constant 0 : i32
      %dma_start3A_1698 = arith.constant 0 : i32
      %dma_start3A_1699 = tpu.memref_slice %arg10[%dma_start3A_1695, %dma_start3A_1696, %dma_start3A_1697, %dma_start3A_1698] : memref<2x16x16x128xf32, #tpu.memory_space<vmem>> -> memref<1x1x16x128xf32, #tpu.memory_space<vmem>>
      %dma_start3A_1700 = tpu.memref_squeeze %dma_start3A_1699 : memref<1x1x16x128xf32, #tpu.memory_space<vmem>> -> memref<16x128xf32, #tpu.memory_space<vmem>>
      %dma_start3A_1701 = arith.constant 0 : i32
      %dma_start3A_1702 = tpu.memref_slice %arg4[%dma_start3A_1701, %multiple_of3A_1691] : memref<16x1000000xf32, #tpu.memory_space<hbm>> -> memref<16x128xf32, #tpu.memory_space<hbm>>
      %dma_start3A_1703 = arith.constant 0 : i32
      %dma_start3A_1704 = arith.constant 0 : i32
      %dma_start3A_1705 = tpu.memref_slice %arg10[%dma_start3A_1695, %dma_start3A_1696, %dma_start3A_1703, %dma_start3A_1704] : memref<2x16x16x128xf32, #tpu.memory_space<vmem>> -> memref<1x1x16x128xf32, #tpu.memory_space<vmem>>
      %dma_start3A_1706 = tpu.memref_squeeze %dma_start3A_1705 : memref<1x1x16x128xf32, #tpu.memory_space<vmem>> -> memref<16x128xf32, #tpu.memory_space<vmem>>
      %dma_start3A_1707 = arith.constant 0 : i32
      %dma_start3A_1708 = tpu.memref_slice %arg4[%dma_start3A_1707, %multiple_of3A_1691] : memref<16x1000000xf32, #tpu.memory_space<hbm>> -> memref<16x128xf32, #tpu.memory_space<hbm>>
      tpu.enqueue_dma source(%dma_start3A_1708 : memref<16x128xf32, #tpu.memory_space<hbm>>) target(%dma_start3A_1706 : memref<16x128xf32, #tpu.memory_space<vmem>>) target_semaphore(%arg13 : memref<!tpu.dma_semaphore, #tpu.memory_space<semaphore_mem>>)
      %dma_start3A_1709 = arith.constant 0 : i32
      %dma_start3A_1710 = arith.constant 13 : i32
      %dma_start3A_1711 = arith.constant 0 : i32
      %dma_start3A_1712 = arith.constant 0 : i32
      %dma_start3A_1713 = tpu.memref_slice %arg10[%dma_start3A_1709, %dma_start3A_1710, %dma_start3A_1711, %dma_start3A_1712] : memref<2x16x16x128xf32, #tpu.memory_space<vmem>> -> memref<1x1x16x128xf32, #tpu.memory_space<vmem>>
      %dma_start3A_1714 = tpu.memref_squeeze %dma_start3A_1713 : memref<1x1x16x128xf32, #tpu.memory_space<vmem>> -> memref<16x128xf32, #tpu.memory_space<vmem>>
      %dma_start3A_1715 = arith.constant 0 : i32
      %dma_start3A_1716 = tpu.memref_slice %arg5[%dma_start3A_1715, %multiple_of3A_1694] : memref<16x1000000xf32, #tpu.memory_space<hbm>> -> memref<16x128xf32, #tpu.memory_space<hbm>>
      %dma_start3A_1717 = arith.constant 0 : i32
      %dma_start3A_1718 = arith.constant 0 : i32
      %dma_start3A_1719 = tpu.memref_slice %arg10[%dma_start3A_1709, %dma_start3A_1710, %dma_start3A_1717, %dma_start3A_1718] : memref<2x16x16x128xf32, #tpu.memory_space<vmem>> -> memref<1x1x16x128xf32, #tpu.memory_space<vmem>>
      %dma_start3A_1720 = tpu.memref_squeeze %dma_start3A_1719 : memref<1x1x16x128xf32, #tpu.memory_space<vmem>> -> memref<16x128xf32, #tpu.memory_space<vmem>>
      %dma_start3A_1721 = arith.constant 0 : i32
      %dma_start3A_1722 = tpu.memref_slice %arg5[%dma_start3A_1721, %multiple_of3A_1694] : memref<16x1000000xf32, #tpu.memory_space<hbm>> -> memref<16x128xf32, #tpu.memory_space<hbm>>
      tpu.enqueue_dma source(%dma_start3A_1722 : memref<16x128xf32, #tpu.memory_space<hbm>>) target(%dma_start3A_1720 : memref<16x128xf32, #tpu.memory_space<vmem>>) target_semaphore(%arg13 : memref<!tpu.dma_semaphore, #tpu.memory_space<semaphore_mem>>)
      %slice3A_1723 = vector.extract_strided_slice %mul3A_1510 {offsets = [6], sizes = [1], strides = [1]} : vector<16xi32> to vector<1xi32>
      %squeeze3A_1724 = vector.extract %slice3A_1723[0] : i32 from vector<1xi32>
      %multiple_of3A_1725 = tpu.assume_multiple %squeeze3A_1724, 128 : i32
      %slice3A_1726 = vector.extract_strided_slice %mul3A_1518 {offsets = [6], sizes = [1], strides = [1]} : vector<16xi32> to vector<1xi32>
      %squeeze3A_1727 = vector.extract %slice3A_1726[0] : i32 from vector<1xi32>
      %multiple_of3A_1728 = tpu.assume_multiple %squeeze3A_1727, 128 : i32
      %dma_start3A_1729 = arith.constant 0 : i32
      %dma_start3A_1730 = arith.constant 6 : i32
      %dma_start3A_1731 = arith.constant 0 : i32
      %dma_start3A_1732 = arith.constant 0 : i32
      %dma_start3A_1733 = tpu.memref_slice %arg10[%dma_start3A_1729, %dma_start3A_1730, %dma_start3A_1731, %dma_start3A_1732] : memref<2x16x16x128xf32, #tpu.memory_space<vmem>> -> memref<1x1x16x128xf32, #tpu.memory_space<vmem>>
      %dma_start3A_1734 = tpu.memref_squeeze %dma_start3A_1733 : memref<1x1x16x128xf32, #tpu.memory_space<vmem>> -> memref<16x128xf32, #tpu.memory_space<vmem>>
      %dma_start3A_1735 = arith.constant 0 : i32
      %dma_start3A_1736 = tpu.memref_slice %arg4[%dma_start3A_1735, %multiple_of3A_1725] : memref<16x1000000xf32, #tpu.memory_space<hbm>> -> memref<16x128xf32, #tpu.memory_space<hbm>>
      %dma_start3A_1737 = arith.constant 0 : i32
      %dma_start3A_1738 = arith.constant 0 : i32
      %dma_start3A_1739 = tpu.memref_slice %arg10[%dma_start3A_1729, %dma_start3A_1730, %dma_start3A_1737, %dma_start3A_1738] : memref<2x16x16x128xf32, #tpu.memory_space<vmem>> -> memref<1x1x16x128xf32, #tpu.memory_space<vmem>>
      %dma_start3A_1740 = tpu.memref_squeeze %dma_start3A_1739 : memref<1x1x16x128xf32, #tpu.memory_space<vmem>> -> memref<16x128xf32, #tpu.memory_space<vmem>>
      %dma_start3A_1741 = arith.constant 0 : i32
      %dma_start3A_1742 = tpu.memref_slice %arg4[%dma_start3A_1741, %multiple_of3A_1725] : memref<16x1000000xf32, #tpu.memory_space<hbm>> -> memref<16x128xf32, #tpu.memory_space<hbm>>
      tpu.enqueue_dma source(%dma_start3A_1742 : memref<16x128xf32, #tpu.memory_space<hbm>>) target(%dma_start3A_1740 : memref<16x128xf32, #tpu.memory_space<vmem>>) target_semaphore(%arg13 : memref<!tpu.dma_semaphore, #tpu.memory_space<semaphore_mem>>)
      %dma_start3A_1743 = arith.constant 0 : i32
      %dma_start3A_1744 = arith.constant 14 : i32
      %dma_start3A_1745 = arith.constant 0 : i32
      %dma_start3A_1746 = arith.constant 0 : i32
      %dma_start3A_1747 = tpu.memref_slice %arg10[%dma_start3A_1743, %dma_start3A_1744, %dma_start3A_1745, %dma_start3A_1746] : memref<2x16x16x128xf32, #tpu.memory_space<vmem>> -> memref<1x1x16x128xf32, #tpu.memory_space<vmem>>
      %dma_start3A_1748 = tpu.memref_squeeze %dma_start3A_1747 : memref<1x1x16x128xf32, #tpu.memory_space<vmem>> -> memref<16x128xf32, #tpu.memory_space<vmem>>
      %dma_start3A_1749 = arith.constant 0 : i32
      %dma_start3A_1750 = tpu.memref_slice %arg5[%dma_start3A_1749, %multiple_of3A_1728] : memref<16x1000000xf32, #tpu.memory_space<hbm>> -> memref<16x128xf32, #tpu.memory_space<hbm>>
      %dma_start3A_1751 = arith.constant 0 : i32
      %dma_start3A_1752 = arith.constant 0 : i32
      %dma_start3A_1753 = tpu.memref_slice %arg10[%dma_start3A_1743, %dma_start3A_1744, %dma_start3A_1751, %dma_start3A_1752] : memref<2x16x16x128xf32, #tpu.memory_space<vmem>> -> memref<1x1x16x128xf32, #tpu.memory_space<vmem>>
      %dma_start3A_1754 = tpu.memref_squeeze %dma_start3A_1753 : memref<1x1x16x128xf32, #tpu.memory_space<vmem>> -> memref<16x128xf32, #tpu.memory_space<vmem>>
      %dma_start3A_1755 = arith.constant 0 : i32
      %dma_start3A_1756 = tpu.memref_slice %arg5[%dma_start3A_1755, %multiple_of3A_1728] : memref<16x1000000xf32, #tpu.memory_space<hbm>> -> memref<16x128xf32, #tpu.memory_space<hbm>>
      tpu.enqueue_dma source(%dma_start3A_1756 : memref<16x128xf32, #tpu.memory_space<hbm>>) target(%dma_start3A_1754 : memref<16x128xf32, #tpu.memory_space<vmem>>) target_semaphore(%arg13 : memref<!tpu.dma_semaphore, #tpu.memory_space<semaphore_mem>>)
      %slice3A_1757 = vector.extract_strided_slice %mul3A_1510 {offsets = [7], sizes = [1], strides = [1]} : vector<16xi32> to vector<1xi32>
      %squeeze3A_1758 = vector.extract %slice3A_1757[0] : i32 from vector<1xi32>
      %multiple_of3A_1759 = tpu.assume_multiple %squeeze3A_1758, 128 : i32
      %slice3A_1760 = vector.extract_strided_slice %mul3A_1518 {offsets = [7], sizes = [1], strides = [1]} : vector<16xi32> to vector<1xi32>
      %squeeze3A_1761 = vector.extract %slice3A_1760[0] : i32 from vector<1xi32>
      %multiple_of3A_1762 = tpu.assume_multiple %squeeze3A_1761, 128 : i32
      %dma_start3A_1763 = arith.constant 0 : i32
      %dma_start3A_1764 = arith.constant 7 : i32
      %dma_start3A_1765 = arith.constant 0 : i32
      %dma_start3A_1766 = arith.constant 0 : i32
      %dma_start3A_1767 = tpu.memref_slice %arg10[%dma_start3A_1763, %dma_start3A_1764, %dma_start3A_1765, %dma_start3A_1766] : memref<2x16x16x128xf32, #tpu.memory_space<vmem>> -> memref<1x1x16x128xf32, #tpu.memory_space<vmem>>
      %dma_start3A_1768 = tpu.memref_squeeze %dma_start3A_1767 : memref<1x1x16x128xf32, #tpu.memory_space<vmem>> -> memref<16x128xf32, #tpu.memory_space<vmem>>
      %dma_start3A_1769 = arith.constant 0 : i32
      %dma_start3A_1770 = tpu.memref_slice %arg4[%dma_start3A_1769, %multiple_of3A_1759] : memref<16x1000000xf32, #tpu.memory_space<hbm>> -> memref<16x128xf32, #tpu.memory_space<hbm>>
      %dma_start3A_1771 = arith.constant 0 : i32
      %dma_start3A_1772 = arith.constant 0 : i32
      %dma_start3A_1773 = tpu.memref_slice %arg10[%dma_start3A_1763, %dma_start3A_1764, %dma_start3A_1771, %dma_start3A_1772] : memref<2x16x16x128xf32, #tpu.memory_space<vmem>> -> memref<1x1x16x128xf32, #tpu.memory_space<vmem>>
      %dma_start3A_1774 = tpu.memref_squeeze %dma_start3A_1773 : memref<1x1x16x128xf32, #tpu.memory_space<vmem>> -> memref<16x128xf32, #tpu.memory_space<vmem>>
      %dma_start3A_1775 = arith.constant 0 : i32
      %dma_start3A_1776 = tpu.memref_slice %arg4[%dma_start3A_1775, %multiple_of3A_1759] : memref<16x1000000xf32, #tpu.memory_space<hbm>> -> memref<16x128xf32, #tpu.memory_space<hbm>>
      tpu.enqueue_dma source(%dma_start3A_1776 : memref<16x128xf32, #tpu.memory_space<hbm>>) target(%dma_start3A_1774 : memref<16x128xf32, #tpu.memory_space<vmem>>) target_semaphore(%arg13 : memref<!tpu.dma_semaphore, #tpu.memory_space<semaphore_mem>>)
      %dma_start3A_1777 = arith.constant 0 : i32
      %dma_start3A_1778 = arith.constant 15 : i32
      %dma_start3A_1779 = arith.constant 0 : i32
      %dma_start3A_1780 = arith.constant 0 : i32
      %dma_start3A_1781 = tpu.memref_slice %arg10[%dma_start3A_1777, %dma_start3A_1778, %dma_start3A_1779, %dma_start3A_1780] : memref<2x16x16x128xf32, #tpu.memory_space<vmem>> -> memref<1x1x16x128xf32, #tpu.memory_space<vmem>>
      %dma_start3A_1782 = tpu.memref_squeeze %dma_start3A_1781 : memref<1x1x16x128xf32, #tpu.memory_space<vmem>> -> memref<16x128xf32, #tpu.memory_space<vmem>>
      %dma_start3A_1783 = arith.constant 0 : i32
      %dma_start3A_1784 = tpu.memref_slice %arg5[%dma_start3A_1783, %multiple_of3A_1762] : memref<16x1000000xf32, #tpu.memory_space<hbm>> -> memref<16x128xf32, #tpu.memory_space<hbm>>
      %dma_start3A_1785 = arith.constant 0 : i32
      %dma_start3A_1786 = arith.constant 0 : i32
      %dma_start3A_1787 = tpu.memref_slice %arg10[%dma_start3A_1777, %dma_start3A_1778, %dma_start3A_1785, %dma_start3A_1786] : memref<2x16x16x128xf32, #tpu.memory_space<vmem>> -> memref<1x1x16x128xf32, #tpu.memory_space<vmem>>
      %dma_start3A_1788 = tpu.memref_squeeze %dma_start3A_1787 : memref<1x1x16x128xf32, #tpu.memory_space<vmem>> -> memref<16x128xf32, #tpu.memory_space<vmem>>
      %dma_start3A_1789 = arith.constant 0 : i32
      %dma_start3A_1790 = tpu.memref_slice %arg5[%dma_start3A_1789, %multiple_of3A_1762] : memref<16x1000000xf32, #tpu.memory_space<hbm>> -> memref<16x128xf32, #tpu.memory_space<hbm>>
      tpu.enqueue_dma source(%dma_start3A_1790 : memref<16x128xf32, #tpu.memory_space<hbm>>) target(%dma_start3A_1788 : memref<16x128xf32, #tpu.memory_space<vmem>>) target_semaphore(%arg13 : memref<!tpu.dma_semaphore, #tpu.memory_space<semaphore_mem>>)
      %dma_wait3A_1791 = arith.constant 1 : i32
      %dma_wait3A_1792 = arith.constant 0 : i32
      %dma_wait3A_1793 = arith.constant 0 : i32
      %dma_wait3A_1794 = arith.constant 0 : i32
      %dma_wait3A_1795 = tpu.memref_slice %arg10[%dma_wait3A_1791, %dma_wait3A_1792, %dma_wait3A_1793, %dma_wait3A_1794] : memref<2x16x16x128xf32, #tpu.memory_space<vmem>> -> memref<1x16x16x128xf32, #tpu.memory_space<vmem>>
      %dma_wait3A_1796 = tpu.memref_squeeze %dma_wait3A_1795 : memref<1x16x16x128xf32, #tpu.memory_space<vmem>> -> memref<16x16x128xf32, #tpu.memory_space<vmem>>
      %dma_wait3A_1797 = tpu.memref_reshape %dma_wait3A_1796 : memref<16x16x128xf32, #tpu.memory_space<vmem>> -> memref<16x2048xf32, #tpu.memory_space<vmem>>
      %dma_wait3A_1798 = arith.constant 0 : i32
      %dma_wait3A_1799 = arith.constant 0 : i32
      %dma_wait3A_1800 = tpu.memref_slice %arg4[%dma_wait3A_1798, %dma_wait3A_1799] : memref<16x1000000xf32, #tpu.memory_space<hbm>> -> memref<16x2048xf32, #tpu.memory_space<hbm>>
      %dma_wait3A_1801 = arith.constant 0 : i32
      %dma_wait3A_1802 = arith.constant 0 : i32
      %dma_wait3A_1803 = arith.constant 0 : i32
      %dma_wait3A_1804 = tpu.memref_slice %arg10[%dma_wait3A_1791, %dma_wait3A_1801, %dma_wait3A_1802, %dma_wait3A_1803] : memref<2x16x16x128xf32, #tpu.memory_space<vmem>> -> memref<1x16x16x128xf32, #tpu.memory_space<vmem>>
      %dma_wait3A_1805 = tpu.memref_squeeze %dma_wait3A_1804 : memref<1x16x16x128xf32, #tpu.memory_space<vmem>> -> memref<16x16x128xf32, #tpu.memory_space<vmem>>
      %dma_wait3A_1806 = tpu.memref_reshape %dma_wait3A_1805 : memref<16x16x128xf32, #tpu.memory_space<vmem>> -> memref<16x2048xf32, #tpu.memory_space<vmem>>
      %dma_wait3A_1807 = arith.constant 0 : i32
      %dma_wait3A_1808 = arith.constant 0 : i32
      %dma_wait3A_1809 = tpu.memref_slice %arg4[%dma_wait3A_1807, %dma_wait3A_1808] : memref<16x1000000xf32, #tpu.memory_space<hbm>> -> memref<16x2048xf32, #tpu.memory_space<hbm>>
      tpu.wait_dma2 semaphore(%arg14 : memref<!tpu.dma_semaphore, #tpu.memory_space<semaphore_mem>>) src(%dma_wait3A_1809 : memref<16x2048xf32, #tpu.memory_space<hbm>>) dst(%dma_wait3A_1806 : memref<16x2048xf32, #tpu.memory_space<vmem>>)
      %add3A_1810 = arith.constant 1 : i32
      %add3A_1811 = arith.addi %mul3A_1105, %add3A_1810 : i32
      %add3A_1812 = arith.constant 1 : i32
      %add3A_1813 = vector.broadcast %add3A_1812 : i32 to vector<16xi32>
      %add3A_1814 = arith.addi %mul3A_311, %add3A_1813 : vector<16xi32>
      %mul3A_1815 = arith.constant 8 : i32
      %mul3A_1816 = arith.muli %add3A_1811, %mul3A_1815 : i32
      %add3A_1817 = vector.broadcast %mul3A_1816 : i32 to vector<16xi32>
      %add3A_1818 = arith.addi %add3A_1817, %select_n3A_15 : vector<16xi32>
      %gather3A_1819 = tpu.vector_load_idx %arg8[%add3A_1818] : memref<520xi32, #tpu.memory_space<vmem>>[vector<16xi32>], vector<16xi32>,
      %and3A_1820 = arith.constant 127 : i32
      %and3A_1821 = vector.broadcast %and3A_1820 : i32 to vector<16xi32>
      %and3A_1822 = arith.andi %gather3A_1819, %and3A_1821 : vector<16xi32>
      %gather3A_1823 = tpu.vector_load_idx %arg9[%add3A_1818] : memref<520xi32, #tpu.memory_space<vmem>>[vector<16xi32>], vector<16xi32>,
      %and3A_1824 = arith.constant 127 : i32
      %and3A_1825 = vector.broadcast %and3A_1824 : i32 to vector<16xi32>
      %and3A_1826 = arith.andi %gather3A_1823, %and3A_1825 : vector<16xi32>
      %broadcast_in_dim3A_1827 = arith.constant 0.000000e+00 : f32
      %broadcast_in_dim3A_1828 = vector.broadcast %broadcast_in_dim3A_1827 : f32 to vector<16xf32>
      %gather3A_1829 = tpu.vector_load_idx %arg10[%add3A_1814, %select_n3A_15, %add3A_49, %and3A_1822] : memref<2x16x16x128xf32, #tpu.memory_space<vmem>>[vector<16xi32>, vector<16xi32>, vector<16xi32>, vector<16xi32>], vector<16xf32>,
      %add3A_1830 = arith.constant 8 : i32
      %add3A_1831 = vector.broadcast %add3A_1830 : i32 to vector<16xi32>
      %add3A_1832 = arith.addi %select_n3A_15, %add3A_1831 : vector<16xi32>
      %gather3A_1833 = tpu.vector_load_idx %arg10[%add3A_1814, %add3A_1832, %add3A_49, %and3A_1826] : memref<2x16x16x128xf32, #tpu.memory_space<vmem>>[vector<16xi32>, vector<16xi32>, vector<16xi32>, vector<16xi32>], vector<16xf32>,
      %mul3A_1834 = arith.mulf %gather3A_1829, %gather3A_1833 : vector<16xf32>
      %mul3A_1835 = arith.mulf %mul3A_1834, %gather3A : vector<16xf32>
      %add3A_1836 = arith.addf %broadcast_in_dim3A_1828, %mul3A_1835 : vector<16xf32>
      %gather3A_1837 = tpu.vector_load_idx %arg10[%add3A_1814, %select_n3A_15, %add3A_86, %and3A_1822] : memref<2x16x16x128xf32, #tpu.memory_space<vmem>>[vector<16xi32>, vector<16xi32>, vector<16xi32>, vector<16xi32>], vector<16xf32>,
      %add3A_1838 = arith.constant 8 : i32
      %add3A_1839 = vector.broadcast %add3A_1838 : i32 to vector<16xi32>
      %add3A_1840 = arith.addi %select_n3A_15, %add3A_1839 : vector<16xi32>
      %gather3A_1841 = tpu.vector_load_idx %arg10[%add3A_1814, %add3A_1840, %add3A_86, %and3A_1826] : memref<2x16x16x128xf32, #tpu.memory_space<vmem>>[vector<16xi32>, vector<16xi32>, vector<16xi32>, vector<16xi32>], vector<16xf32>,
      %mul3A_1842 = arith.mulf %gather3A_1837, %gather3A_1841 : vector<16xf32>
      %mul3A_1843 = arith.mulf %mul3A_1842, %gather3A_317 : vector<16xf32>
      %add3A_1844 = arith.addf %add3A_1836, %mul3A_1843 : vector<16xf32>
      %gather3A_1845 = tpu.vector_load_idx %arg10[%add3A_1814, %select_n3A_15, %add3A_123, %and3A_1822] : memref<2x16x16x128xf32, #tpu.memory_space<vmem>>[vector<16xi32>, vector<16xi32>, vector<16xi32>, vector<16xi32>], vector<16xf32>,
      %add3A_1846 = arith.constant 8 : i32
      %add3A_1847 = vector.broadcast %add3A_1846 : i32 to vector<16xi32>
      %add3A_1848 = arith.addi %select_n3A_15, %add3A_1847 : vector<16xi32>
      %gather3A_1849 = tpu.vector_load_idx %arg10[%add3A_1814, %add3A_1848, %add3A_123, %and3A_1826] : memref<2x16x16x128xf32, #tpu.memory_space<vmem>>[vector<16xi32>, vector<16xi32>, vector<16xi32>, vector<16xi32>], vector<16xf32>,
      %mul3A_1850 = arith.mulf %gather3A_1845, %gather3A_1849 : vector<16xf32>
      %mul3A_1851 = arith.mulf %mul3A_1850, %gather3A_318 : vector<16xf32>
      %add3A_1852 = arith.addf %add3A_1844, %mul3A_1851 : vector<16xf32>
      %gather3A_1853 = tpu.vector_load_idx %arg10[%add3A_1814, %select_n3A_15, %add3A_160, %and3A_1822] : memref<2x16x16x128xf32, #tpu.memory_space<vmem>>[vector<16xi32>, vector<16xi32>, vector<16xi32>, vector<16xi32>], vector<16xf32>,
      %add3A_1854 = arith.constant 8 : i32
      %add3A_1855 = vector.broadcast %add3A_1854 : i32 to vector<16xi32>
      %add3A_1856 = arith.addi %select_n3A_15, %add3A_1855 : vector<16xi32>
      %gather3A_1857 = tpu.vector_load_idx %arg10[%add3A_1814, %add3A_1856, %add3A_160, %and3A_1826] : memref<2x16x16x128xf32, #tpu.memory_space<vmem>>[vector<16xi32>, vector<16xi32>, vector<16xi32>, vector<16xi32>], vector<16xf32>,
      %mul3A_1858 = arith.mulf %gather3A_1853, %gather3A_1857 : vector<16xf32>
      %mul3A_1859 = arith.mulf %mul3A_1858, %gather3A_319 : vector<16xf32>
      %add3A_1860 = arith.addf %add3A_1852, %mul3A_1859 : vector<16xf32>
      %gather3A_1861 = tpu.vector_load_idx %arg10[%add3A_1814, %select_n3A_15, %add3A_197, %and3A_1822] : memref<2x16x16x128xf32, #tpu.memory_space<vmem>>[vector<16xi32>, vector<16xi32>, vector<16xi32>, vector<16xi32>], vector<16xf32>,
      %add3A_1862 = arith.constant 8 : i32
      %add3A_1863 = vector.broadcast %add3A_1862 : i32 to vector<16xi32>
      %add3A_1864 = arith.addi %select_n3A_15, %add3A_1863 : vector<16xi32>
      %gather3A_1865 = tpu.vector_load_idx %arg10[%add3A_1814, %add3A_1864, %add3A_197, %and3A_1826] : memref<2x16x16x128xf32, #tpu.memory_space<vmem>>[vector<16xi32>, vector<16xi32>, vector<16xi32>, vector<16xi32>], vector<16xf32>,
      %mul3A_1866 = arith.mulf %gather3A_1861, %gather3A_1865 : vector<16xf32>
      %mul3A_1867 = arith.mulf %mul3A_1866, %gather3A_320 : vector<16xf32>
      %add3A_1868 = arith.addf %add3A_1860, %mul3A_1867 : vector<16xf32>
      %gather3A_1869 = tpu.vector_load_idx %arg10[%add3A_1814, %select_n3A_15, %add3A_234, %and3A_1822] : memref<2x16x16x128xf32, #tpu.memory_space<vmem>>[vector<16xi32>, vector<16xi32>, vector<16xi32>, vector<16xi32>], vector<16xf32>,
      %add3A_1870 = arith.constant 8 : i32
      %add3A_1871 = vector.broadcast %add3A_1870 : i32 to vector<16xi32>
      %add3A_1872 = arith.addi %select_n3A_15, %add3A_1871 : vector<16xi32>
      %gather3A_1873 = tpu.vector_load_idx %arg10[%add3A_1814, %add3A_1872, %add3A_234, %and3A_1826] : memref<2x16x16x128xf32, #tpu.memory_space<vmem>>[vector<16xi32>, vector<16xi32>, vector<16xi32>, vector<16xi32>], vector<16xf32>,
      %mul3A_1874 = arith.mulf %gather3A_1869, %gather3A_1873 : vector<16xf32>
      %mul3A_1875 = arith.mulf %mul3A_1874, %gather3A_321 : vector<16xf32>
      %add3A_1876 = arith.addf %add3A_1868, %mul3A_1875 : vector<16xf32>
      %gather3A_1877 = tpu.vector_load_idx %arg10[%add3A_1814, %select_n3A_15, %add3A_271, %and3A_1822] : memref<2x16x16x128xf32, #tpu.memory_space<vmem>>[vector<16xi32>, vector<16xi32>, vector<16xi32>, vector<16xi32>], vector<16xf32>,
      %add3A_1878 = arith.constant 8 : i32
      %add3A_1879 = vector.broadcast %add3A_1878 : i32 to vector<16xi32>
      %add3A_1880 = arith.addi %select_n3A_15, %add3A_1879 : vector<16xi32>
      %gather3A_1881 = tpu.vector_load_idx %arg10[%add3A_1814, %add3A_1880, %add3A_271, %and3A_1826] : memref<2x16x16x128xf32, #tpu.memory_space<vmem>>[vector<16xi32>, vector<16xi32>, vector<16xi32>, vector<16xi32>], vector<16xf32>,
      %mul3A_1882 = arith.mulf %gather3A_1877, %gather3A_1881 : vector<16xf32>
      %mul3A_1883 = arith.mulf %mul3A_1882, %gather3A_322 : vector<16xf32>
      %add3A_1884 = arith.addf %add3A_1876, %mul3A_1883 : vector<16xf32>
      %gather3A_1885 = tpu.vector_load_idx %arg10[%add3A_1814, %select_n3A_15, %add3A_308, %and3A_1822] : memref<2x16x16x128xf32, #tpu.memory_space<vmem>>[vector<16xi32>, vector<16xi32>, vector<16xi32>, vector<16xi32>], vector<16xf32>,
      %add3A_1886 = arith.constant 8 : i32
      %add3A_1887 = vector.broadcast %add3A_1886 : i32 to vector<16xi32>
      %add3A_1888 = arith.addi %select_n3A_15, %add3A_1887 : vector<16xi32>
      %gather3A_1889 = tpu.vector_load_idx %arg10[%add3A_1814, %add3A_1888, %add3A_308, %and3A_1826] : memref<2x16x16x128xf32, #tpu.memory_space<vmem>>[vector<16xi32>, vector<16xi32>, vector<16xi32>, vector<16xi32>], vector<16xf32>,
      %mul3A_1890 = arith.mulf %gather3A_1885, %gather3A_1889 : vector<16xf32>
      %mul3A_1891 = arith.mulf %mul3A_1890, %gather3A_323 : vector<16xf32>
      %add3A_1892 = arith.addf %add3A_1884, %mul3A_1891 : vector<16xf32>
      %add3A_1893 = arith.addf %add3A_1892, %get3A_326 : vector<16xf32>
      tpu.vector_store_idx %arg12[%add3A_1818], %add3A_1893 masked %lt3A_314 : memref<512xf32, #tpu.memory_space<vmem>>[vector<16xi32>], vector<16xf32>, vector<16xi1>
      tpu.vector_store_idx %arg12[%add3A_1818], %add3A_1892 masked %ge3A_316 {add = true} : memref<512xf32, #tpu.memory_space<vmem>>[vector<16xi32>], vector<16xf32>, vector<16xi1>
    }
    %scan3A_614 = arith.constant 31 : i32
    %get3A_615 = arith.constant 504 : index
    %get3A_616 = tpu.vector_load %arg8[%get3A_615] {strides = array<i32>} : memref<520xi32, #tpu.memory_space<vmem>>, vector<16xi32>,
    %shift_right_arithmetic3A_617 = arith.constant 7 : i32
    %shift_right_arithmetic3A_618 = vector.broadcast %shift_right_arithmetic3A_617 : i32 to vector<16xi32>
    %shift_right_arithmetic3A_619 = arith.shrsi %get3A_616, %shift_right_arithmetic3A_618 : vector<16xi32>
    %mul3A_620 = arith.constant 128 : i32
    %mul3A_621 = vector.broadcast %mul3A_620 : i32 to vector<16xi32>
    %mul3A_622 = arith.muli %shift_right_arithmetic3A_619, %mul3A_621 : vector<16xi32>
    %get3A_623 = arith.constant 504 : index
    %get3A_624 = tpu.vector_load %arg9[%get3A_623] {strides = array<i32>} : memref<520xi32, #tpu.memory_space<vmem>>, vector<16xi32>,
    %shift_right_arithmetic3A_625 = arith.constant 7 : i32
    %shift_right_arithmetic3A_626 = vector.broadcast %shift_right_arithmetic3A_625 : i32 to vector<16xi32>
    %shift_right_arithmetic3A_627 = arith.shrsi %get3A_624, %shift_right_arithmetic3A_626 : vector<16xi32>
    %mul3A_628 = arith.constant 128 : i32
    %mul3A_629 = vector.broadcast %mul3A_628 : i32 to vector<16xi32>
    %mul3A_630 = arith.muli %shift_right_arithmetic3A_627, %mul3A_629 : vector<16xi32>
    %slice3A_631 = vector.extract_strided_slice %mul3A_622 {offsets = [0], sizes = [1], strides = [1]} : vector<16xi32> to vector<1xi32>
    %squeeze3A_632 = vector.extract %slice3A_631[0] : i32 from vector<1xi32>
    %multiple_of3A_633 = tpu.assume_multiple %squeeze3A_632, 128 : i32
    %slice3A_634 = vector.extract_strided_slice %mul3A_630 {offsets = [0], sizes = [1], strides = [1]} : vector<16xi32> to vector<1xi32>
    %squeeze3A_635 = vector.extract %slice3A_634[0] : i32 from vector<1xi32>
    %multiple_of3A_636 = tpu.assume_multiple %squeeze3A_635, 128 : i32
    %dma_start3A_637 = arith.constant 1 : i32
    %dma_start3A_638 = arith.constant 0 : i32
    %dma_start3A_639 = arith.constant 0 : i32
    %dma_start3A_640 = arith.constant 0 : i32
    %dma_start3A_641 = tpu.memref_slice %arg10[%dma_start3A_637, %dma_start3A_638, %dma_start3A_639, %dma_start3A_640] : memref<2x16x16x128xf32, #tpu.memory_space<vmem>> -> memref<1x1x16x128xf32, #tpu.memory_space<vmem>>
    %dma_start3A_642 = tpu.memref_squeeze %dma_start3A_641 : memref<1x1x16x128xf32, #tpu.memory_space<vmem>> -> memref<16x128xf32, #tpu.memory_space<vmem>>
    %dma_start3A_643 = arith.constant 0 : i32
    %dma_start3A_644 = tpu.memref_slice %arg4[%dma_start3A_643, %multiple_of3A_633] : memref<16x1000000xf32, #tpu.memory_space<hbm>> -> memref<16x128xf32, #tpu.memory_space<hbm>>
    %dma_start3A_645 = arith.constant 0 : i32
    %dma_start3A_646 = arith.constant 0 : i32
    %dma_start3A_647 = tpu.memref_slice %arg10[%dma_start3A_637, %dma_start3A_638, %dma_start3A_645, %dma_start3A_646] : memref<2x16x16x128xf32, #tpu.memory_space<vmem>> -> memref<1x1x16x128xf32, #tpu.memory_space<vmem>>
    %dma_start3A_648 = tpu.memref_squeeze %dma_start3A_647 : memref<1x1x16x128xf32, #tpu.memory_space<vmem>> -> memref<16x128xf32, #tpu.memory_space<vmem>>
    %dma_start3A_649 = arith.constant 0 : i32
    %dma_start3A_650 = tpu.memref_slice %arg4[%dma_start3A_649, %multiple_of3A_633] : memref<16x1000000xf32, #tpu.memory_space<hbm>> -> memref<16x128xf32, #tpu.memory_space<hbm>>
    tpu.enqueue_dma source(%dma_start3A_650 : memref<16x128xf32, #tpu.memory_space<hbm>>) target(%dma_start3A_648 : memref<16x128xf32, #tpu.memory_space<vmem>>) target_semaphore(%arg14 : memref<!tpu.dma_semaphore, #tpu.memory_space<semaphore_mem>>)
    %dma_start3A_651 = arith.constant 1 : i32
    %dma_start3A_652 = arith.constant 8 : i32
    %dma_start3A_653 = arith.constant 0 : i32
    %dma_start3A_654 = arith.constant 0 : i32
    %dma_start3A_655 = tpu.memref_slice %arg10[%dma_start3A_651, %dma_start3A_652, %dma_start3A_653, %dma_start3A_654] : memref<2x16x16x128xf32, #tpu.memory_space<vmem>> -> memref<1x1x16x128xf32, #tpu.memory_space<vmem>>
    %dma_start3A_656 = tpu.memref_squeeze %dma_start3A_655 : memref<1x1x16x128xf32, #tpu.memory_space<vmem>> -> memref<16x128xf32, #tpu.memory_space<vmem>>
    %dma_start3A_657 = arith.constant 0 : i32
    %dma_start3A_658 = tpu.memref_slice %arg5[%dma_start3A_657, %multiple_of3A_636] : memref<16x1000000xf32, #tpu.memory_space<hbm>> -> memref<16x128xf32, #tpu.memory_space<hbm>>
    %dma_start3A_659 = arith.constant 0 : i32
    %dma_start3A_660 = arith.constant 0 : i32
    %dma_start3A_661 = tpu.memref_slice %arg10[%dma_start3A_651, %dma_start3A_652, %dma_start3A_659, %dma_start3A_660] : memref<2x16x16x128xf32, #tpu.memory_space<vmem>> -> memref<1x1x16x128xf32, #tpu.memory_space<vmem>>
    %dma_start3A_662 = tpu.memref_squeeze %dma_start3A_661 : memref<1x1x16x128xf32, #tpu.memory_space<vmem>> -> memref<16x128xf32, #tpu.memory_space<vmem>>
    %dma_start3A_663 = arith.constant 0 : i32
    %dma_start3A_664 = tpu.memref_slice %arg5[%dma_start3A_663, %multiple_of3A_636] : memref<16x1000000xf32, #tpu.memory_space<hbm>> -> memref<16x128xf32, #tpu.memory_space<hbm>>
    tpu.enqueue_dma source(%dma_start3A_664 : memref<16x128xf32, #tpu.memory_space<hbm>>) target(%dma_start3A_662 : memref<16x128xf32, #tpu.memory_space<vmem>>) target_semaphore(%arg14 : memref<!tpu.dma_semaphore, #tpu.memory_space<semaphore_mem>>)
    %slice3A_665 = vector.extract_strided_slice %mul3A_622 {offsets = [1], sizes = [1], strides = [1]} : vector<16xi32> to vector<1xi32>
    %squeeze3A_666 = vector.extract %slice3A_665[0] : i32 from vector<1xi32>
    %multiple_of3A_667 = tpu.assume_multiple %squeeze3A_666, 128 : i32
    %slice3A_668 = vector.extract_strided_slice %mul3A_630 {offsets = [1], sizes = [1], strides = [1]} : vector<16xi32> to vector<1xi32>
    %squeeze3A_669 = vector.extract %slice3A_668[0] : i32 from vector<1xi32>
    %multiple_of3A_670 = tpu.assume_multiple %squeeze3A_669, 128 : i32
    %dma_start3A_671 = arith.constant 1 : i32
    %dma_start3A_672 = arith.constant 1 : i32
    %dma_start3A_673 = arith.constant 0 : i32
    %dma_start3A_674 = arith.constant 0 : i32
    %dma_start3A_675 = tpu.memref_slice %arg10[%dma_start3A_671, %dma_start3A_672, %dma_start3A_673, %dma_start3A_674] : memref<2x16x16x128xf32, #tpu.memory_space<vmem>> -> memref<1x1x16x128xf32, #tpu.memory_space<vmem>>
    %dma_start3A_676 = tpu.memref_squeeze %dma_start3A_675 : memref<1x1x16x128xf32, #tpu.memory_space<vmem>> -> memref<16x128xf32, #tpu.memory_space<vmem>>
    %dma_start3A_677 = arith.constant 0 : i32
    %dma_start3A_678 = tpu.memref_slice %arg4[%dma_start3A_677, %multiple_of3A_667] : memref<16x1000000xf32, #tpu.memory_space<hbm>> -> memref<16x128xf32, #tpu.memory_space<hbm>>
    %dma_start3A_679 = arith.constant 0 : i32
    %dma_start3A_680 = arith.constant 0 : i32
    %dma_start3A_681 = tpu.memref_slice %arg10[%dma_start3A_671, %dma_start3A_672, %dma_start3A_679, %dma_start3A_680] : memref<2x16x16x128xf32, #tpu.memory_space<vmem>> -> memref<1x1x16x128xf32, #tpu.memory_space<vmem>>
    %dma_start3A_682 = tpu.memref_squeeze %dma_start3A_681 : memref<1x1x16x128xf32, #tpu.memory_space<vmem>> -> memref<16x128xf32, #tpu.memory_space<vmem>>
    %dma_start3A_683 = arith.constant 0 : i32
    %dma_start3A_684 = tpu.memref_slice %arg4[%dma_start3A_683, %multiple_of3A_667] : memref<16x1000000xf32, #tpu.memory_space<hbm>> -> memref<16x128xf32, #tpu.memory_space<hbm>>
    tpu.enqueue_dma source(%dma_start3A_684 : memref<16x128xf32, #tpu.memory_space<hbm>>) target(%dma_start3A_682 : memref<16x128xf32, #tpu.memory_space<vmem>>) target_semaphore(%arg14 : memref<!tpu.dma_semaphore, #tpu.memory_space<semaphore_mem>>)
    %dma_start3A_685 = arith.constant 1 : i32
    %dma_start3A_686 = arith.constant 9 : i32
    %dma_start3A_687 = arith.constant 0 : i32
    %dma_start3A_688 = arith.constant 0 : i32
    %dma_start3A_689 = tpu.memref_slice %arg10[%dma_start3A_685, %dma_start3A_686, %dma_start3A_687, %dma_start3A_688] : memref<2x16x16x128xf32, #tpu.memory_space<vmem>> -> memref<1x1x16x128xf32, #tpu.memory_space<vmem>>
    %dma_start3A_690 = tpu.memref_squeeze %dma_start3A_689 : memref<1x1x16x128xf32, #tpu.memory_space<vmem>> -> memref<16x128xf32, #tpu.memory_space<vmem>>
    %dma_start3A_691 = arith.constant 0 : i32
    %dma_start3A_692 = tpu.memref_slice %arg5[%dma_start3A_691, %multiple_of3A_670] : memref<16x1000000xf32, #tpu.memory_space<hbm>> -> memref<16x128xf32, #tpu.memory_space<hbm>>
    %dma_start3A_693 = arith.constant 0 : i32
    %dma_start3A_694 = arith.constant 0 : i32
    %dma_start3A_695 = tpu.memref_slice %arg10[%dma_start3A_685, %dma_start3A_686, %dma_start3A_693, %dma_start3A_694] : memref<2x16x16x128xf32, #tpu.memory_space<vmem>> -> memref<1x1x16x128xf32, #tpu.memory_space<vmem>>
    %dma_start3A_696 = tpu.memref_squeeze %dma_start3A_695 : memref<1x1x16x128xf32, #tpu.memory_space<vmem>> -> memref<16x128xf32, #tpu.memory_space<vmem>>
    %dma_start3A_697 = arith.constant 0 : i32
    %dma_start3A_698 = tpu.memref_slice %arg5[%dma_start3A_697, %multiple_of3A_670] : memref<16x1000000xf32, #tpu.memory_space<hbm>> -> memref<16x128xf32, #tpu.memory_space<hbm>>
    tpu.enqueue_dma source(%dma_start3A_698 : memref<16x128xf32, #tpu.memory_space<hbm>>) target(%dma_start3A_696 : memref<16x128xf32, #tpu.memory_space<vmem>>) target_semaphore(%arg14 : memref<!tpu.dma_semaphore, #tpu.memory_space<semaphore_mem>>)
    %slice3A_699 = vector.extract_strided_slice %mul3A_622 {offsets = [2], sizes = [1], strides = [1]} : vector<16xi32> to vector<1xi32>
    %squeeze3A_700 = vector.extract %slice3A_699[0] : i32 from vector<1xi32>
    %multiple_of3A_701 = tpu.assume_multiple %squeeze3A_700, 128 : i32
    %slice3A_702 = vector.extract_strided_slice %mul3A_630 {offsets = [2], sizes = [1], strides = [1]} : vector<16xi32> to vector<1xi32>
    %squeeze3A_703 = vector.extract %slice3A_702[0] : i32 from vector<1xi32>
    %multiple_of3A_704 = tpu.assume_multiple %squeeze3A_703, 128 : i32
    %dma_start3A_705 = arith.constant 1 : i32
    %dma_start3A_706 = arith.constant 2 : i32
    %dma_start3A_707 = arith.constant 0 : i32
    %dma_start3A_708 = arith.constant 0 : i32
    %dma_start3A_709 = tpu.memref_slice %arg10[%dma_start3A_705, %dma_start3A_706, %dma_start3A_707, %dma_start3A_708] : memref<2x16x16x128xf32, #tpu.memory_space<vmem>> -> memref<1x1x16x128xf32, #tpu.memory_space<vmem>>
    %dma_start3A_710 = tpu.memref_squeeze %dma_start3A_709 : memref<1x1x16x128xf32, #tpu.memory_space<vmem>> -> memref<16x128xf32, #tpu.memory_space<vmem>>
    %dma_start3A_711 = arith.constant 0 : i32
    %dma_start3A_712 = tpu.memref_slice %arg4[%dma_start3A_711, %multiple_of3A_701] : memref<16x1000000xf32, #tpu.memory_space<hbm>> -> memref<16x128xf32, #tpu.memory_space<hbm>>
    %dma_start3A_713 = arith.constant 0 : i32
    %dma_start3A_714 = arith.constant 0 : i32
    %dma_start3A_715 = tpu.memref_slice %arg10[%dma_start3A_705, %dma_start3A_706, %dma_start3A_713, %dma_start3A_714] : memref<2x16x16x128xf32, #tpu.memory_space<vmem>> -> memref<1x1x16x128xf32, #tpu.memory_space<vmem>>
    %dma_start3A_716 = tpu.memref_squeeze %dma_start3A_715 : memref<1x1x16x128xf32, #tpu.memory_space<vmem>> -> memref<16x128xf32, #tpu.memory_space<vmem>>
    %dma_start3A_717 = arith.constant 0 : i32
    %dma_start3A_718 = tpu.memref_slice %arg4[%dma_start3A_717, %multiple_of3A_701] : memref<16x1000000xf32, #tpu.memory_space<hbm>> -> memref<16x128xf32, #tpu.memory_space<hbm>>
    tpu.enqueue_dma source(%dma_start3A_718 : memref<16x128xf32, #tpu.memory_space<hbm>>) target(%dma_start3A_716 : memref<16x128xf32, #tpu.memory_space<vmem>>) target_semaphore(%arg14 : memref<!tpu.dma_semaphore, #tpu.memory_space<semaphore_mem>>)
    %dma_start3A_719 = arith.constant 1 : i32
    %dma_start3A_720 = arith.constant 10 : i32
    %dma_start3A_721 = arith.constant 0 : i32
    %dma_start3A_722 = arith.constant 0 : i32
    %dma_start3A_723 = tpu.memref_slice %arg10[%dma_start3A_719, %dma_start3A_720, %dma_start3A_721, %dma_start3A_722] : memref<2x16x16x128xf32, #tpu.memory_space<vmem>> -> memref<1x1x16x128xf32, #tpu.memory_space<vmem>>
    %dma_start3A_724 = tpu.memref_squeeze %dma_start3A_723 : memref<1x1x16x128xf32, #tpu.memory_space<vmem>> -> memref<16x128xf32, #tpu.memory_space<vmem>>
    %dma_start3A_725 = arith.constant 0 : i32
    %dma_start3A_726 = tpu.memref_slice %arg5[%dma_start3A_725, %multiple_of3A_704] : memref<16x1000000xf32, #tpu.memory_space<hbm>> -> memref<16x128xf32, #tpu.memory_space<hbm>>
    %dma_start3A_727 = arith.constant 0 : i32
    %dma_start3A_728 = arith.constant 0 : i32
    %dma_start3A_729 = tpu.memref_slice %arg10[%dma_start3A_719, %dma_start3A_720, %dma_start3A_727, %dma_start3A_728] : memref<2x16x16x128xf32, #tpu.memory_space<vmem>> -> memref<1x1x16x128xf32, #tpu.memory_space<vmem>>
    %dma_start3A_730 = tpu.memref_squeeze %dma_start3A_729 : memref<1x1x16x128xf32, #tpu.memory_space<vmem>> -> memref<16x128xf32, #tpu.memory_space<vmem>>
    %dma_start3A_731 = arith.constant 0 : i32
    %dma_start3A_732 = tpu.memref_slice %arg5[%dma_start3A_731, %multiple_of3A_704] : memref<16x1000000xf32, #tpu.memory_space<hbm>> -> memref<16x128xf32, #tpu.memory_space<hbm>>
    tpu.enqueue_dma source(%dma_start3A_732 : memref<16x128xf32, #tpu.memory_space<hbm>>) target(%dma_start3A_730 : memref<16x128xf32, #tpu.memory_space<vmem>>) target_semaphore(%arg14 : memref<!tpu.dma_semaphore, #tpu.memory_space<semaphore_mem>>)
    %slice3A_733 = vector.extract_strided_slice %mul3A_622 {offsets = [3], sizes = [1], strides = [1]} : vector<16xi32> to vector<1xi32>
    %squeeze3A_734 = vector.extract %slice3A_733[0] : i32 from vector<1xi32>
    %multiple_of3A_735 = tpu.assume_multiple %squeeze3A_734, 128 : i32
    %slice3A_736 = vector.extract_strided_slice %mul3A_630 {offsets = [3], sizes = [1], strides = [1]} : vector<16xi32> to vector<1xi32>
    %squeeze3A_737 = vector.extract %slice3A_736[0] : i32 from vector<1xi32>
    %multiple_of3A_738 = tpu.assume_multiple %squeeze3A_737, 128 : i32
    %dma_start3A_739 = arith.constant 1 : i32
    %dma_start3A_740 = arith.constant 3 : i32
    %dma_start3A_741 = arith.constant 0 : i32
    %dma_start3A_742 = arith.constant 0 : i32
    %dma_start3A_743 = tpu.memref_slice %arg10[%dma_start3A_739, %dma_start3A_740, %dma_start3A_741, %dma_start3A_742] : memref<2x16x16x128xf32, #tpu.memory_space<vmem>> -> memref<1x1x16x128xf32, #tpu.memory_space<vmem>>
    %dma_start3A_744 = tpu.memref_squeeze %dma_start3A_743 : memref<1x1x16x128xf32, #tpu.memory_space<vmem>> -> memref<16x128xf32, #tpu.memory_space<vmem>>
    %dma_start3A_745 = arith.constant 0 : i32
    %dma_start3A_746 = tpu.memref_slice %arg4[%dma_start3A_745, %multiple_of3A_735] : memref<16x1000000xf32, #tpu.memory_space<hbm>> -> memref<16x128xf32, #tpu.memory_space<hbm>>
    %dma_start3A_747 = arith.constant 0 : i32
    %dma_start3A_748 = arith.constant 0 : i32
    %dma_start3A_749 = tpu.memref_slice %arg10[%dma_start3A_739, %dma_start3A_740, %dma_start3A_747, %dma_start3A_748] : memref<2x16x16x128xf32, #tpu.memory_space<vmem>> -> memref<1x1x16x128xf32, #tpu.memory_space<vmem>>
    %dma_start3A_750 = tpu.memref_squeeze %dma_start3A_749 : memref<1x1x16x128xf32, #tpu.memory_space<vmem>> -> memref<16x128xf32, #tpu.memory_space<vmem>>
    %dma_start3A_751 = arith.constant 0 : i32
    %dma_start3A_752 = tpu.memref_slice %arg4[%dma_start3A_751, %multiple_of3A_735] : memref<16x1000000xf32, #tpu.memory_space<hbm>> -> memref<16x128xf32, #tpu.memory_space<hbm>>
    tpu.enqueue_dma source(%dma_start3A_752 : memref<16x128xf32, #tpu.memory_space<hbm>>) target(%dma_start3A_750 : memref<16x128xf32, #tpu.memory_space<vmem>>) target_semaphore(%arg14 : memref<!tpu.dma_semaphore, #tpu.memory_space<semaphore_mem>>)
    %dma_start3A_753 = arith.constant 1 : i32
    %dma_start3A_754 = arith.constant 11 : i32
    %dma_start3A_755 = arith.constant 0 : i32
    %dma_start3A_756 = arith.constant 0 : i32
    %dma_start3A_757 = tpu.memref_slice %arg10[%dma_start3A_753, %dma_start3A_754, %dma_start3A_755, %dma_start3A_756] : memref<2x16x16x128xf32, #tpu.memory_space<vmem>> -> memref<1x1x16x128xf32, #tpu.memory_space<vmem>>
    %dma_start3A_758 = tpu.memref_squeeze %dma_start3A_757 : memref<1x1x16x128xf32, #tpu.memory_space<vmem>> -> memref<16x128xf32, #tpu.memory_space<vmem>>
    %dma_start3A_759 = arith.constant 0 : i32
    %dma_start3A_760 = tpu.memref_slice %arg5[%dma_start3A_759, %multiple_of3A_738] : memref<16x1000000xf32, #tpu.memory_space<hbm>> -> memref<16x128xf32, #tpu.memory_space<hbm>>
    %dma_start3A_761 = arith.constant 0 : i32
    %dma_start3A_762 = arith.constant 0 : i32
    %dma_start3A_763 = tpu.memref_slice %arg10[%dma_start3A_753, %dma_start3A_754, %dma_start3A_761, %dma_start3A_762] : memref<2x16x16x128xf32, #tpu.memory_space<vmem>> -> memref<1x1x16x128xf32, #tpu.memory_space<vmem>>
    %dma_start3A_764 = tpu.memref_squeeze %dma_start3A_763 : memref<1x1x16x128xf32, #tpu.memory_space<vmem>> -> memref<16x128xf32, #tpu.memory_space<vmem>>
    %dma_start3A_765 = arith.constant 0 : i32
    %dma_start3A_766 = tpu.memref_slice %arg5[%dma_start3A_765, %multiple_of3A_738] : memref<16x1000000xf32, #tpu.memory_space<hbm>> -> memref<16x128xf32, #tpu.memory_space<hbm>>
    tpu.enqueue_dma source(%dma_start3A_766 : memref<16x128xf32, #tpu.memory_space<hbm>>) target(%dma_start3A_764 : memref<16x128xf32, #tpu.memory_space<vmem>>) target_semaphore(%arg14 : memref<!tpu.dma_semaphore, #tpu.memory_space<semaphore_mem>>)
    %slice3A_767 = vector.extract_strided_slice %mul3A_622 {offsets = [4], sizes = [1], strides = [1]} : vector<16xi32> to vector<1xi32>
    %squeeze3A_768 = vector.extract %slice3A_767[0] : i32 from vector<1xi32>
    %multiple_of3A_769 = tpu.assume_multiple %squeeze3A_768, 128 : i32
    %slice3A_770 = vector.extract_strided_slice %mul3A_630 {offsets = [4], sizes = [1], strides = [1]} : vector<16xi32> to vector<1xi32>
    %squeeze3A_771 = vector.extract %slice3A_770[0] : i32 from vector<1xi32>
    %multiple_of3A_772 = tpu.assume_multiple %squeeze3A_771, 128 : i32
    %dma_start3A_773 = arith.constant 1 : i32
    %dma_start3A_774 = arith.constant 4 : i32
    %dma_start3A_775 = arith.constant 0 : i32
    %dma_start3A_776 = arith.constant 0 : i32
    %dma_start3A_777 = tpu.memref_slice %arg10[%dma_start3A_773, %dma_start3A_774, %dma_start3A_775, %dma_start3A_776] : memref<2x16x16x128xf32, #tpu.memory_space<vmem>> -> memref<1x1x16x128xf32, #tpu.memory_space<vmem>>
    %dma_start3A_778 = tpu.memref_squeeze %dma_start3A_777 : memref<1x1x16x128xf32, #tpu.memory_space<vmem>> -> memref<16x128xf32, #tpu.memory_space<vmem>>
    %dma_start3A_779 = arith.constant 0 : i32
    %dma_start3A_780 = tpu.memref_slice %arg4[%dma_start3A_779, %multiple_of3A_769] : memref<16x1000000xf32, #tpu.memory_space<hbm>> -> memref<16x128xf32, #tpu.memory_space<hbm>>
    %dma_start3A_781 = arith.constant 0 : i32
    %dma_start3A_782 = arith.constant 0 : i32
    %dma_start3A_783 = tpu.memref_slice %arg10[%dma_start3A_773, %dma_start3A_774, %dma_start3A_781, %dma_start3A_782] : memref<2x16x16x128xf32, #tpu.memory_space<vmem>> -> memref<1x1x16x128xf32, #tpu.memory_space<vmem>>
    %dma_start3A_784 = tpu.memref_squeeze %dma_start3A_783 : memref<1x1x16x128xf32, #tpu.memory_space<vmem>> -> memref<16x128xf32, #tpu.memory_space<vmem>>
    %dma_start3A_785 = arith.constant 0 : i32
    %dma_start3A_786 = tpu.memref_slice %arg4[%dma_start3A_785, %multiple_of3A_769] : memref<16x1000000xf32, #tpu.memory_space<hbm>> -> memref<16x128xf32, #tpu.memory_space<hbm>>
    tpu.enqueue_dma source(%dma_start3A_786 : memref<16x128xf32, #tpu.memory_space<hbm>>) target(%dma_start3A_784 : memref<16x128xf32, #tpu.memory_space<vmem>>) target_semaphore(%arg14 : memref<!tpu.dma_semaphore, #tpu.memory_space<semaphore_mem>>)
    %dma_start3A_787 = arith.constant 1 : i32
    %dma_start3A_788 = arith.constant 12 : i32
    %dma_start3A_789 = arith.constant 0 : i32
    %dma_start3A_790 = arith.constant 0 : i32
    %dma_start3A_791 = tpu.memref_slice %arg10[%dma_start3A_787, %dma_start3A_788, %dma_start3A_789, %dma_start3A_790] : memref<2x16x16x128xf32, #tpu.memory_space<vmem>> -> memref<1x1x16x128xf32, #tpu.memory_space<vmem>>
    %dma_start3A_792 = tpu.memref_squeeze %dma_start3A_791 : memref<1x1x16x128xf32, #tpu.memory_space<vmem>> -> memref<16x128xf32, #tpu.memory_space<vmem>>
    %dma_start3A_793 = arith.constant 0 : i32
    %dma_start3A_794 = tpu.memref_slice %arg5[%dma_start3A_793, %multiple_of3A_772] : memref<16x1000000xf32, #tpu.memory_space<hbm>> -> memref<16x128xf32, #tpu.memory_space<hbm>>
    %dma_start3A_795 = arith.constant 0 : i32
    %dma_start3A_796 = arith.constant 0 : i32
    %dma_start3A_797 = tpu.memref_slice %arg10[%dma_start3A_787, %dma_start3A_788, %dma_start3A_795, %dma_start3A_796] : memref<2x16x16x128xf32, #tpu.memory_space<vmem>> -> memref<1x1x16x128xf32, #tpu.memory_space<vmem>>
    %dma_start3A_798 = tpu.memref_squeeze %dma_start3A_797 : memref<1x1x16x128xf32, #tpu.memory_space<vmem>> -> memref<16x128xf32, #tpu.memory_space<vmem>>
    %dma_start3A_799 = arith.constant 0 : i32
    %dma_start3A_800 = tpu.memref_slice %arg5[%dma_start3A_799, %multiple_of3A_772] : memref<16x1000000xf32, #tpu.memory_space<hbm>> -> memref<16x128xf32, #tpu.memory_space<hbm>>
    tpu.enqueue_dma source(%dma_start3A_800 : memref<16x128xf32, #tpu.memory_space<hbm>>) target(%dma_start3A_798 : memref<16x128xf32, #tpu.memory_space<vmem>>) target_semaphore(%arg14 : memref<!tpu.dma_semaphore, #tpu.memory_space<semaphore_mem>>)
    %slice3A_801 = vector.extract_strided_slice %mul3A_622 {offsets = [5], sizes = [1], strides = [1]} : vector<16xi32> to vector<1xi32>
    %squeeze3A_802 = vector.extract %slice3A_801[0] : i32 from vector<1xi32>
    %multiple_of3A_803 = tpu.assume_multiple %squeeze3A_802, 128 : i32
    %slice3A_804 = vector.extract_strided_slice %mul3A_630 {offsets = [5], sizes = [1], strides = [1]} : vector<16xi32> to vector<1xi32>
    %squeeze3A_805 = vector.extract %slice3A_804[0] : i32 from vector<1xi32>
    %multiple_of3A_806 = tpu.assume_multiple %squeeze3A_805, 128 : i32
    %dma_start3A_807 = arith.constant 1 : i32
    %dma_start3A_808 = arith.constant 5 : i32
    %dma_start3A_809 = arith.constant 0 : i32
    %dma_start3A_810 = arith.constant 0 : i32
    %dma_start3A_811 = tpu.memref_slice %arg10[%dma_start3A_807, %dma_start3A_808, %dma_start3A_809, %dma_start3A_810] : memref<2x16x16x128xf32, #tpu.memory_space<vmem>> -> memref<1x1x16x128xf32, #tpu.memory_space<vmem>>
    %dma_start3A_812 = tpu.memref_squeeze %dma_start3A_811 : memref<1x1x16x128xf32, #tpu.memory_space<vmem>> -> memref<16x128xf32, #tpu.memory_space<vmem>>
    %dma_start3A_813 = arith.constant 0 : i32
    %dma_start3A_814 = tpu.memref_slice %arg4[%dma_start3A_813, %multiple_of3A_803] : memref<16x1000000xf32, #tpu.memory_space<hbm>> -> memref<16x128xf32, #tpu.memory_space<hbm>>
    %dma_start3A_815 = arith.constant 0 : i32
    %dma_start3A_816 = arith.constant 0 : i32
    %dma_start3A_817 = tpu.memref_slice %arg10[%dma_start3A_807, %dma_start3A_808, %dma_start3A_815, %dma_start3A_816] : memref<2x16x16x128xf32, #tpu.memory_space<vmem>> -> memref<1x1x16x128xf32, #tpu.memory_space<vmem>>
    %dma_start3A_818 = tpu.memref_squeeze %dma_start3A_817 : memref<1x1x16x128xf32, #tpu.memory_space<vmem>> -> memref<16x128xf32, #tpu.memory_space<vmem>>
    %dma_start3A_819 = arith.constant 0 : i32
    %dma_start3A_820 = tpu.memref_slice %arg4[%dma_start3A_819, %multiple_of3A_803] : memref<16x1000000xf32, #tpu.memory_space<hbm>> -> memref<16x128xf32, #tpu.memory_space<hbm>>
    tpu.enqueue_dma source(%dma_start3A_820 : memref<16x128xf32, #tpu.memory_space<hbm>>) target(%dma_start3A_818 : memref<16x128xf32, #tpu.memory_space<vmem>>) target_semaphore(%arg14 : memref<!tpu.dma_semaphore, #tpu.memory_space<semaphore_mem>>)
    %dma_start3A_821 = arith.constant 1 : i32
    %dma_start3A_822 = arith.constant 13 : i32
    %dma_start3A_823 = arith.constant 0 : i32
    %dma_start3A_824 = arith.constant 0 : i32
    %dma_start3A_825 = tpu.memref_slice %arg10[%dma_start3A_821, %dma_start3A_822, %dma_start3A_823, %dma_start3A_824] : memref<2x16x16x128xf32, #tpu.memory_space<vmem>> -> memref<1x1x16x128xf32, #tpu.memory_space<vmem>>
    %dma_start3A_826 = tpu.memref_squeeze %dma_start3A_825 : memref<1x1x16x128xf32, #tpu.memory_space<vmem>> -> memref<16x128xf32, #tpu.memory_space<vmem>>
    %dma_start3A_827 = arith.constant 0 : i32
    %dma_start3A_828 = tpu.memref_slice %arg5[%dma_start3A_827, %multiple_of3A_806] : memref<16x1000000xf32, #tpu.memory_space<hbm>> -> memref<16x128xf32, #tpu.memory_space<hbm>>
    %dma_start3A_829 = arith.constant 0 : i32
    %dma_start3A_830 = arith.constant 0 : i32
    %dma_start3A_831 = tpu.memref_slice %arg10[%dma_start3A_821, %dma_start3A_822, %dma_start3A_829, %dma_start3A_830] : memref<2x16x16x128xf32, #tpu.memory_space<vmem>> -> memref<1x1x16x128xf32, #tpu.memory_space<vmem>>
    %dma_start3A_832 = tpu.memref_squeeze %dma_start3A_831 : memref<1x1x16x128xf32, #tpu.memory_space<vmem>> -> memref<16x128xf32, #tpu.memory_space<vmem>>
    %dma_start3A_833 = arith.constant 0 : i32
    %dma_start3A_834 = tpu.memref_slice %arg5[%dma_start3A_833, %multiple_of3A_806] : memref<16x1000000xf32, #tpu.memory_space<hbm>> -> memref<16x128xf32, #tpu.memory_space<hbm>>
    tpu.enqueue_dma source(%dma_start3A_834 : memref<16x128xf32, #tpu.memory_space<hbm>>) target(%dma_start3A_832 : memref<16x128xf32, #tpu.memory_space<vmem>>) target_semaphore(%arg14 : memref<!tpu.dma_semaphore, #tpu.memory_space<semaphore_mem>>)
    %slice3A_835 = vector.extract_strided_slice %mul3A_622 {offsets = [6], sizes = [1], strides = [1]} : vector<16xi32> to vector<1xi32>
    %squeeze3A_836 = vector.extract %slice3A_835[0] : i32 from vector<1xi32>
    %multiple_of3A_837 = tpu.assume_multiple %squeeze3A_836, 128 : i32
    %slice3A_838 = vector.extract_strided_slice %mul3A_630 {offsets = [6], sizes = [1], strides = [1]} : vector<16xi32> to vector<1xi32>
    %squeeze3A_839 = vector.extract %slice3A_838[0] : i32 from vector<1xi32>
    %multiple_of3A_840 = tpu.assume_multiple %squeeze3A_839, 128 : i32
    %dma_start3A_841 = arith.constant 1 : i32
    %dma_start3A_842 = arith.constant 6 : i32
    %dma_start3A_843 = arith.constant 0 : i32
    %dma_start3A_844 = arith.constant 0 : i32
    %dma_start3A_845 = tpu.memref_slice %arg10[%dma_start3A_841, %dma_start3A_842, %dma_start3A_843, %dma_start3A_844] : memref<2x16x16x128xf32, #tpu.memory_space<vmem>> -> memref<1x1x16x128xf32, #tpu.memory_space<vmem>>
    %dma_start3A_846 = tpu.memref_squeeze %dma_start3A_845 : memref<1x1x16x128xf32, #tpu.memory_space<vmem>> -> memref<16x128xf32, #tpu.memory_space<vmem>>
    %dma_start3A_847 = arith.constant 0 : i32
    %dma_start3A_848 = tpu.memref_slice %arg4[%dma_start3A_847, %multiple_of3A_837] : memref<16x1000000xf32, #tpu.memory_space<hbm>> -> memref<16x128xf32, #tpu.memory_space<hbm>>
    %dma_start3A_849 = arith.constant 0 : i32
    %dma_start3A_850 = arith.constant 0 : i32
    %dma_start3A_851 = tpu.memref_slice %arg10[%dma_start3A_841, %dma_start3A_842, %dma_start3A_849, %dma_start3A_850] : memref<2x16x16x128xf32, #tpu.memory_space<vmem>> -> memref<1x1x16x128xf32, #tpu.memory_space<vmem>>
    %dma_start3A_852 = tpu.memref_squeeze %dma_start3A_851 : memref<1x1x16x128xf32, #tpu.memory_space<vmem>> -> memref<16x128xf32, #tpu.memory_space<vmem>>
    %dma_start3A_853 = arith.constant 0 : i32
    %dma_start3A_854 = tpu.memref_slice %arg4[%dma_start3A_853, %multiple_of3A_837] : memref<16x1000000xf32, #tpu.memory_space<hbm>> -> memref<16x128xf32, #tpu.memory_space<hbm>>
    tpu.enqueue_dma source(%dma_start3A_854 : memref<16x128xf32, #tpu.memory_space<hbm>>) target(%dma_start3A_852 : memref<16x128xf32, #tpu.memory_space<vmem>>) target_semaphore(%arg14 : memref<!tpu.dma_semaphore, #tpu.memory_space<semaphore_mem>>)
    %dma_start3A_855 = arith.constant 1 : i32
    %dma_start3A_856 = arith.constant 14 : i32
    %dma_start3A_857 = arith.constant 0 : i32
    %dma_start3A_858 = arith.constant 0 : i32
    %dma_start3A_859 = tpu.memref_slice %arg10[%dma_start3A_855, %dma_start3A_856, %dma_start3A_857, %dma_start3A_858] : memref<2x16x16x128xf32, #tpu.memory_space<vmem>> -> memref<1x1x16x128xf32, #tpu.memory_space<vmem>>
    %dma_start3A_860 = tpu.memref_squeeze %dma_start3A_859 : memref<1x1x16x128xf32, #tpu.memory_space<vmem>> -> memref<16x128xf32, #tpu.memory_space<vmem>>
    %dma_start3A_861 = arith.constant 0 : i32
    %dma_start3A_862 = tpu.memref_slice %arg5[%dma_start3A_861, %multiple_of3A_840] : memref<16x1000000xf32, #tpu.memory_space<hbm>> -> memref<16x128xf32, #tpu.memory_space<hbm>>
    %dma_start3A_863 = arith.constant 0 : i32
    %dma_start3A_864 = arith.constant 0 : i32
    %dma_start3A_865 = tpu.memref_slice %arg10[%dma_start3A_855, %dma_start3A_856, %dma_start3A_863, %dma_start3A_864] : memref<2x16x16x128xf32, #tpu.memory_space<vmem>> -> memref<1x1x16x128xf32, #tpu.memory_space<vmem>>
    %dma_start3A_866 = tpu.memref_squeeze %dma_start3A_865 : memref<1x1x16x128xf32, #tpu.memory_space<vmem>> -> memref<16x128xf32, #tpu.memory_space<vmem>>
    %dma_start3A_867 = arith.constant 0 : i32
    %dma_start3A_868 = tpu.memref_slice %arg5[%dma_start3A_867, %multiple_of3A_840] : memref<16x1000000xf32, #tpu.memory_space<hbm>> -> memref<16x128xf32, #tpu.memory_space<hbm>>
    tpu.enqueue_dma source(%dma_start3A_868 : memref<16x128xf32, #tpu.memory_space<hbm>>) target(%dma_start3A_866 : memref<16x128xf32, #tpu.memory_space<vmem>>) target_semaphore(%arg14 : memref<!tpu.dma_semaphore, #tpu.memory_space<semaphore_mem>>)
    %slice3A_869 = vector.extract_strided_slice %mul3A_622 {offsets = [7], sizes = [1], strides = [1]} : vector<16xi32> to vector<1xi32>
    %squeeze3A_870 = vector.extract %slice3A_869[0] : i32 from vector<1xi32>
    %multiple_of3A_871 = tpu.assume_multiple %squeeze3A_870, 128 : i32
    %slice3A_872 = vector.extract_strided_slice %mul3A_630 {offsets = [7], sizes = [1], strides = [1]} : vector<16xi32> to vector<1xi32>
    %squeeze3A_873 = vector.extract %slice3A_872[0] : i32 from vector<1xi32>
    %multiple_of3A_874 = tpu.assume_multiple %squeeze3A_873, 128 : i32
    %dma_start3A_875 = arith.constant 1 : i32
    %dma_start3A_876 = arith.constant 7 : i32
    %dma_start3A_877 = arith.constant 0 : i32
    %dma_start3A_878 = arith.constant 0 : i32
    %dma_start3A_879 = tpu.memref_slice %arg10[%dma_start3A_875, %dma_start3A_876, %dma_start3A_877, %dma_start3A_878] : memref<2x16x16x128xf32, #tpu.memory_space<vmem>> -> memref<1x1x16x128xf32, #tpu.memory_space<vmem>>
    %dma_start3A_880 = tpu.memref_squeeze %dma_start3A_879 : memref<1x1x16x128xf32, #tpu.memory_space<vmem>> -> memref<16x128xf32, #tpu.memory_space<vmem>>
    %dma_start3A_881 = arith.constant 0 : i32
    %dma_start3A_882 = tpu.memref_slice %arg4[%dma_start3A_881, %multiple_of3A_871] : memref<16x1000000xf32, #tpu.memory_space<hbm>> -> memref<16x128xf32, #tpu.memory_space<hbm>>
    %dma_start3A_883 = arith.constant 0 : i32
    %dma_start3A_884 = arith.constant 0 : i32
    %dma_start3A_885 = tpu.memref_slice %arg10[%dma_start3A_875, %dma_start3A_876, %dma_start3A_883, %dma_start3A_884] : memref<2x16x16x128xf32, #tpu.memory_space<vmem>> -> memref<1x1x16x128xf32, #tpu.memory_space<vmem>>
    %dma_start3A_886 = tpu.memref_squeeze %dma_start3A_885 : memref<1x1x16x128xf32, #tpu.memory_space<vmem>> -> memref<16x128xf32, #tpu.memory_space<vmem>>
    %dma_start3A_887 = arith.constant 0 : i32
    %dma_start3A_888 = tpu.memref_slice %arg4[%dma_start3A_887, %multiple_of3A_871] : memref<16x1000000xf32, #tpu.memory_space<hbm>> -> memref<16x128xf32, #tpu.memory_space<hbm>>
    tpu.enqueue_dma source(%dma_start3A_888 : memref<16x128xf32, #tpu.memory_space<hbm>>) target(%dma_start3A_886 : memref<16x128xf32, #tpu.memory_space<vmem>>) target_semaphore(%arg14 : memref<!tpu.dma_semaphore, #tpu.memory_space<semaphore_mem>>)
    %dma_start3A_889 = arith.constant 1 : i32
    %dma_start3A_890 = arith.constant 15 : i32
    %dma_start3A_891 = arith.constant 0 : i32
    %dma_start3A_892 = arith.constant 0 : i32
    %dma_start3A_893 = tpu.memref_slice %arg10[%dma_start3A_889, %dma_start3A_890, %dma_start3A_891, %dma_start3A_892] : memref<2x16x16x128xf32, #tpu.memory_space<vmem>> -> memref<1x1x16x128xf32, #tpu.memory_space<vmem>>
    %dma_start3A_894 = tpu.memref_squeeze %dma_start3A_893 : memref<1x1x16x128xf32, #tpu.memory_space<vmem>> -> memref<16x128xf32, #tpu.memory_space<vmem>>
    %dma_start3A_895 = arith.constant 0 : i32
    %dma_start3A_896 = tpu.memref_slice %arg5[%dma_start3A_895, %multiple_of3A_874] : memref<16x1000000xf32, #tpu.memory_space<hbm>> -> memref<16x128xf32, #tpu.memory_space<hbm>>
    %dma_start3A_897 = arith.constant 0 : i32
    %dma_start3A_898 = arith.constant 0 : i32
    %dma_start3A_899 = tpu.memref_slice %arg10[%dma_start3A_889, %dma_start3A_890, %dma_start3A_897, %dma_start3A_898] : memref<2x16x16x128xf32, #tpu.memory_space<vmem>> -> memref<1x1x16x128xf32, #tpu.memory_space<vmem>>
    %dma_start3A_900 = tpu.memref_squeeze %dma_start3A_899 : memref<1x1x16x128xf32, #tpu.memory_space<vmem>> -> memref<16x128xf32, #tpu.memory_space<vmem>>
    %dma_start3A_901 = arith.constant 0 : i32
    %dma_start3A_902 = tpu.memref_slice %arg5[%dma_start3A_901, %multiple_of3A_874] : memref<16x1000000xf32, #tpu.memory_space<hbm>> -> memref<16x128xf32, #tpu.memory_space<hbm>>
    tpu.enqueue_dma source(%dma_start3A_902 : memref<16x128xf32, #tpu.memory_space<hbm>>) target(%dma_start3A_900 : memref<16x128xf32, #tpu.memory_space<vmem>>) target_semaphore(%arg14 : memref<!tpu.dma_semaphore, #tpu.memory_space<semaphore_mem>>)
    %dma_wait3A = arith.constant 0 : i32
    %dma_wait3A_903 = arith.constant 0 : i32
    %dma_wait3A_904 = arith.constant 0 : i32
    %dma_wait3A_905 = arith.constant 0 : i32
    %dma_wait3A_906 = tpu.memref_slice %arg10[%dma_wait3A, %dma_wait3A_903, %dma_wait3A_904, %dma_wait3A_905] : memref<2x16x16x128xf32, #tpu.memory_space<vmem>> -> memref<1x16x16x128xf32, #tpu.memory_space<vmem>>
    %dma_wait3A_907 = tpu.memref_squeeze %dma_wait3A_906 : memref<1x16x16x128xf32, #tpu.memory_space<vmem>> -> memref<16x16x128xf32, #tpu.memory_space<vmem>>
    %dma_wait3A_908 = tpu.memref_reshape %dma_wait3A_907 : memref<16x16x128xf32, #tpu.memory_space<vmem>> -> memref<16x2048xf32, #tpu.memory_space<vmem>>
    %dma_wait3A_909 = arith.constant 0 : i32
    %dma_wait3A_910 = arith.constant 0 : i32
    %dma_wait3A_911 = tpu.memref_slice %arg4[%dma_wait3A_909, %dma_wait3A_910] : memref<16x1000000xf32, #tpu.memory_space<hbm>> -> memref<16x2048xf32, #tpu.memory_space<hbm>>
    %dma_wait3A_912 = arith.constant 0 : i32
    %dma_wait3A_913 = arith.constant 0 : i32
    %dma_wait3A_914 = arith.constant 0 : i32
    %dma_wait3A_915 = tpu.memref_slice %arg10[%dma_wait3A, %dma_wait3A_912, %dma_wait3A_913, %dma_wait3A_914] : memref<2x16x16x128xf32, #tpu.memory_space<vmem>> -> memref<1x16x16x128xf32, #tpu.memory_space<vmem>>
    %dma_wait3A_916 = tpu.memref_squeeze %dma_wait3A_915 : memref<1x16x16x128xf32, #tpu.memory_space<vmem>> -> memref<16x16x128xf32, #tpu.memory_space<vmem>>
    %dma_wait3A_917 = tpu.memref_reshape %dma_wait3A_916 : memref<16x16x128xf32, #tpu.memory_space<vmem>> -> memref<16x2048xf32, #tpu.memory_space<vmem>>
    %dma_wait3A_918 = arith.constant 0 : i32
    %dma_wait3A_919 = arith.constant 0 : i32
    %dma_wait3A_920 = tpu.memref_slice %arg4[%dma_wait3A_918, %dma_wait3A_919] : memref<16x1000000xf32, #tpu.memory_space<hbm>> -> memref<16x2048xf32, #tpu.memory_space<hbm>>
    tpu.wait_dma2 semaphore(%arg13 : memref<!tpu.dma_semaphore, #tpu.memory_space<semaphore_mem>>) src(%dma_wait3A_920 : memref<16x2048xf32, #tpu.memory_space<hbm>>) dst(%dma_wait3A_917 : memref<16x2048xf32, #tpu.memory_space<vmem>>)
    %add3A_921 = arith.constant 0 : i32
    %add3A_922 = vector.broadcast %add3A_921 : i32 to vector<16xi32>
    %add3A_923 = arith.addi %mul3A_311, %add3A_922 : vector<16xi32>
    %add3A_924 = arith.constant 496 : i32
    %add3A_925 = vector.broadcast %add3A_924 : i32 to vector<16xi32>
    %add3A_926 = arith.addi %add3A_925, %select_n3A_15 : vector<16xi32>
    %gather3A_927 = tpu.vector_load_idx %arg8[%add3A_926] : memref<520xi32, #tpu.memory_space<vmem>>[vector<16xi32>], vector<16xi32>,
    %and3A_928 = arith.constant 127 : i32
    %and3A_929 = vector.broadcast %and3A_928 : i32 to vector<16xi32>
    %and3A_930 = arith.andi %gather3A_927, %and3A_929 : vector<16xi32>
    %gather3A_931 = tpu.vector_load_idx %arg9[%add3A_926] : memref<520xi32, #tpu.memory_space<vmem>>[vector<16xi32>], vector<16xi32>,
    %and3A_932 = arith.constant 127 : i32
    %and3A_933 = vector.broadcast %and3A_932 : i32 to vector<16xi32>
    %and3A_934 = arith.andi %gather3A_931, %and3A_933 : vector<16xi32>
    %broadcast_in_dim3A = arith.constant 0.000000e+00 : f32
    %broadcast_in_dim3A_935 = vector.broadcast %broadcast_in_dim3A : f32 to vector<16xf32>
    %gather3A_936 = tpu.vector_load_idx %arg10[%add3A_923, %select_n3A_15, %add3A_49, %and3A_930] : memref<2x16x16x128xf32, #tpu.memory_space<vmem>>[vector<16xi32>, vector<16xi32>, vector<16xi32>, vector<16xi32>], vector<16xf32>,
    %add3A_937 = arith.constant 8 : i32
    %add3A_938 = vector.broadcast %add3A_937 : i32 to vector<16xi32>
    %add3A_939 = arith.addi %select_n3A_15, %add3A_938 : vector<16xi32>
    %gather3A_940 = tpu.vector_load_idx %arg10[%add3A_923, %add3A_939, %add3A_49, %and3A_934] : memref<2x16x16x128xf32, #tpu.memory_space<vmem>>[vector<16xi32>, vector<16xi32>, vector<16xi32>, vector<16xi32>], vector<16xf32>,
    %mul3A_941 = arith.mulf %gather3A_936, %gather3A_940 : vector<16xf32>
    %mul3A_942 = arith.mulf %mul3A_941, %gather3A : vector<16xf32>
    %add3A_943 = arith.addf %broadcast_in_dim3A_935, %mul3A_942 : vector<16xf32>
    %gather3A_944 = tpu.vector_load_idx %arg10[%add3A_923, %select_n3A_15, %add3A_86, %and3A_930] : memref<2x16x16x128xf32, #tpu.memory_space<vmem>>[vector<16xi32>, vector<16xi32>, vector<16xi32>, vector<16xi32>], vector<16xf32>,
    %add3A_945 = arith.constant 8 : i32
    %add3A_946 = vector.broadcast %add3A_945 : i32 to vector<16xi32>
    %add3A_947 = arith.addi %select_n3A_15, %add3A_946 : vector<16xi32>
    %gather3A_948 = tpu.vector_load_idx %arg10[%add3A_923, %add3A_947, %add3A_86, %and3A_934] : memref<2x16x16x128xf32, #tpu.memory_space<vmem>>[vector<16xi32>, vector<16xi32>, vector<16xi32>, vector<16xi32>], vector<16xf32>,
    %mul3A_949 = arith.mulf %gather3A_944, %gather3A_948 : vector<16xf32>
    %mul3A_950 = arith.mulf %mul3A_949, %gather3A_317 : vector<16xf32>
    %add3A_951 = arith.addf %add3A_943, %mul3A_950 : vector<16xf32>
    %gather3A_952 = tpu.vector_load_idx %arg10[%add3A_923, %select_n3A_15, %add3A_123, %and3A_930] : memref<2x16x16x128xf32, #tpu.memory_space<vmem>>[vector<16xi32>, vector<16xi32>, vector<16xi32>, vector<16xi32>], vector<16xf32>,
    %add3A_953 = arith.constant 8 : i32
    %add3A_954 = vector.broadcast %add3A_953 : i32 to vector<16xi32>
    %add3A_955 = arith.addi %select_n3A_15, %add3A_954 : vector<16xi32>
    %gather3A_956 = tpu.vector_load_idx %arg10[%add3A_923, %add3A_955, %add3A_123, %and3A_934] : memref<2x16x16x128xf32, #tpu.memory_space<vmem>>[vector<16xi32>, vector<16xi32>, vector<16xi32>, vector<16xi32>], vector<16xf32>,
    %mul3A_957 = arith.mulf %gather3A_952, %gather3A_956 : vector<16xf32>
    %mul3A_958 = arith.mulf %mul3A_957, %gather3A_318 : vector<16xf32>
    %add3A_959 = arith.addf %add3A_951, %mul3A_958 : vector<16xf32>
    %gather3A_960 = tpu.vector_load_idx %arg10[%add3A_923, %select_n3A_15, %add3A_160, %and3A_930] : memref<2x16x16x128xf32, #tpu.memory_space<vmem>>[vector<16xi32>, vector<16xi32>, vector<16xi32>, vector<16xi32>], vector<16xf32>,
    %add3A_961 = arith.constant 8 : i32
    %add3A_962 = vector.broadcast %add3A_961 : i32 to vector<16xi32>
    %add3A_963 = arith.addi %select_n3A_15, %add3A_962 : vector<16xi32>
    %gather3A_964 = tpu.vector_load_idx %arg10[%add3A_923, %add3A_963, %add3A_160, %and3A_934] : memref<2x16x16x128xf32, #tpu.memory_space<vmem>>[vector<16xi32>, vector<16xi32>, vector<16xi32>, vector<16xi32>], vector<16xf32>,
    %mul3A_965 = arith.mulf %gather3A_960, %gather3A_964 : vector<16xf32>
    %mul3A_966 = arith.mulf %mul3A_965, %gather3A_319 : vector<16xf32>
    %add3A_967 = arith.addf %add3A_959, %mul3A_966 : vector<16xf32>
    %gather3A_968 = tpu.vector_load_idx %arg10[%add3A_923, %select_n3A_15, %add3A_197, %and3A_930] : memref<2x16x16x128xf32, #tpu.memory_space<vmem>>[vector<16xi32>, vector<16xi32>, vector<16xi32>, vector<16xi32>], vector<16xf32>,
    %add3A_969 = arith.constant 8 : i32
    %add3A_970 = vector.broadcast %add3A_969 : i32 to vector<16xi32>
    %add3A_971 = arith.addi %select_n3A_15, %add3A_970 : vector<16xi32>
    %gather3A_972 = tpu.vector_load_idx %arg10[%add3A_923, %add3A_971, %add3A_197, %and3A_934] : memref<2x16x16x128xf32, #tpu.memory_space<vmem>>[vector<16xi32>, vector<16xi32>, vector<16xi32>, vector<16xi32>], vector<16xf32>,
    %mul3A_973 = arith.mulf %gather3A_968, %gather3A_972 : vector<16xf32>
    %mul3A_974 = arith.mulf %mul3A_973, %gather3A_320 : vector<16xf32>
    %add3A_975 = arith.addf %add3A_967, %mul3A_974 : vector<16xf32>
    %gather3A_976 = tpu.vector_load_idx %arg10[%add3A_923, %select_n3A_15, %add3A_234, %and3A_930] : memref<2x16x16x128xf32, #tpu.memory_space<vmem>>[vector<16xi32>, vector<16xi32>, vector<16xi32>, vector<16xi32>], vector<16xf32>,
    %add3A_977 = arith.constant 8 : i32
    %add3A_978 = vector.broadcast %add3A_977 : i32 to vector<16xi32>
    %add3A_979 = arith.addi %select_n3A_15, %add3A_978 : vector<16xi32>
    %gather3A_980 = tpu.vector_load_idx %arg10[%add3A_923, %add3A_979, %add3A_234, %and3A_934] : memref<2x16x16x128xf32, #tpu.memory_space<vmem>>[vector<16xi32>, vector<16xi32>, vector<16xi32>, vector<16xi32>], vector<16xf32>,
    %mul3A_981 = arith.mulf %gather3A_976, %gather3A_980 : vector<16xf32>
    %mul3A_982 = arith.mulf %mul3A_981, %gather3A_321 : vector<16xf32>
    %add3A_983 = arith.addf %add3A_975, %mul3A_982 : vector<16xf32>
    %gather3A_984 = tpu.vector_load_idx %arg10[%add3A_923, %select_n3A_15, %add3A_271, %and3A_930] : memref<2x16x16x128xf32, #tpu.memory_space<vmem>>[vector<16xi32>, vector<16xi32>, vector<16xi32>, vector<16xi32>], vector<16xf32>,
    %add3A_985 = arith.constant 8 : i32
    %add3A_986 = vector.broadcast %add3A_985 : i32 to vector<16xi32>
    %add3A_987 = arith.addi %select_n3A_15, %add3A_986 : vector<16xi32>
    %gather3A_988 = tpu.vector_load_idx %arg10[%add3A_923, %add3A_987, %add3A_271, %and3A_934] : memref<2x16x16x128xf32, #tpu.memory_space<vmem>>[vector<16xi32>, vector<16xi32>, vector<16xi32>, vector<16xi32>], vector<16xf32>,
    %mul3A_989 = arith.mulf %gather3A_984, %gather3A_988 : vector<16xf32>
    %mul3A_990 = arith.mulf %mul3A_989, %gather3A_322 : vector<16xf32>
    %add3A_991 = arith.addf %add3A_983, %mul3A_990 : vector<16xf32>
    %gather3A_992 = tpu.vector_load_idx %arg10[%add3A_923, %select_n3A_15, %add3A_308, %and3A_930] : memref<2x16x16x128xf32, #tpu.memory_space<vmem>>[vector<16xi32>, vector<16xi32>, vector<16xi32>, vector<16xi32>], vector<16xf32>,
    %add3A_993 = arith.constant 8 : i32
    %add3A_994 = vector.broadcast %add3A_993 : i32 to vector<16xi32>
    %add3A_995 = arith.addi %select_n3A_15, %add3A_994 : vector<16xi32>
    %gather3A_996 = tpu.vector_load_idx %arg10[%add3A_923, %add3A_995, %add3A_308, %and3A_934] : memref<2x16x16x128xf32, #tpu.memory_space<vmem>>[vector<16xi32>, vector<16xi32>, vector<16xi32>, vector<16xi32>], vector<16xf32>,
    %mul3A_997 = arith.mulf %gather3A_992, %gather3A_996 : vector<16xf32>
    %mul3A_998 = arith.mulf %mul3A_997, %gather3A_323 : vector<16xf32>
    %add3A_999 = arith.addf %add3A_991, %mul3A_998 : vector<16xf32>
    %add3A_1000 = arith.addf %add3A_999, %get3A_326 : vector<16xf32>
    tpu.vector_store_idx %arg12[%add3A_926], %add3A_1000 masked %lt3A_314 : memref<512xf32, #tpu.memory_space<vmem>>[vector<16xi32>], vector<16xf32>, vector<16xi1>
    tpu.vector_store_idx %arg12[%add3A_926], %add3A_999 masked %ge3A_316 {add = true} : memref<512xf32, #tpu.memory_space<vmem>>[vector<16xi32>], vector<16xf32>, vector<16xi1>
    %dma_wait3A_1001 = arith.constant 1 : i32
    %dma_wait3A_1002 = arith.constant 0 : i32
    %dma_wait3A_1003 = arith.constant 0 : i32
    %dma_wait3A_1004 = arith.constant 0 : i32
    %dma_wait3A_1005 = tpu.memref_slice %arg10[%dma_wait3A_1001, %dma_wait3A_1002, %dma_wait3A_1003, %dma_wait3A_1004] : memref<2x16x16x128xf32, #tpu.memory_space<vmem>> -> memref<1x16x16x128xf32, #tpu.memory_space<vmem>>
    %dma_wait3A_1006 = tpu.memref_squeeze %dma_wait3A_1005 : memref<1x16x16x128xf32, #tpu.memory_space<vmem>> -> memref<16x16x128xf32, #tpu.memory_space<vmem>>
    %dma_wait3A_1007 = tpu.memref_reshape %dma_wait3A_1006 : memref<16x16x128xf32, #tpu.memory_space<vmem>> -> memref<16x2048xf32, #tpu.memory_space<vmem>>
    %dma_wait3A_1008 = arith.constant 0 : i32
    %dma_wait3A_1009 = arith.constant 0 : i32
    %dma_wait3A_1010 = tpu.memref_slice %arg4[%dma_wait3A_1008, %dma_wait3A_1009] : memref<16x1000000xf32, #tpu.memory_space<hbm>> -> memref<16x2048xf32, #tpu.memory_space<hbm>>
    %dma_wait3A_1011 = arith.constant 0 : i32
    %dma_wait3A_1012 = arith.constant 0 : i32
    %dma_wait3A_1013 = arith.constant 0 : i32
    %dma_wait3A_1014 = tpu.memref_slice %arg10[%dma_wait3A_1001, %dma_wait3A_1011, %dma_wait3A_1012, %dma_wait3A_1013] : memref<2x16x16x128xf32, #tpu.memory_space<vmem>> -> memref<1x16x16x128xf32, #tpu.memory_space<vmem>>
    %dma_wait3A_1015 = tpu.memref_squeeze %dma_wait3A_1014 : memref<1x16x16x128xf32, #tpu.memory_space<vmem>> -> memref<16x16x128xf32, #tpu.memory_space<vmem>>
    %dma_wait3A_1016 = tpu.memref_reshape %dma_wait3A_1015 : memref<16x16x128xf32, #tpu.memory_space<vmem>> -> memref<16x2048xf32, #tpu.memory_space<vmem>>
    %dma_wait3A_1017 = arith.constant 0 : i32
    %dma_wait3A_1018 = arith.constant 0 : i32
    %dma_wait3A_1019 = tpu.memref_slice %arg4[%dma_wait3A_1017, %dma_wait3A_1018] : memref<16x1000000xf32, #tpu.memory_space<hbm>> -> memref<16x2048xf32, #tpu.memory_space<hbm>>
    tpu.wait_dma2 semaphore(%arg14 : memref<!tpu.dma_semaphore, #tpu.memory_space<semaphore_mem>>) src(%dma_wait3A_1019 : memref<16x2048xf32, #tpu.memory_space<hbm>>) dst(%dma_wait3A_1016 : memref<16x2048xf32, #tpu.memory_space<vmem>>)
    %add3A_1020 = arith.constant 1 : i32
    %add3A_1021 = vector.broadcast %add3A_1020 : i32 to vector<16xi32>
    %add3A_1022 = arith.addi %mul3A_311, %add3A_1021 : vector<16xi32>
    %add3A_1023 = arith.constant 504 : i32
    %add3A_1024 = vector.broadcast %add3A_1023 : i32 to vector<16xi32>
    %add3A_1025 = arith.addi %add3A_1024, %select_n3A_15 : vector<16xi32>
    %gather3A_1026 = tpu.vector_load_idx %arg8[%add3A_1025] : memref<520xi32, #tpu.memory_space<vmem>>[vector<16xi32>], vector<16xi32>,
    %and3A_1027 = arith.constant 127 : i32
    %and3A_1028 = vector.broadcast %and3A_1027 : i32 to vector<16xi32>
    %and3A_1029 = arith.andi %gather3A_1026, %and3A_1028 : vector<16xi32>
    %gather3A_1030 = tpu.vector_load_idx %arg9[%add3A_1025] : memref<520xi32, #tpu.memory_space<vmem>>[vector<16xi32>], vector<16xi32>,
    %and3A_1031 = arith.constant 127 : i32
    %and3A_1032 = vector.broadcast %and3A_1031 : i32 to vector<16xi32>
    %and3A_1033 = arith.andi %gather3A_1030, %and3A_1032 : vector<16xi32>
    %broadcast_in_dim3A_1034 = arith.constant 0.000000e+00 : f32
    %broadcast_in_dim3A_1035 = vector.broadcast %broadcast_in_dim3A_1034 : f32 to vector<16xf32>
    %gather3A_1036 = tpu.vector_load_idx %arg10[%add3A_1022, %select_n3A_15, %add3A_49, %and3A_1029] : memref<2x16x16x128xf32, #tpu.memory_space<vmem>>[vector<16xi32>, vector<16xi32>, vector<16xi32>, vector<16xi32>], vector<16xf32>,
    %add3A_1037 = arith.constant 8 : i32
    %add3A_1038 = vector.broadcast %add3A_1037 : i32 to vector<16xi32>
    %add3A_1039 = arith.addi %select_n3A_15, %add3A_1038 : vector<16xi32>
    %gather3A_1040 = tpu.vector_load_idx %arg10[%add3A_1022, %add3A_1039, %add3A_49, %and3A_1033] : memref<2x16x16x128xf32, #tpu.memory_space<vmem>>[vector<16xi32>, vector<16xi32>, vector<16xi32>, vector<16xi32>], vector<16xf32>,
    %mul3A_1041 = arith.mulf %gather3A_1036, %gather3A_1040 : vector<16xf32>
    %mul3A_1042 = arith.mulf %mul3A_1041, %gather3A : vector<16xf32>
    %add3A_1043 = arith.addf %broadcast_in_dim3A_1035, %mul3A_1042 : vector<16xf32>
    %gather3A_1044 = tpu.vector_load_idx %arg10[%add3A_1022, %select_n3A_15, %add3A_86, %and3A_1029] : memref<2x16x16x128xf32, #tpu.memory_space<vmem>>[vector<16xi32>, vector<16xi32>, vector<16xi32>, vector<16xi32>], vector<16xf32>,
    %add3A_1045 = arith.constant 8 : i32
    %add3A_1046 = vector.broadcast %add3A_1045 : i32 to vector<16xi32>
    %add3A_1047 = arith.addi %select_n3A_15, %add3A_1046 : vector<16xi32>
    %gather3A_1048 = tpu.vector_load_idx %arg10[%add3A_1022, %add3A_1047, %add3A_86, %and3A_1033] : memref<2x16x16x128xf32, #tpu.memory_space<vmem>>[vector<16xi32>, vector<16xi32>, vector<16xi32>, vector<16xi32>], vector<16xf32>,
    %mul3A_1049 = arith.mulf %gather3A_1044, %gather3A_1048 : vector<16xf32>
    %mul3A_1050 = arith.mulf %mul3A_1049, %gather3A_317 : vector<16xf32>
    %add3A_1051 = arith.addf %add3A_1043, %mul3A_1050 : vector<16xf32>
    %gather3A_1052 = tpu.vector_load_idx %arg10[%add3A_1022, %select_n3A_15, %add3A_123, %and3A_1029] : memref<2x16x16x128xf32, #tpu.memory_space<vmem>>[vector<16xi32>, vector<16xi32>, vector<16xi32>, vector<16xi32>], vector<16xf32>,
    %add3A_1053 = arith.constant 8 : i32
    %add3A_1054 = vector.broadcast %add3A_1053 : i32 to vector<16xi32>
    %add3A_1055 = arith.addi %select_n3A_15, %add3A_1054 : vector<16xi32>
    %gather3A_1056 = tpu.vector_load_idx %arg10[%add3A_1022, %add3A_1055, %add3A_123, %and3A_1033] : memref<2x16x16x128xf32, #tpu.memory_space<vmem>>[vector<16xi32>, vector<16xi32>, vector<16xi32>, vector<16xi32>], vector<16xf32>,
    %mul3A_1057 = arith.mulf %gather3A_1052, %gather3A_1056 : vector<16xf32>
    %mul3A_1058 = arith.mulf %mul3A_1057, %gather3A_318 : vector<16xf32>
    %add3A_1059 = arith.addf %add3A_1051, %mul3A_1058 : vector<16xf32>
    %gather3A_1060 = tpu.vector_load_idx %arg10[%add3A_1022, %select_n3A_15, %add3A_160, %and3A_1029] : memref<2x16x16x128xf32, #tpu.memory_space<vmem>>[vector<16xi32>, vector<16xi32>, vector<16xi32>, vector<16xi32>], vector<16xf32>,
    %add3A_1061 = arith.constant 8 : i32
    %add3A_1062 = vector.broadcast %add3A_1061 : i32 to vector<16xi32>
    %add3A_1063 = arith.addi %select_n3A_15, %add3A_1062 : vector<16xi32>
    %gather3A_1064 = tpu.vector_load_idx %arg10[%add3A_1022, %add3A_1063, %add3A_160, %and3A_1033] : memref<2x16x16x128xf32, #tpu.memory_space<vmem>>[vector<16xi32>, vector<16xi32>, vector<16xi32>, vector<16xi32>], vector<16xf32>,
    %mul3A_1065 = arith.mulf %gather3A_1060, %gather3A_1064 : vector<16xf32>
    %mul3A_1066 = arith.mulf %mul3A_1065, %gather3A_319 : vector<16xf32>
    %add3A_1067 = arith.addf %add3A_1059, %mul3A_1066 : vector<16xf32>
    %gather3A_1068 = tpu.vector_load_idx %arg10[%add3A_1022, %select_n3A_15, %add3A_197, %and3A_1029] : memref<2x16x16x128xf32, #tpu.memory_space<vmem>>[vector<16xi32>, vector<16xi32>, vector<16xi32>, vector<16xi32>], vector<16xf32>,
    %add3A_1069 = arith.constant 8 : i32
    %add3A_1070 = vector.broadcast %add3A_1069 : i32 to vector<16xi32>
    %add3A_1071 = arith.addi %select_n3A_15, %add3A_1070 : vector<16xi32>
    %gather3A_1072 = tpu.vector_load_idx %arg10[%add3A_1022, %add3A_1071, %add3A_197, %and3A_1033] : memref<2x16x16x128xf32, #tpu.memory_space<vmem>>[vector<16xi32>, vector<16xi32>, vector<16xi32>, vector<16xi32>], vector<16xf32>,
    %mul3A_1073 = arith.mulf %gather3A_1068, %gather3A_1072 : vector<16xf32>
    %mul3A_1074 = arith.mulf %mul3A_1073, %gather3A_320 : vector<16xf32>
    %add3A_1075 = arith.addf %add3A_1067, %mul3A_1074 : vector<16xf32>
    %gather3A_1076 = tpu.vector_load_idx %arg10[%add3A_1022, %select_n3A_15, %add3A_234, %and3A_1029] : memref<2x16x16x128xf32, #tpu.memory_space<vmem>>[vector<16xi32>, vector<16xi32>, vector<16xi32>, vector<16xi32>], vector<16xf32>,
    %add3A_1077 = arith.constant 8 : i32
    %add3A_1078 = vector.broadcast %add3A_1077 : i32 to vector<16xi32>
    %add3A_1079 = arith.addi %select_n3A_15, %add3A_1078 : vector<16xi32>
    %gather3A_1080 = tpu.vector_load_idx %arg10[%add3A_1022, %add3A_1079, %add3A_234, %and3A_1033] : memref<2x16x16x128xf32, #tpu.memory_space<vmem>>[vector<16xi32>, vector<16xi32>, vector<16xi32>, vector<16xi32>], vector<16xf32>,
    %mul3A_1081 = arith.mulf %gather3A_1076, %gather3A_1080 : vector<16xf32>
    %mul3A_1082 = arith.mulf %mul3A_1081, %gather3A_321 : vector<16xf32>
    %add3A_1083 = arith.addf %add3A_1075, %mul3A_1082 : vector<16xf32>
    %gather3A_1084 = tpu.vector_load_idx %arg10[%add3A_1022, %select_n3A_15, %add3A_271, %and3A_1029] : memref<2x16x16x128xf32, #tpu.memory_space<vmem>>[vector<16xi32>, vector<16xi32>, vector<16xi32>, vector<16xi32>], vector<16xf32>,
    %add3A_1085 = arith.constant 8 : i32
    %add3A_1086 = vector.broadcast %add3A_1085 : i32 to vector<16xi32>
    %add3A_1087 = arith.addi %select_n3A_15, %add3A_1086 : vector<16xi32>
    %gather3A_1088 = tpu.vector_load_idx %arg10[%add3A_1022, %add3A_1087, %add3A_271, %and3A_1033] : memref<2x16x16x128xf32, #tpu.memory_space<vmem>>[vector<16xi32>, vector<16xi32>, vector<16xi32>, vector<16xi32>], vector<16xf32>,
    %mul3A_1089 = arith.mulf %gather3A_1084, %gather3A_1088 : vector<16xf32>
    %mul3A_1090 = arith.mulf %mul3A_1089, %gather3A_322 : vector<16xf32>
    %add3A_1091 = arith.addf %add3A_1083, %mul3A_1090 : vector<16xf32>
    %gather3A_1092 = tpu.vector_load_idx %arg10[%add3A_1022, %select_n3A_15, %add3A_308, %and3A_1029] : memref<2x16x16x128xf32, #tpu.memory_space<vmem>>[vector<16xi32>, vector<16xi32>, vector<16xi32>, vector<16xi32>], vector<16xf32>,
    %add3A_1093 = arith.constant 8 : i32
    %add3A_1094 = vector.broadcast %add3A_1093 : i32 to vector<16xi32>
    %add3A_1095 = arith.addi %select_n3A_15, %add3A_1094 : vector<16xi32>
    %gather3A_1096 = tpu.vector_load_idx %arg10[%add3A_1022, %add3A_1095, %add3A_308, %and3A_1033] : memref<2x16x16x128xf32, #tpu.memory_space<vmem>>[vector<16xi32>, vector<16xi32>, vector<16xi32>, vector<16xi32>], vector<16xf32>,
    %mul3A_1097 = arith.mulf %gather3A_1092, %gather3A_1096 : vector<16xf32>
    %mul3A_1098 = arith.mulf %mul3A_1097, %gather3A_323 : vector<16xf32>
    %add3A_1099 = arith.addf %add3A_1091, %mul3A_1098 : vector<16xf32>
    %add3A_1100 = arith.addf %add3A_1099, %get3A_326 : vector<16xf32>
    tpu.vector_store_idx %arg12[%add3A_1025], %add3A_1100 masked %lt3A_314 : memref<512xf32, #tpu.memory_space<vmem>>[vector<16xi32>], vector<16xf32>, vector<16xi1>
    tpu.vector_store_idx %arg12[%add3A_1025], %add3A_1099 masked %ge3A_316 {add = true} : memref<512xf32, #tpu.memory_space<vmem>>[vector<16xi32>], vector<16xf32>, vector<16xi1>
    %mul3A_1101 = arith.constant 512 : i32
    %mul3A_1102 = arith.muli %add3A, %mul3A_1101 : i32
    "tpu.region"() ({
      %run_scoped3A = tpu.sem_alloc : memref<!tpu.dma_semaphore, #tpu.memory_space<semaphore_mem>>
      %dma_start3A_1103 = tpu.memref_slice %arg7[%mul3A_1102] : memref<16384xf32, #tpu.memory_space<hbm>> -> memref<512xf32, #tpu.memory_space<hbm>>
      %dma_start3A_1104 = tpu.memref_slice %arg7[%mul3A_1102] : memref<16384xf32, #tpu.memory_space<hbm>> -> memref<512xf32, #tpu.memory_space<hbm>>
      tpu.enqueue_dma source(%arg12 : memref<512xf32, #tpu.memory_space<vmem>>) target(%dma_start3A_1104 : memref<512xf32, #tpu.memory_space<hbm>>) target_semaphore(%run_scoped3A : memref<!tpu.dma_semaphore, #tpu.memory_space<semaphore_mem>>)
      %dma_wait3A_1105 = tpu.memref_slice %arg7[%mul3A_1102] : memref<16384xf32, #tpu.memory_space<hbm>> -> memref<512xf32, #tpu.memory_space<hbm>>
      %dma_wait3A_1106 = tpu.memref_slice %arg7[%mul3A_1102] : memref<16384xf32, #tpu.memory_space<hbm>> -> memref<512xf32, #tpu.memory_space<hbm>>
      tpu.wait_dma2 semaphore(%run_scoped3A : memref<!tpu.dma_semaphore, #tpu.memory_space<semaphore_mem>>) src(%arg12 : memref<512xf32, #tpu.memory_space<vmem>>) dst(%dma_wait3A_1106 : memref<512xf32, #tpu.memory_space<hbm>>)
      tpu.yield
    }) : () -> ()
    return
  }
}

</mosaic_0001>

<sc_bundles>
// kernel: kernel.3.cloned.1.call-start
scs
__scs_entry_jumppad:
0x0: {  	(pc) =	sbr.rel $0x88, $3  }
0x1: {  	(tag) =	ssettag $0x0;
	lr =	simm.s32 $0x1  }
0x2: {  	[smem:$0x3F9B] =	sst lr;
	_ =	strace $0xD0000000  }
0x3: {  	_ = 	snop  }
0x4: {  	_ = 	snop  }
0x5: {  	_ = 	snop  }
0x6: {  	_ = 	snop  }
0x7: {  	_ = 	snop  }
__scs_overlays_trampoline_lowered:
0x8: {  	[smem:$0x3FAA] =	sst s0  }
0x9: {  	[smem:$0x3FAB] =	sst s1  }
0xa: {  	[smem:$0x3FAC] =	sst s2  }
0xb: {  	[smem:$0x3FAD] =	sst s3  }
0xc: {  	[smem:$0x3FAE] =	sst s4  }
0xd: {  	[smem:$0x3FAF] =	sst s5  }
0xe: {  	[smem:$0x3FB0] =	sst s6  }
0xf: {  	[smem:$0x3FB1] =	sst s7  }
0x10: {  	[smem:$0x3FB2] =	sst s8  }
0x11: {  	[smem:$0x3FB3] =	sst s9;
	s0 =	simm.s32 @!p0 $0x0  }
0x12: {  	s1 =	sld [smem:$0x3F99];
	s0 =	simm.s32 @p0 $0x1  }
0x13: {  	[smem:$0x3FB4] =	sst s0;
	s0 =	simm.s32 @!p1 $0x0  }
0x14: {  	s2 =	sld [smem:$0x3F98];
	s0 =	simm.s32 @p1 $0x1  }
0x15: {  	[smem:$0x3FB5] =	sst s0;
	s0 =	simm.s32 @!p2 $0x0  }
0x16: {  	s3 =	sld [smem:$0x3FDB];
	s0 =	simm.s32 @p2 $0x1  }
0x17: {  	s4 =	simm.s32 $0x1BF5;
	[smem:$0x3FB7] =	sst s0  }
0x18: {  	s0 =	sld [smem:$0x3F9A];
	_ =	swait.ge [sflag:s4], $0x0  }
0x19: {  	s7 =	sld [smem:$0x3F9B]  }
0x1a: {  	s8 =	sadd.s32 $0xFFFFE003, lr  }
0x1b: {  	s9 =	sadd.s32 $0xFFFFFEF7, lr;
	s5 =	simm.s32 $0xFFFFFFFF;
	p2 =	slt.u32 s8, $0xFFFFF086  }
0x1c: {  	p1 =	slt.u32 s9, $0xF7A;
	s5 =	simm.s32 @!p2 $0x0  }
0x1d: {  	s5 =	simm.s32 @p1 $0x1;
	p0 =	seq.s32 s7, s2  }
0x1e: {  	s7 =	smul.u32 @!p0 $0xF7A, s2;
	p2 =	seq.s32 @!p0 s5, $0x0  }
0x1f: {  	s9 =	smul.u32 $0xF7A, s1;
	s8 =	simm.s32 @!p0 $0x1BF5;
	p2 =	por !p2, p0  }
0x20: {  	[sflag:s8] =	ssyncset.s32 @!p0 $0xFFFFF086;
	s6 =	sadd.s32 @!p0 s3, s7;
	s7 =	simm.s32 @!p0 $0x108  }
0x21: {  	s3 =	sadd.s32 s3, s9;
	s6 =	sadd.s32 @!p0 $0x88, s6;
	s7 =	simm.s32 @p2 $0x1082  }
0x22: {  	[simem:s7], [sflag:s8] =	dma.local @!p0 [hbm:s6], $0xF7A  }
0x23: {  	s9 =	sor.u32 $0xD0000000, s2;
	s6 =	simm.s32 $0x108;
	_ =	swait.ge @!p0 [sflag:s8], $0x0  }
0x24: {  	s3 =	sadd.s32 $0x88, s3;
	s6 =	simm.s32 @!p1 $0x1082;
	[sflag:s4] =	ssyncset.s32 $0xFFFFF086  }
0x25: {  	[simem:s6], [sflag:s4] =	dma.local [hbm:s3], $0xF7A  }
0x26: {  	[smem:$0x3F9B] =	sst s1;
	(tag) =	ssettag s2;
	_ =	strace s9  }
0x27: {  	s1 =	sld [smem:$0x3FAB]  }
0x28: {  	s2 =	sld [smem:$0x3FAC]  }
0x29: {  	s4 =	sld [smem:$0x3FAE]  }
0x2a: {  	p0 =	seq.s32 s5, $0x0;
	s5 =	sld [smem:$0x3FAF]  }
0x2b: {  	s6 =	sld [smem:$0x3FB0]  }
0x2c: {  	s7 =	sld [smem:$0x3FB1]  }
0x2d: {  	s3 =	simm.s32 $0x108;
	s8 =	sld [smem:$0x3FB2]  }
0x2e: {  	s3 =	simm.s32 @!p0 $0x1082;
	s9 =	sld [smem:$0x3FB3]  }
0x2f: {  	lr =	sadd.s32 s0, s3;
	s0 =	sld [smem:$0x3FAA]  }
0x30: {  	s3 =	sld [smem:$0x3FAD]  }
0x31: {  	[smem:$0x3FB6] =	sst s10  }
0x32: {  	s10 =	sld [smem:$0x3FB4];
	_ =	sdelay $0x3  }
0x33: {  	p0 =	seq.s32 s10, $0x1;
	s10 =	sld [smem:$0x3FB6];
	_ =	sdelay $0x3  }
0x34: {  	[smem:$0x3FB6] =	sst s10  }
0x35: {  	s10 =	sld [smem:$0x3FB5];
	_ =	sdelay $0x3  }
0x36: {  	p1 =	seq.s32 s10, $0x1;
	s10 =	sld [smem:$0x3FB6];
	_ =	sdelay $0x3  }
0x37: {  	[smem:$0x3FB6] =	sst s10  }
0x38: {  	s10 =	sld [smem:$0x3FB7]  }
0x39: {  	_ = 	snop;
	(pc) =	sbr.ind lr, $3  }
0x3a: {  	_ = 	snop  }
0x3b: {  	_ = 	snop  }
0x3c: {  	p2 =	seq.s32 s10, $0x1;
	s10 =	sld [smem:$0x3FB6]  }
0x3d: {  	_ =	shalt  }
0x3e: {  	_ =	shalt  }
0x3f: {  	_ =	shalt  }
0x40: {  	_ =	shalt  }
0x41: {  	_ =	shalt  }
0x42: {  	_ =	shalt  }
0x43: {  	_ =	shalt  }
0x44: {  	_ =	shalt  }
0x45: {  	_ =	shalt  }
0x46: {  	_ =	shalt  }
0x47: {  	_ =	shalt  }
0x48: {  	_ =	shalt  }
0x49: {  	_ =	shalt  }
0x4a: {  	_ =	shalt  }
0x4b: {  	_ =	shalt  }
0x4c: {  	_ =	shalt  }
0x4d: {  	_ =	shalt  }
0x4e: {  	_ =	shalt  }
0x4f: {  	_ =	shalt  }
0x50: {  	_ =	shalt  }
0x51: {  	_ =	shalt  }
0x52: {  	_ =	shalt  }
0x53: {  	_ =	shalt  }
0x54: {  	_ =	shalt  }
0x55: {  	_ =	shalt  }
0x56: {  	_ =	shalt  }
0x57: {  	_ =	shalt  }
0x58: {  	_ =	shalt  }
0x59: {  	_ =	shalt  }
0x5a: {  	_ =	shalt  }
0x5b: {  	_ =	shalt  }
0x5c: {  	_ =	shalt  }
0x5d: {  	_ =	shalt  }
0x5e: {  	_ =	shalt  }
0x5f: {  	_ =	shalt  }
0x60: {  	_ =	shalt  }
0x61: {  	_ =	shalt  }
0x62: {  	_ =	shalt  }
0x63: {  	_ =	shalt  }
0x64: {  	_ =	shalt  }
0x65: {  	_ =	shalt  }
0x66: {  	_ =	shalt  }
0x67: {  	_ =	shalt  }
0x68: {  	_ =	shalt  }
0x69: {  	_ =	shalt  }
0x6a: {  	_ =	shalt  }
0x6b: {  	_ =	shalt  }
0x6c: {  	_ =	shalt  }
0x6d: {  	_ =	shalt  }
0x6e: {  	_ =	shalt  }
0x6f: {  	_ =	shalt  }
0x70: {  	_ =	shalt  }
0x71: {  	_ =	shalt  }
0x72: {  	_ =	shalt  }
0x73: {  	_ =	shalt  }
0x74: {  	_ =	shalt  }
0x75: {  	_ =	shalt  }
0x76: {  	_ =	shalt  }
0x77: {  	_ =	shalt  }
0x78: {  	_ =	shalt  }
0x79: {  	_ =	shalt  }
0x7a: {  	_ =	shalt  }
0x7b: {  	_ =	shalt  }
0x7c: {  	_ =	shalt  }
0x7d: {  	_ =	shalt  }
0x7e: {  	_ =	shalt  }
0x7f: {  	_ =	shalt  }
0x80: {  	_ =	shalt  }
0x81: {  	_ =	shalt  }
0x82: {  	_ =	shalt  }
0x83: {  	_ =	shalt  }
0x84: {  	_ =	shalt  }
0x85: {  	_ =	shalt  }
0x86: {  	_ =	shalt  }
0x87: {  	_ =	shalt  }
.Lfunc_end0:
.L_simem_size_0:
called_computation_lowered:
.L_overlay_start_0:
0x88: {  	s2 =	sld [smem:$0x3FD9]  }
0x89: {  	s3 =	sld [smem:$0x3FFE];
	_ =	sdelay $0x1  }
0x8a: {  	s1 =	srdreg.scid  }
0x8b: {  	s0 =	sand.u32 $0x1, s1  }
0x8c: {  	s17 =	sshll.u32 s0, $0xA;
	s2 =	sadd.s32 s3, s2  }
0x8d: {  	s2 =	sadd.s32 s2, s17  }
0x8e: {  	[smem:$0x3FC2] =	sst s2  }
0x8f: {  	_ = 	snop  }
0x90: {  	s2 =	sld [smem:$0x3FC7]  }
0x91: {  	s18 =	sld [smem:$0x3FC6]  }
0x92: {  	s4 =	sld [smem:$0x3FD0];
	(tm) =	ssettm $0x1  }
0x93: {  	s5 =	sld [smem:$0x3FFB];
	_ =	sdelay $0x3  }
0x94: {  	_ =	strace s5  }
0x95: {  	s5 =	sld [smem:$0x3FFC];
	_ =	sdelay $0x3  }
0x96: {  	_ =	strace s5  }
0x97: {  	s5 =	sld [smem:$0x3FFD];
	_ =	sdelay $0x3  }
0x98: {  	_ =	strace s5  }
0x99: {  	_ =	strace $0x8FFFFFFF  }
0x9a: {  	s19 =	sld [smem:$0x3FDB];
	_ =	sdelay $0x1  }
0x9b: {  	s6 =	simm.s32 $_scs_section_size  }
0x9c: {  	s7 =	simm.s32 $_size__tile_overlayer_lowered;
	s8 =	simm.s32 $_tile_overlayer_lowered  }
0x9d: {  	s22 =	simm.s32 $0x1BFF;
	s21 =	sshll.u32 s8, $0x1;
	s5 =	sadd.s32 s6, s19  }
0x9e: {  	s9 =	simm.s32 $0x0;
	s20 =	sshll.u32 s7, $0x1;
	s7 =	sadd.s32 s21, s5  }
0x9f: {  	[timem:s9], [sflag:s22] =	dma.local [hbm:s7], s20  }
0xa0: {  	_ =	swait.ge [sflag:s22], s20  }
0xa1: {  	s6 =	ssub.s32 $0x0, s20;
	[sflag:s22] =	ssyncset.done $0x0  }
0xa2: {  	[sflag:s22] =	ssyncadd.s32 s6;
	_ =	sdelay $0x1  }
0xa3: {  	s23 =	simm.s32 $0x1B8B  }
0xa4: {  	_ =	swait.ge [sflag:s23], $0x1  }
0xa5: {  	[sflag:s23] =	ssyncset.done $0x0  }
0xa6: {  	s25 =	simm.s32 $0x1B8E;
	s24 =	sld [smem:$0x3FFE];
	[sflag:s23] =	ssyncadd.s32 $0xFFFFFFFF  }
0xa7: {  	s26 =	simm.s32 $execute0_lowered;
	[smem:$0x3FD2] =	sst s25  }
0xa8: {  	s7 =	sshll.u32 s26, $0x1;
	_ =	strace $0x80000046;
	[dreg:$0x1] =	wrdreg $0xFFFFFFFF  }
0xa9: {  	s28 =	simm.s32 $_size_execute0_lowered;
	s5 =	sadd.s32 s5, s7;
	[dreg:$0x0] =	wrdreg $0x0  }
0xaa: {  	s7 =	sshll.u32 s28, $0x1;
	[dreg:$0x2] =	wrdreg s5  }
0xab: {  	[dreg:$0x3] =	wrdreg s7  }
0xac: {  	[dreg:$0x4] =	wrdreg $0xC0  }
0xad: {  	_ =	task [dreg:s9], $0x5FFFF  }
0xae: {  	[dreg:$0x1] =	wrdreg $0xFFFFFFFF  }
0xaf: {  	[dreg:$0x0] =	wrdreg $0x60  }
0xb0: {  	[dreg:$0x2] =	wrdreg s24  }
0xb1: {  	[dreg:$0x3] =	wrdreg s2  }
0xb2: {  	[dreg:$0x4] =	wrdreg s18  }
0xb3: {  	[dreg:$0x5] =	wrdreg s4  }
0xb4: {  	[dreg:$0x6] =	wrdreg $0x9  }
0xb5: {  	_ =	task.clear_ibuf [dreg:s9], $0x7FFFF;
	_ =	strace $0x90000046  }
0xb6: {  	s29 =	simm.s32 $0x9;
	_ =	strace $0x80000048  }
0xb7: {  	_ =	swait.ge [sflag:s29], $0x1  }
0xb8: {  	[sflag:s29] =	ssyncadd.s32 $0xFFFFFFFF  }
0xb9: {  	_ =	strace $0x90000048  }
0xba: {  	_ =	sfence  }
0xbb: {  	s30 =	sld [smem:$0x0];
	_ =	sdelay $0x2  }
0xbc: {  	s31 =	sshll.u32 s1, $0xD;
	s1 =	sshrl.u32 s1, $0x2  }
0xbd: {  	s3 =	sand.u32 $0x4000, s31;
	s1 =	sadd.s32 s1, s30  }
0xbe: {  	s0 =	sor.u32 s3, s0;
	s1 =	sshll.u32 s1, $0x11  }
0xbf: {  	s0 =	sor.u32 s1, s0  }
0xc0: {  	s0 =	sadd.s32 $0x8F2B, s0  }
0xc1: {  	[sflag:s0] =	ssyncadd.remote.s32 $0x1  }
0xc2: {  	_ =	sfence.sel $0xFFFF  }
0xc3: {  	[dreg:$0x0] =	wrdreg $0xFFFFFFFF;
	(pc) =	sbr.abs _section_cstart, $3  }
0xc4: {  	[dreg:$0x1] =	wrdreg $0xFFFFFFFF  }
0xc5: {  	_ =	task.clear_ibuf [dreg:s9], $0x2FFFF;
	_ =	strace $0x9FFFFFFF  }
0xc6: {  	(tm) =	ssettm $0x7FFFFFFF  }
0xc7: {  	_ =	shalt  }
tec
execute0_lowered:
.L_overlay_start_1:
0x0: {  	(tag) =	ssettag $0x1  }
0x1: {  	v38 =	vlaneseq.u32  }
0x2: {  	v9 =	vimm.s32 $0x3C00;
	vm15 =	vcmask $0x300;
	vm14 =	vcmask $0x704  }
0x3: {  	v10 =	vimm.s32 $0x7C00;
	vm13 =	vcmask $0xB08;
	vm12 =	vcmask $0xF0C  }
0x4: {  	vm11 =	vcmask $0x1310;
	vm10 =	vcmask $0x1714;
	vm9 =	vcmask $0x1B18  }
0x5: {  	vm8 =	vcmask $0x1F1C;
	vm7 =	vcmask $0x2320;
	vm6 =	vcmask $0x2724  }
0x6: {  	vm5 =	vcmask $0x2B28;
	vm4 =	vcmask $0x2F2C;
	vm3 =	vcmask $0x3330  }
0x7: {  	vm2 =	vcmask $0x3734;
	vm1 =	vcmask $0x3B38;
	v11 =	vimm.s32 $0x3C80  }
0x8: {  	v12 =	vimm.s32 $0x7C80;
	v13 =	vimm.s32 $0x3D00;
	v14 =	vimm.s32 $0x7D00  }
0x9: {  	v15 =	vimm.s32 $0x3D80;
	v16 =	vimm.s32 $0x7D80;
	v17 =	vimm.s32 $0x3E00  }
0xa: {  	v18 =	vimm.s32 $0x7E00;
	v19 =	vimm.s32 $0x3E80;
	v20 =	vimm.s32 $0x7E80  }
0xb: {  	v21 =	vimm.s32 $0x3F00;
	v22 =	vimm.s32 $0x7F00;
	v23 =	vimm.s32 $0x3F80  }
0xc: {  	v24 =	vimm.s32 $0x7F80;
	v25 =	vimm.s32 $0xBC00;
	vm0 =	vcmask $0x3F20  }
0xd: {  	v26 =	vimm.s32 $0xFC00;
	v27 =	vimm.s32 $0xBC80;
	v28 =	vimm.s32 $0xFC80  }
0xe: {  	v29 =	vimm.s32 $0xBD00;
	v30 =	vimm.s32 $0xFD00;
	v31 =	vimm.s32 $0xBD80  }
0xf: {  	v32 =	vimm.s32 $0xFD80;
	v33 =	vimm.s32 $0xBE00;
	v34 =	vimm.s32 $0xFE00  }
0x10: {  	v35 =	vimm.s32 $0xBE80;
	v36 =	vimm.s32 $0xFE80;
	v37 =	vimm.s32 $0xBF00  }
0x11: {  	v39 =	vimm.s32 $0xFF00;
	v40 =	vimm.s32 $0xBF80;
	v41 =	vimm.s32 $0xFF80  }
0x12: {  	v0 =	vshrl.u32 v38, $0x3;
	v8 =	vand.u32 $0x7, v38;
	v9 =	vsel vm15, $0x0, v9  }
0x13: {  	v10 =	vsel vm15, $0x4000, v10;
	v11 =	vsel vm15, $0x80, v11;
	v12 =	vsel vm15, $0x4080, v12  }
0x14: {  	v13 =	vsel vm15, $0x100, v13;
	v14 =	vsel vm15, $0x4100, v14;
	v15 =	vsel vm15, $0x180, v15  }
0x15: {  	v16 =	vsel vm15, $0x4180, v16;
	v17 =	vsel vm15, $0x200, v17;
	v18 =	vsel vm15, $0x4200, v18  }
0x16: {  	v19 =	vsel vm15, $0x280, v19;
	v20 =	vsel vm15, $0x4280, v20;
	v21 =	vsel vm15, $0x300, v21  }
0x17: {  	v22 =	vsel vm15, $0x4300, v22;
	v23 =	vsel vm15, $0x380, v23;
	v24 =	vsel vm15, $0x4380, v24  }
0x18: {  	v25 =	vsel vm15, $0x8000, v25;
	v26 =	vsel vm15, $0xC000, v26;
	v27 =	vsel vm15, $0x8080, v27  }
0x19: {  	v28 =	vsel vm15, $0xC080, v28;
	v29 =	vsel vm15, $0x8100, v29;
	v30 =	vsel vm15, $0xC100, v30  }
0x1a: {  	v31 =	vsel vm15, $0x8180, v31;
	v32 =	vsel vm15, $0xC180, v32;
	v33 =	vsel vm15, $0x8200, v33  }
0x1b: {  	v34 =	vsel vm15, $0xC200, v34;
	v35 =	vsel vm15, $0x8280, v35;
	v36 =	vsel vm15, $0xC280, v36  }
0x1c: {  	v37 =	vsel vm15, $0x8300, v37;
	v39 =	vsel vm15, $0xC300, v39;
	v40 =	vsel vm15, $0x8380, v40  }
0x1d: {  	v41 =	vsel vm15, $0xC380, v41;
	v38 =	vor.u32 $0x1F8, v38;
	v0 =	vmul.u32 $0x400, v0  }
0x1e: {  	v9 =	vsel vm14, $0x800, v9;
	v10 =	vsel vm14, $0x4800, v10;
	v11 =	vsel vm14, $0x880, v11  }
0x1f: {  	v12 =	vsel vm14, $0x4880, v12;
	v13 =	vsel vm14, $0x900, v13;
	v14 =	vsel vm14, $0x4900, v14  }
0x20: {  	v15 =	vsel vm14, $0x980, v15;
	v16 =	vsel vm14, $0x4980, v16;
	v17 =	vsel vm14, $0xA00, v17  }
0x21: {  	v18 =	vsel vm14, $0x4A00, v18;
	v19 =	vsel vm14, $0xA80, v19;
	v20 =	vsel vm14, $0x4A80, v20  }
0x22: {  	v21 =	vsel vm14, $0xB00, v21;
	v22 =	vsel vm14, $0x4B00, v22;
	v23 =	vsel vm14, $0xB80, v23  }
0x23: {  	v24 =	vsel vm14, $0x4B80, v24;
	v25 =	vsel vm14, $0x8800, v25;
	v26 =	vsel vm14, $0xC800, v26  }
0x24: {  	v27 =	vsel vm14, $0x8880, v27;
	v28 =	vsel vm14, $0xC880, v28;
	v29 =	vsel vm14, $0x8900, v29  }
0x25: {  	v30 =	vsel vm14, $0xC900, v30;
	v31 =	vsel vm14, $0x8980, v31;
	v32 =	vsel vm14, $0xC980, v32  }
0x26: {  	v33 =	vsel vm14, $0x8A00, v33;
	v34 =	vsel vm14, $0xCA00, v34;
	v35 =	vsel vm14, $0x8A80, v35  }
0x27: {  	v36 =	vsel vm14, $0xCA80, v36;
	v37 =	vsel vm14, $0x8B00, v37;
	v39 =	vsel vm14, $0xCB00, v39  }
0x28: {  	v40 =	vsel vm14, $0x8B80, v40;
	v41 =	vsel vm14, $0xCB80, v41;
	v42 =	vor.u32 $0x1F0, v8  }
0x29: {  	v9 =	vsel vm13, $0x1000, v9;
	v10 =	vsel vm13, $0x5000, v10;
	v11 =	vsel vm13, $0x1080, v11  }
0x2a: {  	v12 =	vsel vm13, $0x5080, v12;
	v13 =	vsel vm13, $0x1100, v13;
	v14 =	vsel vm13, $0x5100, v14  }
0x2b: {  	v15 =	vsel vm13, $0x1180, v15;
	v16 =	vsel vm13, $0x5180, v16;
	v17 =	vsel vm13, $0x1200, v17  }
0x2c: {  	v18 =	vsel vm13, $0x5200, v18;
	v19 =	vsel vm13, $0x1280, v19;
	v20 =	vsel vm13, $0x5280, v20  }
0x2d: {  	v21 =	vsel vm13, $0x1300, v21;
	v22 =	vsel vm13, $0x5300, v22;
	v23 =	vsel vm13, $0x1380, v23  }
0x2e: {  	v24 =	vsel vm13, $0x5380, v24;
	v25 =	vsel vm13, $0x9000, v25;
	v26 =	vsel vm13, $0xD000, v26  }
0x2f: {  	v27 =	vsel vm13, $0x9080, v27;
	v28 =	vsel vm13, $0xD080, v28;
	v29 =	vsel vm13, $0x9100, v29  }
0x30: {  	v30 =	vsel vm13, $0xD100, v30;
	v31 =	vsel vm13, $0x9180, v31;
	v32 =	vsel vm13, $0xD180, v32  }
0x31: {  	v33 =	vsel vm13, $0x9200, v33;
	v34 =	vsel vm13, $0xD200, v34;
	v35 =	vsel vm13, $0x9280, v35  }
0x32: {  	v36 =	vsel vm13, $0xD280, v36;
	v37 =	vsel vm13, $0x9300, v37;
	v39 =	vsel vm13, $0xD300, v39  }
0x33: {  	v40 =	vsel vm13, $0x9380, v40;
	v41 =	vsel vm13, $0xD380, v41;
	v1 =	vor.u32 $0x80, v0  }
0x34: {  	v4 =	vor.u32 $0x200, v0;
	v5 =	vor.u32 $0x280, v0;
	v6 =	vor.u32 $0x300, v0  }
0x35: {  	v7 =	vor.u32 $0x380, v0;
	v9 =	vsel vm12, $0x1800, v9;
	v10 =	vsel vm12, $0x5800, v10  }
0x36: {  	v11 =	vsel vm12, $0x1880, v11;
	v12 =	vsel vm12, $0x5880, v12;
	v13 =	vsel vm12, $0x1900, v13  }
0x37: {  	v14 =	vsel vm12, $0x5900, v14;
	v15 =	vsel vm12, $0x1980, v15;
	v16 =	vsel vm12, $0x5980, v16  }
0x38: {  	v17 =	vsel vm12, $0x1A00, v17;
	v18 =	vsel vm12, $0x5A00, v18;
	v19 =	vsel vm12, $0x1A80, v19  }
0x39: {  	v20 =	vsel vm12, $0x5A80, v20;
	v21 =	vsel vm12, $0x1B00, v21;
	v22 =	vsel vm12, $0x5B00, v22  }
0x3a: {  	v23 =	vsel vm12, $0x1B80, v23;
	v24 =	vsel vm12, $0x5B80, v24;
	v25 =	vsel vm12, $0x9800, v25  }
0x3b: {  	v26 =	vsel vm12, $0xD800, v26;
	v27 =	vsel vm12, $0x9880, v27;
	v28 =	vsel vm12, $0xD880, v28  }
0x3c: {  	v29 =	vsel vm12, $0x9900, v29;
	v30 =	vsel vm12, $0xD900, v30;
	v31 =	vsel vm12, $0x9980, v31  }
0x3d: {  	v32 =	vsel vm12, $0xD980, v32;
	v33 =	vsel vm12, $0x9A00, v33;
	v34 =	vsel vm12, $0xDA00, v34  }
0x3e: {  	v35 =	vsel vm12, $0x9A80, v35;
	v36 =	vsel vm12, $0xDA80, v36;
	v37 =	vsel vm12, $0x9B00, v37  }
0x3f: {  	v39 =	vsel vm12, $0xDB00, v39;
	v40 =	vsel vm12, $0x9B80, v40;
	v41 =	vsel vm12, $0xDB80, v41  }
0x40: {  	[tilespmem:$0x1FFD0] =	vst v1;
	v1 =	vor.u32 $0x100, v0;
	v9 =	vsel vm11, $0x2000, v9;
	v10 =	vsel vm11, $0x6000, v10  }
0x41: {  	v11 =	vsel vm11, $0x2080, v11;
	v12 =	vsel vm11, $0x6080, v12;
	v13 =	vsel vm11, $0x2100, v13  }
0x42: {  	v14 =	vsel vm11, $0x6100, v14;
	v15 =	vsel vm11, $0x2180, v15;
	v16 =	vsel vm11, $0x6180, v16  }
0x43: {  	v17 =	vsel vm11, $0x2200, v17;
	v18 =	vsel vm11, $0x6200, v18;
	v19 =	vsel vm11, $0x2280, v19  }
0x44: {  	v20 =	vsel vm11, $0x6280, v20;
	v21 =	vsel vm11, $0x2300, v21;
	v22 =	vsel vm11, $0x6300, v22  }
0x45: {  	v23 =	vsel vm11, $0x2380, v23;
	v24 =	vsel vm11, $0x6380, v24;
	v25 =	vsel vm11, $0xA000, v25  }
0x46: {  	v26 =	vsel vm11, $0xE000, v26;
	v27 =	vsel vm11, $0xA080, v27;
	v28 =	vsel vm11, $0xE080, v28  }
0x47: {  	v29 =	vsel vm11, $0xA100, v29;
	v30 =	vsel vm11, $0xE100, v30;
	v31 =	vsel vm11, $0xA180, v31  }
0x48: {  	v32 =	vsel vm11, $0xE180, v32;
	v33 =	vsel vm11, $0xA200, v33;
	v34 =	vsel vm11, $0xE200, v34  }
0x49: {  	v35 =	vsel vm11, $0xA280, v35;
	v36 =	vsel vm11, $0xE280, v36;
	v37 =	vsel vm11, $0xA300, v37  }
0x4a: {  	v39 =	vsel vm11, $0xE300, v39;
	v40 =	vsel vm11, $0xA380, v40;
	v41 =	vsel vm11, $0xE380, v41  }
0x4b: {  	[tilespmem:$0x1FFE0] =	vst v1;
	v1 =	vor.u32 $0x180, v0;
	v9 =	vsel vm10, $0x2800, v9;
	v10 =	vsel vm10, $0x6800, v10  }
0x4c: {  	v11 =	vsel vm10, $0x2880, v11;
	v12 =	vsel vm10, $0x6880, v12;
	v13 =	vsel vm10, $0x2900, v13  }
0x4d: {  	v14 =	vsel vm10, $0x6900, v14;
	v15 =	vsel vm10, $0x2980, v15;
	v16 =	vsel vm10, $0x6980, v16  }
0x4e: {  	v17 =	vsel vm10, $0x2A00, v17;
	v18 =	vsel vm10, $0x6A00, v18;
	v19 =	vsel vm10, $0x2A80, v19  }
0x4f: {  	v20 =	vsel vm10, $0x6A80, v20;
	v21 =	vsel vm10, $0x2B00, v21;
	v22 =	vsel vm10, $0x6B00, v22  }
0x50: {  	v23 =	vsel vm10, $0x2B80, v23;
	v24 =	vsel vm10, $0x6B80, v24;
	v25 =	vsel vm10, $0xA800, v25  }
0x51: {  	v26 =	vsel vm10, $0xE800, v26;
	v27 =	vsel vm10, $0xA880, v27;
	v28 =	vsel vm10, $0xE880, v28  }
0x52: {  	v29 =	vsel vm10, $0xA900, v29;
	v30 =	vsel vm10, $0xE900, v30;
	v31 =	vsel vm10, $0xA980, v31  }
0x53: {  	v32 =	vsel vm10, $0xE980, v32;
	v33 =	vsel vm10, $0xAA00, v33;
	v34 =	vsel vm10, $0xEA00, v34  }
0x54: {  	v35 =	vsel vm10, $0xAA80, v35;
	v36 =	vsel vm10, $0xEA80, v36;
	v37 =	vsel vm10, $0xAB00, v37  }
0x55: {  	v39 =	vsel vm10, $0xEB00, v39;
	v40 =	vsel vm10, $0xAB80, v40;
	v41 =	vsel vm10, $0xEB80, v41  }
0x56: {  	v9 =	vsel vm9, $0x3000, v9;
	v10 =	vsel vm9, $0x7000, v10;
	v11 =	vsel vm9, $0x3080, v11  }
0x57: {  	v12 =	vsel vm9, $0x7080, v12;
	v13 =	vsel vm9, $0x3100, v13;
	v14 =	vsel vm9, $0x7100, v14  }
0x58: {  	v15 =	vsel vm9, $0x3180, v15;
	v16 =	vsel vm9, $0x7180, v16;
	v17 =	vsel vm9, $0x3200, v17  }
0x59: {  	v18 =	vsel vm9, $0x7200, v18;
	v19 =	vsel vm9, $0x3280, v19;
	v20 =	vsel vm9, $0x7280, v20  }
0x5a: {  	v21 =	vsel vm9, $0x3300, v21;
	v22 =	vsel vm9, $0x7300, v22;
	v23 =	vsel vm9, $0x3380, v23  }
0x5b: {  	v24 =	vsel vm9, $0x7380, v24;
	v25 =	vsel vm9, $0xB000, v25;
	v26 =	vsel vm9, $0xF000, v26  }
0x5c: {  	v27 =	vsel vm9, $0xB080, v27;
	v28 =	vsel vm9, $0xF080, v28;
	v29 =	vsel vm9, $0xB100, v29  }
0x5d: {  	v30 =	vsel vm9, $0xF100, v30;
	v31 =	vsel vm9, $0xB180, v31;
	v32 =	vsel vm9, $0xF180, v32  }
0x5e: {  	v33 =	vsel vm9, $0xB200, v33;
	v34 =	vsel vm9, $0xF200, v34;
	v35 =	vsel vm9, $0xB280, v35  }
0x5f: {  	v36 =	vsel vm9, $0xF280, v36;
	v37 =	vsel vm9, $0xB300, v37;
	v39 =	vsel vm9, $0xF300, v39  }
0x60: {  	v40 =	vsel vm9, $0xB380, v40;
	v41 =	vsel vm9, $0xF380, v41;
	v9 =	vsel vm8, $0x3800, v9  }
0x61: {  	v10 =	vsel vm8, $0x7800, v10;
	v11 =	vsel vm8, $0x3880, v11;
	v12 =	vsel vm8, $0x7880, v12  }
0x62: {  	v13 =	vsel vm8, $0x3900, v13;
	v14 =	vsel vm8, $0x7900, v14;
	v15 =	vsel vm8, $0x3980, v15  }
0x63: {  	v16 =	vsel vm8, $0x7980, v16;
	v17 =	vsel vm8, $0x3A00, v17;
	v18 =	vsel vm8, $0x7A00, v18  }
0x64: {  	v19 =	vsel vm8, $0x3A80, v19;
	v20 =	vsel vm8, $0x7A80, v20;
	v21 =	vsel vm8, $0x3B00, v21  }
0x65: {  	v22 =	vsel vm8, $0x7B00, v22;
	v23 =	vsel vm8, $0x3B80, v23;
	v24 =	vsel vm8, $0x7B80, v24  }
0x66: {  	v25 =	vsel vm8, $0xB800, v25;
	v26 =	vsel vm8, $0xF800, v26;
	v27 =	vsel vm8, $0xB880, v27  }
0x67: {  	v28 =	vsel vm8, $0xF880, v28;
	v29 =	vsel vm8, $0xB900, v29;
	v30 =	vsel vm8, $0xF900, v30  }
0x68: {  	v31 =	vsel vm8, $0xB980, v31;
	v32 =	vsel vm8, $0xF980, v32;
	v33 =	vsel vm8, $0xBA00, v33  }
0x69: {  	v34 =	vsel vm8, $0xFA00, v34;
	v35 =	vsel vm8, $0xBA80, v35;
	v36 =	vsel vm8, $0xFA80, v36  }
0x6a: {  	v37 =	vsel vm8, $0xBB00, v37;
	v39 =	vsel vm8, $0xFB00, v39;
	v40 =	vsel vm8, $0xBB80, v40  }
0x6b: {  	v41 =	vsel vm8, $0xFB80, v41;
	v9 =	vsel vm7, $0x400, v9;
	v10 =	vsel vm7, $0x4400, v10  }
0x6c: {  	v11 =	vsel vm7, $0x480, v11;
	v12 =	vsel vm7, $0x4480, v12;
	v13 =	vsel vm7, $0x500, v13  }
0x6d: {  	v14 =	vsel vm7, $0x4500, v14;
	v15 =	vsel vm7, $0x580, v15;
	v16 =	vsel vm7, $0x4580, v16  }
0x6e: {  	v17 =	vsel vm7, $0x600, v17;
	v18 =	vsel vm7, $0x4600, v18;
	v19 =	vsel vm7, $0x680, v19  }
0x6f: {  	v20 =	vsel vm7, $0x4680, v20;
	v21 =	vsel vm7, $0x700, v21;
	v22 =	vsel vm7, $0x4700, v22  }
0x70: {  	v23 =	vsel vm7, $0x780, v23;
	v24 =	vsel vm7, $0x4780, v24;
	v25 =	vsel vm7, $0x8400, v25  }
0x71: {  	v26 =	vsel vm7, $0xC400, v26;
	v27 =	vsel vm7, $0x8480, v27;
	v28 =	vsel vm7, $0xC480, v28  }
0x72: {  	v29 =	vsel vm7, $0x8500, v29;
	v30 =	vsel vm7, $0xC500, v30;
	v31 =	vsel vm7, $0x8580, v31  }
0x73: {  	v32 =	vsel vm7, $0xC580, v32;
	v33 =	vsel vm7, $0x8600, v33;
	v34 =	vsel vm7, $0xC600, v34  }
0x74: {  	v35 =	vsel vm7, $0x8680, v35;
	v36 =	vsel vm7, $0xC680, v36;
	v37 =	vsel vm7, $0x8700, v37  }
0x75: {  	v39 =	vsel vm7, $0xC700, v39;
	v40 =	vsel vm7, $0x8780, v40;
	v41 =	vsel vm7, $0xC780, v41  }
0x76: {  	v9 =	vsel vm6, $0xC00, v9;
	v10 =	vsel vm6, $0x4C00, v10;
	v11 =	vsel vm6, $0xC80, v11  }
0x77: {  	v12 =	vsel vm6, $0x4C80, v12;
	v13 =	vsel vm6, $0xD00, v13;
	v14 =	vsel vm6, $0x4D00, v14  }
0x78: {  	v15 =	vsel vm6, $0xD80, v15;
	v16 =	vsel vm6, $0x4D80, v16;
	v17 =	vsel vm6, $0xE00, v17  }
0x79: {  	v18 =	vsel vm6, $0x4E00, v18;
	v19 =	vsel vm6, $0xE80, v19;
	v20 =	vsel vm6, $0x4E80, v20  }
0x7a: {  	v21 =	vsel vm6, $0xF00, v21;
	v22 =	vsel vm6, $0x4F00, v22;
	v23 =	vsel vm6, $0xF80, v23  }
0x7b: {  	v24 =	vsel vm6, $0x4F80, v24;
	v25 =	vsel vm6, $0x8C00, v25;
	v26 =	vsel vm6, $0xCC00, v26  }
0x7c: {  	v27 =	vsel vm6, $0x8C80, v27;
	v28 =	vsel vm6, $0xCC80, v28;
	v29 =	vsel vm6, $0x8D00, v29  }
0x7d: {  	v30 =	vsel vm6, $0xCD00, v30;
	v31 =	vsel vm6, $0x8D80, v31;
	v32 =	vsel vm6, $0xCD80, v32  }
0x7e: {  	v33 =	vsel vm6, $0x8E00, v33;
	v34 =	vsel vm6, $0xCE00, v34;
	v35 =	vsel vm6, $0x8E80, v35  }
0x7f: {  	v36 =	vsel vm6, $0xCE80, v36;
	v37 =	vsel vm6, $0x8F00, v37;
	v39 =	vsel vm6, $0xCF00, v39  }
0x80: {  	v40 =	vsel vm6, $0x8F80, v40;
	v41 =	vsel vm6, $0xCF80, v41;
	v9 =	vsel vm5, $0x1400, v9  }
0x81: {  	v10 =	vsel vm5, $0x5400, v10;
	v11 =	vsel vm5, $0x1480, v11;
	v12 =	vsel vm5, $0x5480, v12  }
0x82: {  	v13 =	vsel vm5, $0x1500, v13;
	v14 =	vsel vm5, $0x5500, v14;
	v15 =	vsel vm5, $0x1580, v15  }
0x83: {  	v16 =	vsel vm5, $0x5580, v16;
	v17 =	vsel vm5, $0x1600, v17;
	v18 =	vsel vm5, $0x5600, v18  }
0x84: {  	v19 =	vsel vm5, $0x1680, v19;
	v20 =	vsel vm5, $0x5680, v20;
	v21 =	vsel vm5, $0x1700, v21  }
0x85: {  	v22 =	vsel vm5, $0x5700, v22;
	v23 =	vsel vm5, $0x1780, v23;
	v24 =	vsel vm5, $0x5780, v24  }
0x86: {  	v25 =	vsel vm5, $0x9400, v25;
	v26 =	vsel vm5, $0xD400, v26;
	v27 =	vsel vm5, $0x9480, v27  }
0x87: {  	v28 =	vsel vm5, $0xD480, v28;
	v29 =	vsel vm5, $0x9500, v29;
	v30 =	vsel vm5, $0xD500, v30  }
0x88: {  	v31 =	vsel vm5, $0x9580, v31;
	v32 =	vsel vm5, $0xD580, v32;
	v33 =	vsel vm5, $0x9600, v33  }
0x89: {  	v34 =	vsel vm5, $0xD600, v34;
	v35 =	vsel vm5, $0x9680, v35;
	v36 =	vsel vm5, $0xD680, v36  }
0x8a: {  	v37 =	vsel vm5, $0x9700, v37;
	v39 =	vsel vm5, $0xD700, v39;
	v40 =	vsel vm5, $0x9780, v40  }
0x8b: {  	v41 =	vsel vm5, $0xD780, v41;
	v9 =	vsel vm4, $0x1C00, v9;
	v10 =	vsel vm4, $0x5C00, v10  }
0x8c: {  	v11 =	vsel vm4, $0x1C80, v11;
	v12 =	vsel vm4, $0x5C80, v12;
	v13 =	vsel vm4, $0x1D00, v13  }
0x8d: {  	v14 =	vsel vm4, $0x5D00, v14;
	v15 =	vsel vm4, $0x1D80, v15;
	v16 =	vsel vm4, $0x5D80, v16  }
0x8e: {  	v17 =	vsel vm4, $0x1E00, v17;
	v18 =	vsel vm4, $0x5E00, v18;
	v19 =	vsel vm4, $0x1E80, v19  }
0x8f: {  	v20 =	vsel vm4, $0x5E80, v20;
	v21 =	vsel vm4, $0x1F00, v21;
	v22 =	vsel vm4, $0x5F00, v22  }
0x90: {  	v23 =	vsel vm4, $0x1F80, v23;
	v24 =	vsel vm4, $0x5F80, v24;
	v25 =	vsel vm4, $0x9C00, v25  }
0x91: {  	v26 =	vsel vm4, $0xDC00, v26;
	v27 =	vsel vm4, $0x9C80, v27;
	v28 =	vsel vm4, $0xDC80, v28  }
0x92: {  	v29 =	vsel vm4, $0x9D00, v29;
	v30 =	vsel vm4, $0xDD00, v30;
	v31 =	vsel vm4, $0x9D80, v31  }
0x93: {  	v32 =	vsel vm4, $0xDD80, v32;
	v33 =	vsel vm4, $0x9E00, v33;
	v34 =	vsel vm4, $0xDE00, v34  }
0x94: {  	v35 =	vsel vm4, $0x9E80, v35;
	v36 =	vsel vm4, $0xDE80, v36;
	v37 =	vsel vm4, $0x9F00, v37  }
0x95: {  	v39 =	vsel vm4, $0xDF00, v39;
	v40 =	vsel vm4, $0x9F80, v40;
	v41 =	vsel vm4, $0xDF80, v41  }
0x96: {  	v9 =	vsel vm3, $0x2400, v9;
	v10 =	vsel vm3, $0x6400, v10;
	v11 =	vsel vm3, $0x2480, v11  }
0x97: {  	v12 =	vsel vm3, $0x6480, v12;
	v13 =	vsel vm3, $0x2500, v13;
	v14 =	vsel vm3, $0x6500, v14  }
0x98: {  	v15 =	vsel vm3, $0x2580, v15;
	v16 =	vsel vm3, $0x6580, v16;
	v17 =	vsel vm3, $0x2600, v17  }
0x99: {  	v18 =	vsel vm3, $0x6600, v18;
	v19 =	vsel vm3, $0x2680, v19;
	v20 =	vsel vm3, $0x6680, v20  }
0x9a: {  	v21 =	vsel vm3, $0x2700, v21;
	v22 =	vsel vm3, $0x6700, v22;
	v23 =	vsel vm3, $0x2780, v23  }
0x9b: {  	v24 =	vsel vm3, $0x6780, v24;
	v25 =	vsel vm3, $0xA400, v25;
	v26 =	vsel vm3, $0xE400, v26  }
0x9c: {  	v27 =	vsel vm3, $0xA480, v27;
	v28 =	vsel vm3, $0xE480, v28;
	v29 =	vsel vm3, $0xA500, v29  }
0x9d: {  	v30 =	vsel vm3, $0xE500, v30;
	v31 =	vsel vm3, $0xA580, v31;
	v32 =	vsel vm3, $0xE580, v32  }
0x9e: {  	v33 =	vsel vm3, $0xA600, v33;
	v34 =	vsel vm3, $0xE600, v34;
	v35 =	vsel vm3, $0xA680, v35  }
0x9f: {  	v36 =	vsel vm3, $0xE680, v36;
	v37 =	vsel vm3, $0xA700, v37;
	v39 =	vsel vm3, $0xE700, v39  }
0xa0: {  	v40 =	vsel vm3, $0xA780, v40;
	v41 =	vsel vm3, $0xE780, v41;
	v9 =	vsel vm2, $0x2C00, v9  }
0xa1: {  	v10 =	vsel vm2, $0x6C00, v10;
	v11 =	vsel vm2, $0x2C80, v11;
	v12 =	vsel vm2, $0x6C80, v12  }
0xa2: {  	s2 =	rddreg [dreg:$0x0];
	v13 =	vsel vm2, $0x2D00, v13;
	v14 =	vsel vm2, $0x6D00, v14;
	v15 =	vsel vm2, $0x2D80, v15  }
0xa3: {  	s3 =	srdreg.scid;
	s7 =	stileid.u32;
	v16 =	vsel vm2, $0x6D80, v16;
	v17 =	vsel vm2, $0x2E00, v17;
	v18 =	vsel vm2, $0x6E00, v18  }
0xa4: {  	s5 =	rddreg [dreg:$0x3];
	s0 =	simm.s32 $0x0;
	s11 =	simm.s32 $0x400;
	v19 =	vsel vm2, $0x2E80, v19;
	v20 =	vsel vm2, $0x6E80, v20;
	v21 =	vsel vm2, $0x2F00, v21  }
0xa5: {  	s1 =	simm.s32 $0x280;
	s30 =	simm.s32 $0x3;
	s15 =	simm.s32 $0x7A1400;
	v22 =	vsel vm2, $0x6F00, v22;
	v23 =	vsel vm2, $0x2F80, v23;
	v24 =	vsel vm2, $0x6F80, v24  }
0xa6: {  	s16 =	simm.s32 $0x500;
	s10 =	simm.s32 $0x5500;
	s9 =	simm.s32 $0x2500;
	v25 =	vsel vm2, $0xAC00, v25;
	v26 =	vsel vm2, $0xEC00, v26;
	v27 =	vsel vm2, $0xAC80, v27  }
0xa7: {  	s14 =	simm.s32 $0x6500;
	s13 =	simm.s32 $0x2D00;
	s17 =	simm.s32 $0x6D00;
	v28 =	vsel vm2, $0xEC80, v28;
	v29 =	vsel vm2, $0xAD00, v29;
	v30 =	vsel vm2, $0xED00, v30  }
0xa8: {  	s18 =	simm.s32 $0x3500;
	s19 =	simm.s32 $0x7500;
	s20 =	simm.s32 $0x3D00;
	v31 =	vsel vm2, $0xAD80, v31;
	v32 =	vsel vm2, $0xED80, v32;
	v33 =	vsel vm2, $0xAE00, v33  }
0xa9: {  	s31 =	simm.s32 $0x7D00;
	s12 =	simm.s32 $0xCD00;
	s24 =	simm.s32 $0x1;
	v34 =	vsel vm2, $0xEE00, v34;
	v35 =	vsel vm2, $0xAE80, v35;
	v36 =	vsel vm2, $0xEE80, v36  }
0xaa: {  	s22 =	simm.s32 $0x8500;
	s3 =	sand.u32 $0x1, s3;
	s4 =	sshll.u32 s7, $0x1;
	v37 =	vsel vm2, $0xAF00, v37;
	v39 =	vsel vm2, $0xEF00, v39;
	v40 =	vsel vm2, $0xAF80, v40  }
0xab: {  	s23 =	simm.s32 $0xC500;
	s21 =	simm.s32 $0x7D00;
	s6 =	sor.u32 s3, s4;
	v41 =	vsel vm2, $0xEF80, v41;
	v9 =	vsel vm1, $0x3400, v9;
	v10 =	vsel vm1, $0x7400, v10  }
0xac: {  	s7 =	sshll.u32 s7, $0x7;
	[smem:$0x7FF] =	sst s0;
	s8 =	sshll.u32 s6, $0x4;
	v11 =	vsel vm1, $0x3480, v11;
	v12 =	vsel vm1, $0x7480, v12;
	v13 =	vsel vm1, $0x3500, v13  }
0xad: {  	s0 =	simm.s32 $0x0;
	s3 =	ssub.s32 $0x2, s3;
	s7 =	sor.u32 s7, s8;
	v14 =	vsel vm1, $0x7500, v14;
	v15 =	vsel vm1, $0x3580, v15;
	v16 =	vsel vm1, $0x7580, v16  }
0xae: {  	s25 =	sshrl.u32 s3, $0x1;
	s28 =	sshll.u32 s6, $0x6;
	s7 =	sand.u32 $0x670, s7;
	v17 =	vsel vm1, $0x3600, v17;
	v18 =	vsel vm1, $0x7600, v18;
	v19 =	vsel vm1, $0x3680, v19  }
0xaf: {  	s6 =	simm.s32 $0x1500;
	s7 =	sadd.s32 s7, s2;
	s2 =	sadd.s32 $0x1400, s2;
	[tilespmem:$0x1FFF0] =	vst v1;
	v20 =	vsel vm1, $0x7680, v20;
	v21 =	vsel vm1, $0x3700, v21;
	v22 =	vsel vm1, $0x7700, v22  }
0xb0: {  	s26 =	sadd.s32 $0x400, s7;
	_ =	strace $0x80000047;
	[dreg:$0x5] =	wrdreg s2;
	v23 =	vsel vm1, $0x3780, v23;
	v24 =	vsel vm1, $0x7780, v24;
	v25 =	vsel vm1, $0xB400, v25  }
0xb1: {  	s8 =	simm.s32 $0x5D00;
	s29 =	sadd.s32 $0xC00, s7;
	[dreg:$0x6] =	wrdreg s26;
	v26 =	vsel vm1, $0xF400, v26;
	v27 =	vsel vm1, $0xB480, v27;
	v28 =	vsel vm1, $0xF480, v28  }
0xb2: {  	s7 =	simm.s32 $0x1D00;
	s2 =	ssub.s32 s3, s25;
	[dreg:$0x7] =	wrdreg s29;
	v29 =	vsel vm1, $0xB500, v29;
	v30 =	vsel vm1, $0xF500, v30;
	v31 =	vsel vm1, $0xB580, v31  }
0xb3: {  	s3 =	sadd.s32 s5, s28;
	s5 =	simm.s32 $0x4D00;
	s25 =	simm.s32 $0x11100;
	v32 =	vsel vm1, $0xF580, v32;
	v33 =	vsel vm1, $0xB600, v33;
	v34 =	vsel vm1, $0xF600, v34  }
0xb4: {  	s26 =	simm.s32 $0x2;
	[dreg:$0x8] =	wrdreg s3;
	s2 =	smax.u32 s2, $0x1;
	v35 =	vsel vm1, $0xB680, v35;
	v36 =	vsel vm1, $0xF680, v36;
	v37 =	vsel vm1, $0xB700, v37  }
0xb5: {  	s3 =	simm.s32 $0x4500;
	[dreg:$0x9] =	wrdreg s2;
	s2 =	simm.s32 $0xD00;
	v39 =	vsel vm1, $0xF700, v39;
	v40 =	vsel vm1, $0xB780, v40;
	v41 =	vsel vm1, $0xF780, v41  }
.LBB2_1:
0xb6: {  	[dreg:$0xa] =	wrdreg s0  }
0xb7: {  	s28 =	rddreg [dreg:$0x6];
	s29 =	simm.s32 $0x80;
	s4 =	simm.s32 $0x0  }
0xb8: {  	[tilespmem:s4], [sflag:$0x3] =	stream.strided.gather [hbm4b:s28+s29], $0x200, s11, s29, $0x38;
	[tilespmem:$0x11300] =	vst v63  }
0xb9: {  	_ =	swait.ge [sflag:s30], $0x200  }
0xba: {  	[sflag:s30] =	ssyncset.done $0x0  }
0xbb: {  	s28 =	rddreg [dreg:$0x7];
	[sflag:s30] =	ssyncadd.s32 $0xFFFFFE00  }
0xbc: {  	[tilespmem:s1], [sflag:$0x3] =	stream.strided.gather [hbm4b:s28+s29], $0x200, s11, s29, $0x38;
	[tilespmem:$0x11300] =	vst v63  }
0xbd: {  	_ =	swait.ge [sflag:s30], $0x200  }
0xbe: {  	[sflag:s30] =	ssyncset.done $0x0  }
0xbf: {  	s29 =	simm.s32 $0x10500;
	s28 =	rddreg [dreg:$0x5];
	[sflag:s30] =	ssyncadd.s32 $0xFFFFFE00  }
0xc0: {  	[tilespmem:s29], [sflag:$0x3] =	stream.linear.gather [hbm4b:s28+s4], $0x880, $0x38;
	[tilespmem:$0x11300] =	vst v63  }
0xc1: {  	_ =	swait.ge [sflag:s30], $0x880  }
0xc2: {  	v1 =	vld [tilespmem:$0x1FFD0]  }
0xc3: {  	[sflag:s30] =	ssyncset.done $0x0  }
0xc4: {  	[sflag:s30] =	ssyncadd.s32 $0xFFFFF780  }
0xc5: {  	v43 =	vld [tilespmem:$0x0];
	_ =	sdelay $0x1  }
0xc6: {  	v44 =	vld [tilespmem:$0x280];
	_ =	sdelay $0x2  }
0xc7: {  	s1 =	rddreg [dreg:$0x1];
	v43 =	vand.u32 $0xFFFFFF80, v43;
	v50 =	vld.idx.msk [tilespmem:v1+s29+$0x0], $0xffff  }
0xc8: {  	v52 =	vadd.s32 s1, v43;
	v1 =	vld [tilespmem:$0x1FFE0]  }
0xc9: {  	s4 =	rddreg [dreg:$0x2];
	v63 =	vand.u32 $0xFFFFFF80, v44;
	(v2sf) =	vpush v52, $0x0  }
0xca: {  	v53 =	vadd.s32 s4, v63  }
0xcb: {  	(v2sf) =	vpush v53, $0x0;
	_ =	sdelay $0x1  }
0xcc: {  	(v2sf) =	vpush v52, $0x1;
	_ =	sdelay $0x1  }
0xcd: {  	(v2sf) =	vpush v53, $0x1  }
0xce: {  	v49 =	vld.idx.msk [tilespmem:v1+s29+$0x0], $0xffff  }
0xcf: {  	(v2sf) =	vpush v52, $0x2;
	v1 =	vld [tilespmem:$0x1FFF0];
	_ =	sdelay $0x1  }
0xd0: {  	v51 =	vld.idx.msk [tilespmem:v0+s29+$0x0], $0xffff;
	(v2sf) =	vpush v53, $0x2  }
0xd1: {  	v47 =	vld.idx.msk [tilespmem:v4+s29+$0x0], $0xffff  }
0xd2: {  	v46 =	vld.idx.msk [tilespmem:v5+s29+$0x0], $0xffff;
	(v2sf) =	vpush v52, $0x3  }
0xd3: {  	v45 =	vld.idx.msk [tilespmem:v6+s29+$0x0], $0xffff  }
0xd4: {  	v44 =	vld [tilespmem:$0x10D00];
	(v2sf) =	vpush v53, $0x3  }
0xd5: {  	v43 =	vld.idx.msk [tilespmem:v7+s29+$0x0], $0xffff;
	s28 =	spop (v2sf)  }
0xd6: {  	v48 =	vld.idx.msk [tilespmem:v1+s29+$0x0], $0xffff;
	(v2sf) =	vpush v52, $0x4;
	[tilespmem:s16], [sflag:$0x1] =	stream.strided.gather [hbm4b:s28+s11], $0x800, s15, s11, $0x38  }
0xd7: {  	s28 =	spop (v2sf)  }
0xd8: {  	(v2sf) =	vpush v53, $0x4;
	[tilespmem:s3], [sflag:$0x1] =	stream.strided.gather [hbm4b:s28+s11], $0x800, s15, s11, $0x38;
	[tilespmem:$0x11300] =	vst v63  }
0xd9: {  	s28 =	spop (v2sf)  }
0xda: {  	(v2sf) =	vpush v52, $0x5;
	[tilespmem:s2], [sflag:$0x1] =	stream.strided.gather [hbm4b:s28+s11], $0x800, s15, s11, $0x38;
	[tilespmem:$0x11300] =	vst v63  }
0xdb: {  	s28 =	spop (v2sf)  }
0xdc: {  	(v2sf) =	vpush v53, $0x5;
	[tilespmem:s5], [sflag:$0x1] =	stream.strided.gather [hbm4b:s28+s11], $0x800, s15, s11, $0x38;
	[tilespmem:$0x11300] =	vst v63  }
0xdd: {  	s28 =	spop (v2sf)  }
0xde: {  	(v2sf) =	vpush v52, $0x6;
	[tilespmem:s6], [sflag:$0x1] =	stream.strided.gather [hbm4b:s28+s11], $0x800, s15, s11, $0x38;
	[tilespmem:$0x11300] =	vst v63  }
0xdf: {  	s28 =	spop (v2sf)  }
0xe0: {  	(v2sf) =	vpush v53, $0x6;
	[tilespmem:s10], [sflag:$0x1] =	stream.strided.gather [hbm4b:s28+s11], $0x800, s15, s11, $0x38;
	[tilespmem:$0x11300] =	vst v63  }
0xe1: {  	s28 =	spop (v2sf)  }
0xe2: {  	(v2sf) =	vpush v52, $0x7;
	[tilespmem:s7], [sflag:$0x1] =	stream.strided.gather [hbm4b:s28+s11], $0x800, s15, s11, $0x38;
	[tilespmem:$0x11300] =	vst v63  }
0xe3: {  	s28 =	spop (v2sf)  }
0xe4: {  	(v2sf) =	vpush v53, $0x7;
	[tilespmem:s8], [sflag:$0x1] =	stream.strided.gather [hbm4b:s28+s11], $0x800, s15, s11, $0x38;
	[tilespmem:$0x11300] =	vst v63  }
0xe5: {  	s28 =	spop (v2sf)  }
0xe6: {  	[tilespmem:s9], [sflag:$0x1] =	stream.strided.gather [hbm4b:s28+s11], $0x800, s15, s11, $0x38;
	[tilespmem:$0x11300] =	vst v63  }
0xe7: {  	s30 =	simm.s32 $0x290;
	s29 =	simm.s32 $0x10;
	s28 =	spop (v2sf)  }
0xe8: {  	[tilespmem:s14], [sflag:$0x1] =	stream.strided.gather [hbm4b:s28+s11], $0x800, s15, s11, $0x38;
	[tilespmem:$0x11300] =	vst v63  }
0xe9: {  	s3 =	simm.s32 $0x4500;
	s2 =	simm.s32 $0xD00;
	s28 =	spop (v2sf)  }
0xea: {  	[tilespmem:s13], [sflag:$0x1] =	stream.strided.gather [hbm4b:s28+s11], $0x800, s15, s11, $0x38;
	[tilespmem:$0x11300] =	vst v63  }
0xeb: {  	s5 =	simm.s32 $0x4D00;
	s6 =	simm.s32 $0x1500;
	s28 =	spop (v2sf)  }
0xec: {  	[tilespmem:s17], [sflag:$0x1] =	stream.strided.gather [hbm4b:s28+s11], $0x800, s15, s11, $0x38;
	[tilespmem:$0x11300] =	vst v63  }
0xed: {  	s10 =	simm.s32 $0x5500;
	s7 =	simm.s32 $0x1D00;
	s28 =	spop (v2sf)  }
0xee: {  	[tilespmem:s18], [sflag:$0x1] =	stream.strided.gather [hbm4b:s28+s11], $0x800, s15, s11, $0x38;
	[tilespmem:$0x11300] =	vst v63  }
0xef: {  	s8 =	simm.s32 $0x5D00;
	s9 =	simm.s32 $0x2500;
	s28 =	spop (v2sf)  }
0xf0: {  	[tilespmem:s19], [sflag:$0x1] =	stream.strided.gather [hbm4b:s28+s11], $0x800, s15, s11, $0x38;
	[tilespmem:$0x11300] =	vst v63  }
0xf1: {  	s14 =	simm.s32 $0x6500;
	s13 =	simm.s32 $0x2D00;
	s28 =	spop (v2sf)  }
0xf2: {  	[tilespmem:s20], [sflag:$0x1] =	stream.strided.gather [hbm4b:s28+s11], $0x800, s15, s11, $0x38;
	[tilespmem:$0x11300] =	vst v63  }
0xf3: {  	s17 =	simm.s32 $0x6D00;
	s18 =	simm.s32 $0x3500;
	s28 =	spop (v2sf)  }
0xf4: {  	[tilespmem:s31], [sflag:$0x1] =	stream.strided.gather [hbm4b:s28+s11], $0x800, s15, s11, $0x38;
	[tilespmem:$0x11300] =	vst v63  }
0xf5: {  	s19 =	simm.s32 $0x7500;
	s20 =	simm.s32 $0x3D00;
	s28 =	simm.s32 $0x8  }
.LBB2_2:
0xf6: {  	v52 =	vld [tilespmem:s29+$0xFFFFFFF8];
	_ =	sdelay $0x1  }
0xf7: {  	v53 =	vld [tilespmem:s30+$0xFFFFFFF8];
	_ =	sdelay $0x2  }
0xf8: {  	s1 =	rddreg [dreg:$0x1];
	v52 =	vand.u32 $0xFFFFFF80, v52  }
0xf9: {  	v52 =	vadd.s32 s1, v52  }
0xfa: {  	s4 =	rddreg [dreg:$0x2];
	v53 =	vand.u32 $0xFFFFFF80, v53;
	(v2sf) =	vpush v52, $0x0  }
0xfb: {  	v53 =	vadd.s32 s4, v53  }
0xfc: {  	(v2sf) =	vpush v53, $0x0;
	_ =	sdelay $0x1  }
0xfd: {  	(v2sf) =	vpush v52, $0x1;
	_ =	sdelay $0x1  }
0xfe: {  	(v2sf) =	vpush v53, $0x1;
	_ =	sdelay $0x1  }
0xff: {  	(v2sf) =	vpush v52, $0x2;
	_ =	sdelay $0x1  }
0x100: {  	(v2sf) =	vpush v53, $0x2;
	_ =	sdelay $0x1  }
0x101: {  	(v2sf) =	vpush v52, $0x3;
	_ =	sdelay $0x1  }
0x102: {  	(v2sf) =	vpush v53, $0x3  }
0x103: {  	s31 =	spop (v2sf)  }
0x104: {  	(v2sf) =	vpush v52, $0x4;
	[tilespmem:s22], [sflag:$0x2] =	stream.strided.gather [hbm4b:s31+s11], $0x800, s15, s11, $0x38;
	[tilespmem:$0x11300] =	vst v63  }
0x105: {  	s31 =	spop (v2sf)  }
0x106: {  	(v2sf) =	vpush v53, $0x4;
	[tilespmem:s23], [sflag:$0x2] =	stream.strided.gather [hbm4b:s31+s11], $0x800, s15, s11, $0x38;
	[tilespmem:$0x11300] =	vst v63  }
0x107: {  	s0 =	simm.s32 $0x8D00;
	s31 =	spop (v2sf)  }
0x108: {  	(v2sf) =	vpush v52, $0x5;
	[tilespmem:s0], [sflag:$0x2] =	stream.strided.gather [hbm4b:s31+s11], $0x800, s15, s11, $0x38;
	[tilespmem:$0x11300] =	vst v63  }
0x109: {  	s31 =	spop (v2sf)  }
0x10a: {  	(v2sf) =	vpush v53, $0x5;
	[tilespmem:s12], [sflag:$0x2] =	stream.strided.gather [hbm4b:s31+s11], $0x800, s15, s11, $0x38;
	[tilespmem:$0x11300] =	vst v63  }
0x10b: {  	s31 =	spop (v2sf);
	s12 =	simm.s32 $0x9500  }
0x10c: {  	(v2sf) =	vpush v52, $0x6;
	[tilespmem:s12], [sflag:$0x2] =	stream.strided.gather [hbm4b:s31+s11], $0x800, s15, s11, $0x38;
	[tilespmem:$0x11300] =	vst v63  }
0x10d: {  	s31 =	spop (v2sf);
	s12 =	simm.s32 $0xD500  }
0x10e: {  	(v2sf) =	vpush v53, $0x6;
	[tilespmem:s12], [sflag:$0x2] =	stream.strided.gather [hbm4b:s31+s11], $0x800, s15, s11, $0x38;
	[tilespmem:$0x11300] =	vst v63  }
0x10f: {  	s31 =	spop (v2sf);
	s12 =	simm.s32 $0x9D00  }
0x110: {  	(v2sf) =	vpush v52, $0x7;
	[tilespmem:s12], [sflag:$0x2] =	stream.strided.gather [hbm4b:s31+s11], $0x800, s15, s11, $0x38;
	[tilespmem:$0x11300] =	vst v63  }
0x111: {  	s31 =	spop (v2sf);
	s12 =	simm.s32 $0xDD00  }
0x112: {  	[tilespmem:s12], [sflag:$0x2] =	stream.strided.gather [hbm4b:s31+s11], $0x800, s15, s11, $0x38;
	[tilespmem:$0x11300] =	vst v63  }
0x113: {  	(v2sf) =	vpush v53, $0x7;
	s31 =	spop (v2sf);
	s12 =	simm.s32 $0xA500  }
0x114: {  	[tilespmem:s12], [sflag:$0x2] =	stream.strided.gather [hbm4b:s31+s11], $0x800, s15, s11, $0x38;
	[tilespmem:$0x11300] =	vst v63  }
0x115: {  	s31 =	spop (v2sf);
	s12 =	simm.s32 $0xE500  }
0x116: {  	[tilespmem:s12], [sflag:$0x2] =	stream.strided.gather [hbm4b:s31+s11], $0x800, s15, s11, $0x38;
	[tilespmem:$0x11300] =	vst v63  }
0x117: {  	s31 =	spop (v2sf);
	s12 =	simm.s32 $0xAD00  }
0x118: {  	[tilespmem:s12], [sflag:$0x2] =	stream.strided.gather [hbm4b:s31+s11], $0x800, s15, s11, $0x38;
	[tilespmem:$0x11300] =	vst v63  }
0x119: {  	s31 =	spop (v2sf);
	s12 =	simm.s32 $0xED00  }
0x11a: {  	[tilespmem:s12], [sflag:$0x2] =	stream.strided.gather [hbm4b:s31+s11], $0x800, s15, s11, $0x38;
	[tilespmem:$0x11300] =	vst v63  }
0x11b: {  	s31 =	spop (v2sf);
	s12 =	simm.s32 $0xB500  }
0x11c: {  	[tilespmem:s12], [sflag:$0x2] =	stream.strided.gather [hbm4b:s31+s11], $0x800, s15, s11, $0x38;
	[tilespmem:$0x11300] =	vst v63  }
0x11d: {  	s31 =	spop (v2sf);
	s12 =	simm.s32 $0xF500  }
0x11e: {  	[tilespmem:s12], [sflag:$0x2] =	stream.strided.gather [hbm4b:s31+s11], $0x800, s15, s11, $0x38;
	[tilespmem:$0x11300] =	vst v63  }
0x11f: {  	s31 =	spop (v2sf);
	s12 =	simm.s32 $0xBD00  }
0x120: {  	[tilespmem:s12], [sflag:$0x2] =	stream.strided.gather [hbm4b:s31+s11], $0x800, s15, s11, $0x38;
	[tilespmem:$0x11300] =	vst v63  }
0x121: {  	s31 =	sadd.s32 $0xFFFFFFF8, s28  }
0x122: {  	s12 =	simm.s32 $0xFD00;
	v52 =	vor.u32 s31, v8;
	s31 =	spop (v2sf)  }
0x123: {  	[tilespmem:s12], [sflag:$0x2] =	stream.strided.gather [hbm4b:s31+s11], $0x800, s15, s11, $0x38;
	[tilespmem:$0x11300] =	vst v63  }
0x124: {  	_ =	swait.ge [sflag:s24], $0x8000  }
0x125: {  	[sflag:s24] =	ssyncset.done $0x0  }
0x126: {  	s12 =	simm.s32 $0x0;
	[sflag:s24] =	ssyncadd.s32 $0xFFFF8000  }
0x127: {  	s0 =	simm.s32 $0x280;
	v60 =	vld.idx.msk [tilespmem:v52+s12+$0x0], $0xffff  }
0x128: {  	v54 =	vld.idx.msk [tilespmem:v52+s0+$0x0], $0xffff;
	_ =	sdelay $0x3  }
0x129: {  	v53 =	vand.u32 $0x7F, v60  }
0x12a: {  	v54 =	vand.u32 $0x7F, v54;
	v55 =	vor.u32 v9, v53  }
0x12b: {  	v56 =	vor.u32 v10, v54;
	_ =	sdelay $0x1  }
0x12c: {  	v57 =	vor.u32 v11, v53  }
0x12d: {  	v58 =	vor.u32 v12, v54  }
0x12e: {  	v59 =	vor.u32 v13, v53;
	v55 =	vld.idx.msk [tilespmem:v55+s16+$0x0], $0xffff  }
0x12f: {  	v60 =	vor.u32 v14, v54;
	v56 =	vld.idx.msk [tilespmem:v56+s16+$0x0], $0xffff  }
0x130: {  	v61 =	vor.u32 v15, v53  }
0x131: {  	v62 =	vor.u32 v16, v54;
	v57 =	vld.idx.msk [tilespmem:v57+s16+$0x0], $0xffff  }
0x132: {  	v63 =	vor.u32 v17, v53;
	v58 =	vld.idx.msk [tilespmem:v58+s16+$0x0], $0xffff  }
0x133: {  	v1 =	vor.u32 v18, v54;
	v59 =	vld.idx.msk [tilespmem:v59+s16+$0x0], $0xffff  }
0x134: {  	v2 =	vor.u32 v20, v54;
	v55 =	vmul.f32 v56, v55;
	v56 =	vld.idx.msk [tilespmem:v60+s16+$0x0], $0xffff  }
0x135: {  	v61 =	vld.idx.msk [tilespmem:v61+s16+$0x0], $0xffff;
	v60 =	vor.u32 v19, v53  }
0x136: {  	v3 =	vor.u32 v21, v53;
	v62 =	vld.idx.msk [tilespmem:v62+s16+$0x0], $0xffff  }
0x137: {  	v57 =	vmul.f32 v58, v57;
	v58 =	vld.idx.msk [tilespmem:v63+s16+$0x0], $0xffff;
	v63 =	vor.u32 v22, v54;
	v55 =	vmul.f32 v55, v51  }
0x138: {  	v1 =	vld.idx.msk [tilespmem:v1+s16+$0x0], $0xffff;
	v53 =	vor.u32 v23, v53;
	v54 =	vor.u32 v24, v54  }
0x139: {  	v2 =	vld.idx.msk [tilespmem:v2+s16+$0x0], $0xffff;
	v57 =	vmul.f32 v57, v50;
	v55 =	vadd.f32 $0.0e+00, v55;
	v56 =	vmul.f32 v56, v59  }
0x13a: {  	v59 =	vld.idx.msk [tilespmem:v60+s16+$0x0], $0xffff  }
0x13b: {  	v3 =	vld.idx.msk [tilespmem:v3+s16+$0x0], $0xffff;
	v55 =	vadd.f32 v57, v55;
	v57 =	vmul.f32 v62, v61;
	v56 =	vmul.f32 v56, v49  }
0x13c: {  	v60 =	vld.idx.msk [tilespmem:v63+s16+$0x0], $0xffff  }
0x13d: {  	v1 =	vmul.f32 v1, v58;
	v53 =	vld.idx.msk [tilespmem:v53+s16+$0x0], $0xffff;
	v61 =	vmul.f32 v57, v48;
	v55 =	vadd.f32 v56, v55  }
0x13e: {  	v54 =	vld.idx.msk [tilespmem:v54+s16+$0x0], $0xffff  }
0x13f: {  	v1 =	vmul.f32 v1, v47;
	v2 =	vmul.f32 v2, v59;
	v55 =	vadd.f32 v61, v55;
	_ =	sdelay $0x1  }
0x140: {  	v3 =	vmul.f32 v60, v3;
	v2 =	vmul.f32 v2, v46;
	v1 =	vadd.f32 v1, v55;
	_ =	sdelay $0x1  }
0x141: {  	v1 =	vadd.f32 v2, v1;
	v2 =	vmul.f32 v3, v45;
	v3 =	vmul.f32 v54, v53;
	_ =	sdelay $0x1  }
0x142: {  	v1 =	vadd.f32 v2, v1;
	v2 =	vmul.f32 v3, v43;
	_ =	sdelay $0x1  }
0x143: {  	v1 =	vadd.f32 v2, v1;
	_ =	sdelay $0x1  }
0x144: {  	v2 =	vadd.f32 v1, v44;
	_ =	sdelay $0x1  }
0x145: {  	[tilespmem:v52+s25+$0x0] =	vst.idx.msk $0xff, v2  }
0x146: {  	[tilespmem:v52+s25+$0x0] =	vst.idx.add.f32.msk vm0, v1  }
0x147: {  	v1 =	vld [tilespmem:s29+$0x0];
	_ =	sdelay $0x1  }
0x148: {  	v2 =	vld [tilespmem:s30+$0x0];
	_ =	sdelay $0x2  }
0x149: {  	v1 =	vand.u32 $0xFFFFFF80, v1  }
0x14a: {  	v1 =	vadd.s32 s1, v1  }
0x14b: {  	v2 =	vand.u32 $0xFFFFFF80, v2;
	(v2sf) =	vpush v1, $0x0  }
0x14c: {  	v2 =	vadd.s32 s4, v2  }
0x14d: {  	(v2sf) =	vpush v2, $0x0;
	_ =	sdelay $0x1  }
0x14e: {  	(v2sf) =	vpush v1, $0x1;
	_ =	sdelay $0x1  }
0x14f: {  	(v2sf) =	vpush v2, $0x1;
	_ =	sdelay $0x1  }
0x150: {  	(v2sf) =	vpush v1, $0x2;
	_ =	sdelay $0x1  }
0x151: {  	(v2sf) =	vpush v2, $0x2;
	_ =	sdelay $0x1  }
0x152: {  	(v2sf) =	vpush v1, $0x3;
	_ =	sdelay $0x1  }
0x153: {  	(v2sf) =	vpush v2, $0x3  }
0x154: {  	s31 =	spop (v2sf)  }
0x155: {  	(v2sf) =	vpush v1, $0x4;
	[tilespmem:s16], [sflag:$0x1] =	stream.strided.gather [hbm4b:s31+s11], $0x800, s15, s11, $0x38;
	[tilespmem:$0x11300] =	vst v63  }
0x156: {  	s31 =	spop (v2sf)  }
0x157: {  	(v2sf) =	vpush v2, $0x4;
	[tilespmem:s3], [sflag:$0x1] =	stream.strided.gather [hbm4b:s31+s11], $0x800, s15, s11, $0x38;
	[tilespmem:$0x11300] =	vst v63  }
0x158: {  	s31 =	spop (v2sf)  }
0x159: {  	(v2sf) =	vpush v1, $0x5;
	[tilespmem:s2], [sflag:$0x1] =	stream.strided.gather [hbm4b:s31+s11], $0x800, s15, s11, $0x38;
	[tilespmem:$0x11300] =	vst v63  }
0x15a: {  	s31 =	spop (v2sf)  }
0x15b: {  	(v2sf) =	vpush v2, $0x5;
	[tilespmem:s5], [sflag:$0x1] =	stream.strided.gather [hbm4b:s31+s11], $0x800, s15, s11, $0x38;
	[tilespmem:$0x11300] =	vst v63  }
0x15c: {  	s31 =	spop (v2sf)  }
0x15d: {  	(v2sf) =	vpush v1, $0x6;
	[tilespmem:s6], [sflag:$0x1] =	stream.strided.gather [hbm4b:s31+s11], $0x800, s15, s11, $0x38;
	[tilespmem:$0x11300] =	vst v63  }
0x15e: {  	s31 =	spop (v2sf)  }
0x15f: {  	(v2sf) =	vpush v2, $0x6;
	[tilespmem:s10], [sflag:$0x1] =	stream.strided.gather [hbm4b:s31+s11], $0x800, s15, s11, $0x38;
	[tilespmem:$0x11300] =	vst v63  }
0x160: {  	s31 =	spop (v2sf)  }
0x161: {  	(v2sf) =	vpush v1, $0x7;
	[tilespmem:s7], [sflag:$0x1] =	stream.strided.gather [hbm4b:s31+s11], $0x800, s15, s11, $0x38;
	[tilespmem:$0x11300] =	vst v63  }
0x162: {  	s31 =	spop (v2sf)  }
0x163: {  	(v2sf) =	vpush v2, $0x7;
	[tilespmem:s8], [sflag:$0x1] =	stream.strided.gather [hbm4b:s31+s11], $0x800, s15, s11, $0x38;
	[tilespmem:$0x11300] =	vst v63  }
0x164: {  	s31 =	spop (v2sf)  }
0x165: {  	[tilespmem:s9], [sflag:$0x1] =	stream.strided.gather [hbm4b:s31+s11], $0x800, s15, s11, $0x38;
	[tilespmem:$0x11300] =	vst v63  }
0x166: {  	s31 =	spop (v2sf)  }
0x167: {  	[tilespmem:s14], [sflag:$0x1] =	stream.strided.gather [hbm4b:s31+s11], $0x800, s15, s11, $0x38;
	[tilespmem:$0x11300] =	vst v63  }
0x168: {  	s31 =	spop (v2sf)  }
0x169: {  	[tilespmem:s13], [sflag:$0x1] =	stream.strided.gather [hbm4b:s31+s11], $0x800, s15, s11, $0x38;
	[tilespmem:$0x11300] =	vst v63  }
0x16a: {  	s31 =	spop (v2sf)  }
0x16b: {  	[tilespmem:s17], [sflag:$0x1] =	stream.strided.gather [hbm4b:s31+s11], $0x800, s15, s11, $0x38;
	[tilespmem:$0x11300] =	vst v63  }
0x16c: {  	s31 =	spop (v2sf)  }
0x16d: {  	[tilespmem:s18], [sflag:$0x1] =	stream.strided.gather [hbm4b:s31+s11], $0x800, s15, s11, $0x38;
	[tilespmem:$0x11300] =	vst v63  }
0x16e: {  	s31 =	spop (v2sf)  }
0x16f: {  	[tilespmem:s19], [sflag:$0x1] =	stream.strided.gather [hbm4b:s31+s11], $0x800, s15, s11, $0x38;
	[tilespmem:$0x11300] =	vst v63  }
0x170: {  	s31 =	spop (v2sf)  }
0x171: {  	[tilespmem:s20], [sflag:$0x1] =	stream.strided.gather [hbm4b:s31+s11], $0x800, s15, s11, $0x38;
	[tilespmem:$0x11300] =	vst v63  }
0x172: {  	v1 =	vor.u32 s28, v8;
	s31 =	spop (v2sf)  }
0x173: {  	[tilespmem:s21], [sflag:$0x1] =	stream.strided.gather [hbm4b:s31+s11], $0x800, s15, s11, $0x38;
	[tilespmem:$0x11300] =	vst v63  }
0x174: {  	_ =	swait.ge [sflag:s26], $0x8000  }
0x175: {  	[sflag:s26] =	ssyncset.done $0x0  }
0x176: {  	[sflag:s26] =	ssyncadd.s32 $0xFFFF8000  }
0x177: {  	v2 =	vld.idx.msk [tilespmem:v1+s12+$0x0], $0xffff  }
0x178: {  	v3 =	vld.idx.msk [tilespmem:v1+s0+$0x0], $0xffff;
	_ =	sdelay $0x3  }
0x179: {  	v2 =	vand.u32 $0x7F, v2  }
0x17a: {  	v3 =	vand.u32 $0x7F, v3;
	v52 =	vor.u32 v25, v2  }
0x17b: {  	v62 =	vor.u32 v26, v3  }
0x17c: {  	v63 =	vor.u32 v27, v2  }
0x17d: {  	v60 =	vor.u32 v28, v3  }
0x17e: {  	v61 =	vor.u32 v29, v2  }
0x17f: {  	v57 =	vor.u32 v30, v3;
	v52 =	vld.idx.msk [tilespmem:v52+s16+$0x0], $0xffff  }
0x180: {  	v53 =	vld.idx.msk [tilespmem:v62+s16+$0x0], $0xffff  }
0x181: {  	v58 =	vor.u32 v31, v2;
	v54 =	vld.idx.msk [tilespmem:v63+s16+$0x0], $0xffff  }
0x182: {  	v59 =	vor.u32 v32, v3;
	v55 =	vld.idx.msk [tilespmem:v60+s16+$0x0], $0xffff  }
0x183: {  	v56 =	vld.idx.msk [tilespmem:v61+s16+$0x0], $0xffff;
	v60 =	vor.u32 v33, v2  }
0x184: {  	v57 =	vld.idx.msk [tilespmem:v57+s16+$0x0], $0xffff;
	v61 =	vor.u32 v34, v3  }
0x185: {  	v62 =	vor.u32 v35, v2  }
0x186: {  	v52 =	vmul.f32 v53, v52;
	v53 =	vld.idx.msk [tilespmem:v58+s16+$0x0], $0xffff;
	v58 =	vor.u32 v36, v3  }
0x187: {  	v59 =	vld.idx.msk [tilespmem:v59+s16+$0x0], $0xffff;
	v63 =	vor.u32 v37, v2  }
0x188: {  	v54 =	vmul.f32 v55, v54;
	v55 =	vld.idx.msk [tilespmem:v60+s16+$0x0], $0xffff;
	v60 =	vor.u32 v39, v3;
	v52 =	vmul.f32 v52, v51  }
0x189: {  	v2 =	vor.u32 v40, v2;
	v56 =	vmul.f32 v57, v56;
	v57 =	vld.idx.msk [tilespmem:v61+s16+$0x0], $0xffff  }
0x18a: {  	v61 =	vld.idx.msk [tilespmem:v62+s16+$0x0], $0xffff;
	v3 =	vor.u32 v41, v3;
	v54 =	vmul.f32 v54, v50;
	v52 =	vadd.f32 $0.0e+00, v52  }
0x18b: {  	v58 =	vld.idx.msk [tilespmem:v58+s16+$0x0], $0xffff  }
0x18c: {  	v62 =	vld.idx.msk [tilespmem:v63+s16+$0x0], $0xffff;
	v53 =	vmul.f32 v59, v53;
	v52 =	vadd.f32 v54, v52;
	v54 =	vmul.f32 v56, v49  }
0x18d: {  	v63 =	vld.idx.msk [tilespmem:v60+s16+$0x0], $0xffff  }
0x18e: {  	v2 =	vld.idx.msk [tilespmem:v2+s16+$0x0], $0xffff;
	v60 =	vmul.f32 v57, v55;
	v53 =	vmul.f32 v53, v48;
	v52 =	vadd.f32 v54, v52  }
0x18f: {  	v3 =	vld.idx.msk [tilespmem:v3+s16+$0x0], $0xffff  }
0x190: {  	v54 =	vmul.f32 v60, v47;
	v52 =	vadd.f32 v53, v52;
	v61 =	vmul.f32 v58, v61;
	_ =	sdelay $0x1  }
0x191: {  	v62 =	vmul.f32 v63, v62;
	v52 =	vadd.f32 v54, v52;
	v53 =	vmul.f32 v61, v46;
	_ =	sdelay $0x1  }
0x192: {  	v2 =	vmul.f32 v3, v2;
	v63 =	vmul.f32 v62, v45;
	v52 =	vadd.f32 v53, v52;
	_ =	sdelay $0x1  }
0x193: {  	v2 =	vmul.f32 v2, v43;
	v3 =	vadd.f32 v63, v52;
	_ =	sdelay $0x1  }
0x194: {  	p0 =	sne.s32 s28, $0x1E8;
	v2 =	vadd.f32 v2, v3  }
.Ltmp0:
0x195: {  	_ = 	snop;
	(pc) =	sbr.rel @p0 .LBB2_2-.Ltmp0, $3  }
0x196: {  	v3 =	vadd.f32 v2, v44;
	_ =	sdelay $0x1  }
0x197: {  	s29 =	sadd.s32 $0x10, s29;
	s30 =	sadd.s32 $0x10, s30;
	[tilespmem:v1+s25+$0x0] =	vst.idx.msk $0xff, v3  }
0x198: {  	s28 =	sadd.s32 $0x10, s28;
	s31 =	simm.s32 $0x7D00;
	s12 =	simm.s32 $0xCD00;
	[tilespmem:v1+s25+$0x0] =	vst.idx.add.f32.msk vm0, v2  }
0x199: {  	v1 =	vld [tilespmem:$0x1F8];
	_ =	sdelay $0x1  }
0x19a: {  	v2 =	vld [tilespmem:$0x478];
	_ =	sdelay $0x2  }
0x19b: {  	s1 =	rddreg [dreg:$0x1];
	v1 =	vand.u32 $0xFFFFFF80, v1  }
0x19c: {  	v1 =	vadd.s32 s1, v1  }
0x19d: {  	s4 =	rddreg [dreg:$0x2];
	v2 =	vand.u32 $0xFFFFFF80, v2;
	(v2sf) =	vpush v1, $0x0  }
0x19e: {  	v2 =	vadd.s32 s4, v2  }
0x19f: {  	(v2sf) =	vpush v2, $0x0;
	_ =	sdelay $0x1  }
0x1a0: {  	(v2sf) =	vpush v1, $0x1;
	_ =	sdelay $0x1  }
0x1a1: {  	(v2sf) =	vpush v2, $0x1;
	_ =	sdelay $0x1  }
0x1a2: {  	(v2sf) =	vpush v1, $0x2;
	_ =	sdelay $0x1  }
0x1a3: {  	(v2sf) =	vpush v2, $0x2;
	_ =	sdelay $0x1  }
0x1a4: {  	(v2sf) =	vpush v1, $0x3;
	_ =	sdelay $0x1  }
0x1a5: {  	(v2sf) =	vpush v2, $0x3  }
0x1a6: {  	s28 =	spop (v2sf)  }
0x1a7: {  	(v2sf) =	vpush v1, $0x4;
	[tilespmem:s22], [sflag:$0x2] =	stream.strided.gather [hbm4b:s28+s11], $0x800, s15, s11, $0x38;
	[tilespmem:$0x11300] =	vst v63  }
0x1a8: {  	s5 =	spop (v2sf)  }
0x1a9: {  	(v2sf) =	vpush v2, $0x4;
	[tilespmem:s23], [sflag:$0x2] =	stream.strided.gather [hbm4b:s5+s11], $0x800, s15, s11, $0x38;
	[tilespmem:$0x11300] =	vst v63  }
0x1aa: {  	s0 =	simm.s32 $0x8D00;
	s6 =	spop (v2sf)  }
0x1ab: {  	(v2sf) =	vpush v1, $0x5;
	[tilespmem:s0], [sflag:$0x2] =	stream.strided.gather [hbm4b:s6+s11], $0x800, s15, s11, $0x38;
	[tilespmem:$0x11300] =	vst v63  }
0x1ac: {  	s7 =	spop (v2sf)  }
0x1ad: {  	(v2sf) =	vpush v2, $0x5;
	[tilespmem:s12], [sflag:$0x2] =	stream.strided.gather [hbm4b:s7+s11], $0x800, s15, s11, $0x38;
	[tilespmem:$0x11300] =	vst v63  }
0x1ae: {  	s9 =	simm.s32 $0x9500;
	s8 =	spop (v2sf)  }
0x1af: {  	(v2sf) =	vpush v1, $0x6;
	[tilespmem:s9], [sflag:$0x2] =	stream.strided.gather [hbm4b:s8+s11], $0x800, s15, s11, $0x38;
	[tilespmem:$0x11300] =	vst v63  }
0x1b0: {  	s13 =	simm.s32 $0xD500;
	s10 =	spop (v2sf)  }
0x1b1: {  	(v2sf) =	vpush v2, $0x6;
	[tilespmem:s13], [sflag:$0x2] =	stream.strided.gather [hbm4b:s10+s11], $0x800, s15, s11, $0x38;
	[tilespmem:$0x11300] =	vst v63  }
0x1b2: {  	s17 =	simm.s32 $0x9D00;
	s14 =	spop (v2sf)  }
0x1b3: {  	(v2sf) =	vpush v1, $0x7;
	[tilespmem:s17], [sflag:$0x2] =	stream.strided.gather [hbm4b:s14+s11], $0x800, s15, s11, $0x38;
	[tilespmem:$0x11300] =	vst v63  }
0x1b4: {  	s19 =	simm.s32 $0xDD00;
	s18 =	spop (v2sf)  }
0x1b5: {  	(v2sf) =	vpush v2, $0x7;
	[tilespmem:s19], [sflag:$0x2] =	stream.strided.gather [hbm4b:s18+s11], $0x800, s15, s11, $0x38;
	[tilespmem:$0x11300] =	vst v63  }
0x1b6: {  	s29 =	simm.s32 $0xA500;
	s20 =	spop (v2sf)  }
0x1b7: {  	[tilespmem:s29], [sflag:$0x2] =	stream.strided.gather [hbm4b:s20+s11], $0x800, s15, s11, $0x38;
	[tilespmem:$0x11300] =	vst v63  }
0x1b8: {  	s2 =	simm.s32 $0xE500;
	s1 =	spop (v2sf)  }
0x1b9: {  	[tilespmem:s2], [sflag:$0x2] =	stream.strided.gather [hbm4b:s1+s11], $0x800, s15, s11, $0x38;
	[tilespmem:$0x11300] =	vst v63  }
0x1ba: {  	s4 =	simm.s32 $0xAD00;
	s3 =	spop (v2sf)  }
0x1bb: {  	[tilespmem:s4], [sflag:$0x2] =	stream.strided.gather [hbm4b:s3+s11], $0x800, s15, s11, $0x38;
	[tilespmem:$0x11300] =	vst v63  }
0x1bc: {  	s6 =	simm.s32 $0xED00;
	s5 =	spop (v2sf)  }
0x1bd: {  	[tilespmem:s6], [sflag:$0x2] =	stream.strided.gather [hbm4b:s5+s11], $0x800, s15, s11, $0x38;
	[tilespmem:$0x11300] =	vst v63  }
0x1be: {  	s8 =	simm.s32 $0xB500;
	s7 =	spop (v2sf)  }
0x1bf: {  	[tilespmem:s8], [sflag:$0x2] =	stream.strided.gather [hbm4b:s7+s11], $0x800, s15, s11, $0x38;
	[tilespmem:$0x11300] =	vst v63  }
0x1c0: {  	s10 =	simm.s32 $0xF500;
	s9 =	spop (v2sf)  }
0x1c1: {  	[tilespmem:s10], [sflag:$0x2] =	stream.strided.gather [hbm4b:s9+s11], $0x800, s15, s11, $0x38;
	[tilespmem:$0x11300] =	vst v63  }
0x1c2: {  	s14 =	simm.s32 $0xBD00;
	s13 =	spop (v2sf)  }
0x1c3: {  	[tilespmem:s14], [sflag:$0x2] =	stream.strided.gather [hbm4b:s13+s11], $0x800, s15, s11, $0x38;
	[tilespmem:$0x11300] =	vst v63  }
0x1c4: {  	s18 =	simm.s32 $0xFD00;
	s17 =	spop (v2sf)  }
0x1c5: {  	[tilespmem:s18], [sflag:$0x2] =	stream.strided.gather [hbm4b:s17+s11], $0x800, s15, s11, $0x38;
	[tilespmem:$0x11300] =	vst v63  }
0x1c6: {  	_ =	swait.ge [sflag:s24], $0x8000  }
0x1c7: {  	[sflag:s24] =	ssyncset.done $0x0  }
0x1c8: {  	s19 =	simm.s32 $0x0;
	[sflag:s24] =	ssyncadd.s32 $0xFFFF8000  }
0x1c9: {  	s2 =	simm.s32 $0x280;
	v1 =	vld.idx.msk [tilespmem:v42+s19+$0x0], $0xffff  }
0x1ca: {  	v2 =	vld.idx.msk [tilespmem:v42+s2+$0x0], $0xffff;
	_ =	sdelay $0x3  }
0x1cb: {  	v1 =	vand.u32 $0x7F, v1  }
0x1cc: {  	v2 =	vand.u32 $0x7F, v2;
	v3 =	vor.u32 v9, v1  }
0x1cd: {  	v52 =	vor.u32 v10, v2  }
0x1ce: {  	v53 =	vor.u32 v11, v1  }
0x1cf: {  	v54 =	vor.u32 v12, v2  }
0x1d0: {  	v55 =	vor.u32 v13, v1  }
0x1d1: {  	v56 =	vor.u32 v14, v2;
	v3 =	vld.idx.msk [tilespmem:v3+s16+$0x0], $0xffff  }
0x1d2: {  	v52 =	vld.idx.msk [tilespmem:v52+s16+$0x0], $0xffff  }
0x1d3: {  	v57 =	vor.u32 v15, v1;
	v53 =	vld.idx.msk [tilespmem:v53+s16+$0x0], $0xffff  }
0x1d4: {  	v58 =	vor.u32 v16, v2;
	v54 =	vld.idx.msk [tilespmem:v54+s16+$0x0], $0xffff  }
0x1d5: {  	v59 =	vor.u32 v17, v1;
	v55 =	vld.idx.msk [tilespmem:v55+s16+$0x0], $0xffff  }
0x1d6: {  	v60 =	vor.u32 v18, v2;
	v56 =	vld.idx.msk [tilespmem:v56+s16+$0x0], $0xffff  }
0x1d7: {  	v61 =	vor.u32 v19, v1  }
0x1d8: {  	v3 =	vmul.f32 v52, v3;
	v52 =	vld.idx.msk [tilespmem:v57+s16+$0x0], $0xffff;
	v57 =	vor.u32 v20, v2  }
0x1d9: {  	v62 =	vor.u32 v21, v1;
	v58 =	vld.idx.msk [tilespmem:v58+s16+$0x0], $0xffff  }
0x1da: {  	v53 =	vmul.f32 v54, v53;
	v54 =	vld.idx.msk [tilespmem:v59+s16+$0x0], $0xffff;
	v59 =	vor.u32 v22, v2;
	v3 =	vmul.f32 v3, v51  }
0x1db: {  	v1 =	vor.u32 v23, v1;
	v55 =	vmul.f32 v56, v55;
	v56 =	vld.idx.msk [tilespmem:v60+s16+$0x0], $0xffff  }
0x1dc: {  	v60 =	vld.idx.msk [tilespmem:v61+s16+$0x0], $0xffff;
	v2 =	vor.u32 v24, v2;
	v53 =	vmul.f32 v53, v50;
	v3 =	vadd.f32 $0.0e+00, v3  }
0x1dd: {  	v57 =	vld.idx.msk [tilespmem:v57+s16+$0x0], $0xffff  }
0x1de: {  	v61 =	vld.idx.msk [tilespmem:v62+s16+$0x0], $0xffff;
	v63 =	vmul.f32 v55, v49;
	v52 =	vmul.f32 v58, v52;
	v3 =	vadd.f32 v53, v3  }
0x1df: {  	v62 =	vld.idx.msk [tilespmem:v59+s16+$0x0], $0xffff  }
0x1e0: {  	v1 =	vld.idx.msk [tilespmem:v1+s16+$0x0], $0xffff;
	v52 =	vmul.f32 v52, v48;
	v3 =	vadd.f32 v63, v3;
	v63 =	vmul.f32 v56, v54  }
0x1e1: {  	v2 =	vld.idx.msk [tilespmem:v2+s16+$0x0], $0xffff  }
0x1e2: {  	v3 =	vadd.f32 v52, v3;
	v56 =	vmul.f32 v63, v47;
	v57 =	vmul.f32 v57, v60;
	_ =	sdelay $0x1  }
0x1e3: {  	v60 =	vmul.f32 v62, v61;
	v3 =	vadd.f32 v56, v3;
	v59 =	vmul.f32 v57, v46;
	_ =	sdelay $0x1  }
0x1e4: {  	v1 =	vmul.f32 v2, v1;
	v61 =	vmul.f32 v60, v45;
	v3 =	vadd.f32 v59, v3;
	_ =	sdelay $0x1  }
0x1e5: {  	v1 =	vmul.f32 v1, v43;
	v2 =	vadd.f32 v61, v3;
	_ =	sdelay $0x1  }
0x1e6: {  	v1 =	vadd.f32 v1, v2;
	_ =	sdelay $0x1  }
0x1e7: {  	v2 =	vadd.f32 v1, v44;
	_ =	sdelay $0x1  }
0x1e8: {  	[tilespmem:v42+s25+$0x0] =	vst.idx.msk $0xff, v2  }
0x1e9: {  	[tilespmem:v42+s25+$0x0] =	vst.idx.add.f32.msk vm0, v1  }
0x1ea: {  	_ =	swait.ge [sflag:s26], $0x8000  }
0x1eb: {  	[sflag:s26] =	ssyncset.done $0x0  }
0x1ec: {  	[sflag:s26] =	ssyncadd.s32 $0xFFFF8000  }
0x1ed: {  	v1 =	vld.idx.msk [tilespmem:v38+s19+$0x0], $0xffff  }
0x1ee: {  	v2 =	vld.idx.msk [tilespmem:v38+s2+$0x0], $0xffff;
	_ =	sdelay $0x3  }
0x1ef: {  	v1 =	vand.u32 $0x7F, v1  }
0x1f0: {  	v2 =	vand.u32 $0x7F, v2;
	v3 =	vor.u32 v25, v1  }
0x1f1: {  	v62 =	vor.u32 v26, v2  }
0x1f2: {  	v63 =	vor.u32 v27, v1  }
0x1f3: {  	v60 =	vor.u32 v28, v2;
	_ =	sdelay $0x1  }
0x1f4: {  	v61 =	vor.u32 v29, v1;
	v3 =	vld.idx.msk [tilespmem:v3+s16+$0x0], $0xffff  }
0x1f5: {  	v56 =	vor.u32 v30, v2;
	v52 =	vld.idx.msk [tilespmem:v62+s16+$0x0], $0xffff  }
0x1f6: {  	v57 =	vor.u32 v31, v1;
	v53 =	vld.idx.msk [tilespmem:v63+s16+$0x0], $0xffff  }
0x1f7: {  	v58 =	vor.u32 v32, v2;
	v54 =	vld.idx.msk [tilespmem:v60+s16+$0x0], $0xffff  }
0x1f8: {  	v59 =	vor.u32 v33, v1  }
0x1f9: {  	v55 =	vld.idx.msk [tilespmem:v61+s16+$0x0], $0xffff;
	v60 =	vor.u32 v34, v2  }
0x1fa: {  	v56 =	vld.idx.msk [tilespmem:v56+s16+$0x0], $0xffff;
	v61 =	vor.u32 v35, v1  }
0x1fb: {  	v3 =	vmul.f32 v52, v3;
	v52 =	vld.idx.msk [tilespmem:v57+s16+$0x0], $0xffff;
	v57 =	vor.u32 v36, v2  }
0x1fc: {  	v62 =	vor.u32 v37, v1;
	v53 =	vmul.f32 v54, v53;
	v54 =	vld.idx.msk [tilespmem:v58+s16+$0x0], $0xffff  }
0x1fd: {  	v3 =	vmul.f32 v3, v51;
	v51 =	vld.idx.msk [tilespmem:v59+s16+$0x0], $0xffff;
	v59 =	vor.u32 v39, v2  }
0x1fe: {  	v1 =	vor.u32 v40, v1;
	v63 =	vmul.f32 v53, v50;
	v53 =	vld.idx.msk [tilespmem:v60+s16+$0x0], $0xffff  }
0x1ff: {  	v55 =	vmul.f32 v56, v55;
	v56 =	vld.idx.msk [tilespmem:v61+s16+$0x0], $0xffff;
	v2 =	vor.u32 v41, v2;
	v3 =	vadd.f32 $0.0e+00, v3  }
0x200: {  	v57 =	vld.idx.msk [tilespmem:v57+s16+$0x0], $0xffff  }
0x201: {  	v62 =	vld.idx.msk [tilespmem:v62+s16+$0x0], $0xffff;
	v60 =	vmul.f32 v55, v49;
	v61 =	vmul.f32 v54, v52;
	v3 =	vadd.f32 v63, v3  }
0x202: {  	v63 =	vld.idx.msk [tilespmem:v59+s16+$0x0], $0xffff  }
0x203: {  	v1 =	vld.idx.msk [tilespmem:v1+s16+$0x0], $0xffff;
	v55 =	vmul.f32 v61, v48;
	v58 =	vmul.f32 v53, v51;
	v3 =	vadd.f32 v60, v3  }
0x204: {  	v2 =	vld.idx.msk [tilespmem:v2+s16+$0x0], $0xffff  }
0x205: {  	v59 =	vmul.f32 v58, v47;
	v3 =	vadd.f32 v55, v3;
	v60 =	vmul.f32 v57, v56;
	_ =	sdelay $0x1  }
0x206: {  	v3 =	vadd.f32 v59, v3;
	v61 =	vmul.f32 v60, v46;
	v62 =	vmul.f32 v63, v62;
	_ =	sdelay $0x1  }
0x207: {  	v1 =	vmul.f32 v2, v1;
	v3 =	vadd.f32 v61, v3;
	v63 =	vmul.f32 v62, v45;
	_ =	sdelay $0x1  }
0x208: {  	v1 =	vmul.f32 v1, v43;
	v2 =	vadd.f32 v63, v3;
	_ =	sdelay $0x1  }
0x209: {  	v1 =	vadd.f32 v1, v2;
	_ =	sdelay $0x1  }
0x20a: {  	v2 =	vadd.f32 v1, v44;
	_ =	sdelay $0x1  }
0x20b: {  	[tilespmem:v38+s25+$0x0] =	vst.idx.msk $0xff, v2  }
0x20c: {  	s30 =	simm.s32 $0x3;
	s20 =	rddreg [dreg:$0x8];
	[tilespmem:v38+s25+$0x0] =	vst.idx.add.f32.msk vm0, v1  }
0x20d: {  	[hbm4b:s20+s19] =	stream.linear.scatter [tilespmem:s25], [sflag:$0x3], $0x200, $0x38;
	[tilespmem:$0x11300] =	vst v63  }
0x20e: {  	_ =	swait.ge [sflag:s30], $0x200  }
0x20f: {  	s28 =	rddreg [dreg:$0xa]  }
0x210: {  	s1 =	simm.s32 $0x280;
	s29 =	rddreg [dreg:$0x9];
	s0 =	sadd.s32 $0x1, s28  }
0x211: {  	s3 =	simm.s32 $0x4500;
	s5 =	simm.s32 $0x4D00;
	p0 =	sne.s32 s0, s29  }
.Ltmp1:
0x212: {  	s6 =	simm.s32 $0x1500;
	s7 =	simm.s32 $0x1D00;
	(pc) =	sbr.rel @p0 .LBB2_1-.Ltmp1, $4  }
0x213: {  	s8 =	simm.s32 $0x5D00;
	s10 =	simm.s32 $0x5500;
	s9 =	simm.s32 $0x2500  }
0x214: {  	s14 =	simm.s32 $0x6500;
	s13 =	simm.s32 $0x2D00;
	s17 =	simm.s32 $0x6D00  }
0x215: {  	s18 =	simm.s32 $0x3500;
	s2 =	simm.s32 $0xD00;
	[sflag:s30] =	ssyncset.done $0x0  }
0x216: {  	s19 =	simm.s32 $0x7500;
	s20 =	simm.s32 $0x3D00;
	[sflag:s30] =	ssyncadd.s32 $0xFFFFFE00  }
0x217: {  	_ =	sfence.sel $0x180000  }
0x218: {  	[bflag:$0x0] =	sbarrier.arrive $0xFFFF  }
0x219: {  	_ =	strace $0x90000047  }
0x21a: {  	s0 =	stileid.u32;
	[bflag:$0x2] =	sbarrier.arrive $0xFFFF  }
0x21b: {  	p0 =	sne.s32 s0, $0x0;
	s0 =	rddreg [dreg:$0x4]  }
0x21c: {  	s0 =	sadd.s32 @!p0 $0x100000, s0  }
0x21d: {  	[sflag:s0] =	ssyncadd.tile.s32 @!p0 $0x1;
	_ =	shalt  }
.Lfunc_end2:
_tile_overlayer_lowered:
.L_overlay_start_2:
0x21e: {  	(tag) =	ssettag $0x2  }
0x21f: {  	s0 =	rddreg [dreg:$0x0];
	s2 =	stileid.u32  }
0x220: {  	s1 =	rddreg [dreg:$0x1];
	p0 =	sne.s32 s2, $0x0  }
0x221: {  	s3 =	rddreg [dreg:$0x2];
	[bflag:$0x3] =	sbarrier.arrive $0xFFFF;
	s2 =	simm.s32 @!p0 $0x1C03  }
0x222: {  	[timem:s3], [sflag:s2] =	dma.local @!p0 [hbm:s0], s1  }
0x223: {  	s0 =	simm.s32 @!p0 $0x3  }
0x224: {  	_ =	swait.ge @!p0 [sflag:s0], s1  }
0x225: {  	s1 =	ssub.s32 @!p0 $0x0, s1;
	[sflag:s0] =	ssyncset.done @!p0 $0x0  }
0x226: {  	[sflag:s0] =	ssyncadd.s32 @!p0 s1  }
0x227: {  	[bflag:$0x3] =	sbarrier.arrive $0xFFFF  }
0x228: {  	_ =	shalt  }

</sc_bundles>
